<compile_context>
chip_gen: v7x
topology: tpu7x:2x2x1
jax: 0.10.2.dev20260603
libtpu: 0.0.44.dev20260713+nightly
codegen_flags: <defaults>
</compile_context>

<pallas_src>
import jax
import jax.numpy as jnp
from jax import lax
from jax.experimental import pallas as pl
from jax.experimental.pallas import tpu as pltpu
from jax.experimental.pallas import tpu_sc as plsc

S, V, D, B, L = 26, 100000, 32, 4096, 20

NC, NS = 2, 16
NW = NC * NS
BPW = B // NW
CHUNK = 128
NCHUNK = BPW * L // CHUNK
HCHUNK = NCHUNK // 2
HB = BPW // 2
HROWS = HB * L
NPHASE = 2 * S


def _tree_sum(terms):
    while len(terms) > 1:
        nxt = [terms[i] + terms[i + 1] for i in range(0, len(terms) - 1, 2)]
        if len(terms) % 2:
            nxt.append(terms[-1])
        terms = nxt
    return terms[0]


def _sc_pool_kernel(tab_ref, idx_ref, out_ref, idx_v, rows_v, out_v,
                    semg0, semg1, semi, SG=S):
    wid = lax.axis_index("s") * NC + lax.axis_index("c")
    base = wid * BPW

    def fire_half(sq, hq_static, rbuf, sem):
        ibuf = sq % 2
        for c in range(HCHUNK):
            row = hq_static * HCHUNK + c
            pltpu.make_async_copy(
                tab_ref.at[sq].at[idx_v.at[ibuf, row]],
                rows_v.at[rbuf, pl.ds(c * CHUNK, CHUNK)],
                sem,
            ).start()

    def drain_half(rbuf, sem):
        for c in range(HCHUNK):
            pltpu.make_async_copy(
                tab_ref.at[0].at[idx_v.at[0, 0]],
                rows_v.at[rbuf, pl.ds(c * CHUNK, CHUNK)],
                sem,
            ).wait()

    def pool_half(rbuf, hq_static):
        obase = hq_static * HB

        def pool2(i, _):
            for k in range(2):
                b = i * 2 + k
                r0 = b * L
                lo = _tree_sum([rows_v[rbuf, r0 + r, pl.ds(0, 16)]
                                for r in range(L)])
                hi = _tree_sum([rows_v[rbuf, r0 + r, pl.ds(16, 16)]
                                for r in range(L)])
                out_v[obase + b, pl.ds(0, 16)] = lo
                out_v[obase + b, pl.ds(16, 16)] = hi
            return 0

        lax.fori_loop(0, HB // 2, pool2, 0)

    pltpu.sync_copy(idx_ref.at[0, wid], idx_v.at[0])
    fire_half(jnp.int32(0), 0, 0, semg0)

    def phase_body(p, _):
        s = p // 2
        h = p % 2

        @pl.when(h == 0)
        def _():
            @pl.when(s + 1 < SG)
            def _():
                pltpu.make_async_copy(
                    idx_ref.at[s + 1, wid], idx_v.at[(s + 1) % 2], semi,
                ).start()

            fire_half(s, 1, 1, semg1)
            drain_half(0, semg0)
            pool_half(0, 0)

        @pl.when(h == 1)
        def _():
            @pl.when(s + 1 < SG)
            def _():
                pltpu.make_async_copy(
                    idx_ref.at[s + 1, wid], idx_v.at[(s + 1) % 2], semi,
                ).wait()
                fire_half(s + 1, 0, 0, semg0)

            drain_half(1, semg1)
            pool_half(1, 1)
            pltpu.sync_copy(out_v, out_ref.at[s, pl.ds(base, BPW)])

        return 0

    lax.fori_loop(0, 2 * SG, phase_body, 0)


@jax.jit
def _sc_pool(tables, idx4):
    import functools as _ft
    sg = tables.shape[0]
    mesh = plsc.VectorSubcoreMesh(core_axis_name="c", subcore_axis_name="s")
    return pl.kernel(
        _ft.partial(_sc_pool_kernel, SG=sg),
        out_type=jax.ShapeDtypeStruct((sg, B, D), jnp.float32),
        mesh=mesh,
        scratch_types=[
            pltpu.VMEM((2, NCHUNK, CHUNK), jnp.int32),
            pltpu.VMEM((2, HROWS, D), jnp.float32),
            pltpu.VMEM((BPW, D), jnp.float32),
            pltpu.SemaphoreType.DMA,
            pltpu.SemaphoreType.DMA,
            pltpu.SemaphoreType.DMA,
        ],
        compiler_params=pltpu.CompilerParams(use_tc_tiling_on_sc=False),
    )(tables, idx4)


def _mlp_kernel(x_ref, w1_ref, b1_ref, w2_ref, b2_ref, w3_ref, b3_ref,
                w4_ref, b4_ref, wo_ref, bo_ref, o_ref):
    x = x_ref[...]
    w1 = w1_ref[...]
    h = jnp.dot(x[0], w1[0], preferred_element_type=jnp.float32)
    for s in range(1, S):
        h = h + jnp.dot(x[s], w1[s], preferred_element_type=jnp.float32)
    h = jnp.maximum(h + b1_ref[...], 0.0)
    h = jnp.maximum(jnp.dot(h, w2_ref[...], preferred_element_type=jnp.float32)
                    + b2_ref[...], 0.0)
    h = jnp.maximum(jnp.dot(h, w3_ref[...], preferred_element_type=jnp.float32)
                    + b3_ref[...], 0.0)
    h = jnp.maximum(jnp.dot(h, w4_ref[...], preferred_element_type=jnp.float32)
                    + b4_ref[...], 0.0)
    y = jnp.dot(h, wo_ref[...], preferred_element_type=jnp.float32) + bo_ref[...]
    o_ref[...] = jax.nn.sigmoid(y)


def _mlp(pooled, w1r, b1, w2, b2, w3, b3, w4, b4, wo, bo, bm=512):
    grid = (B // bm,)
    full = lambda shape: pl.BlockSpec(shape, lambda i: tuple(0 for _ in shape))
    return pl.pallas_call(
        _mlp_kernel,
        grid=grid,
        in_specs=[
            pl.BlockSpec((S, bm, D), lambda i: (0, i, 0)),
            full(w1r.shape), full(b1.shape),
            full(w2.shape), full(b2.shape),
            full(w3.shape), full(b3.shape),
            full(w4.shape), full(b4.shape),
            full(wo.shape), full(bo.shape),
        ],
        out_specs=pl.BlockSpec((bm, 1), lambda i: (i, 0)),
        out_shape=jax.ShapeDtypeStruct((B, 1), jnp.float32),
    )(pooled, w1r, b1, w2, b2, w3, b3, w4, b4, wo, bo)


def kernel(indices, tables, W1, b1, W2, b2, W3, b3, W4, b4, Wo, bo):
    idx4 = indices.astype(jnp.int32).reshape(S, NW, NCHUNK, CHUNK)
    pooled = _sc_pool(tables, idx4)
    w1r = (W1 * (1.0 / L)).reshape(S, D, 256)
    return _mlp(pooled, w1r, b1.reshape(1, 256), W2, b2.reshape(1, 256),
                W3, b3.reshape(1, 128), W4, b4.reshape(1, 128),
                Wo, bo.reshape(1, 1))

# --- scband reference (transcript-rebuilt; emitter-appended) ---
"""Pipeline reference for scband-slot-dnn-rank-19052474925552 (READ-ONLY COPY).

The authoritative reference and input builder live on the scoring server;
editing this copy changes nothing except your own understanding.
"""

import jax, jax.numpy as jnp
import numpy as np

S, V, D, B, L = 26, 100000, 32, 4096, 20


def _linear_params(k, fan_in, fan_out):
    kw, kb = jax.random.split(k)
    W = jax.random.normal(kw, (fan_in, fan_out), dtype=jnp.float32) / np.sqrt(fan_in)
    b = jnp.zeros((fan_out,), dtype=jnp.float32)
    return W, b


def setup_inputs(seed: int = 0) -> dict:
    key = jax.random.key(seed)
    k_idx, k_tab, k1, k2, k3, k4, k5 = jax.random.split(key, 7)
    # multi-hot sparse feature ids per slot: [S, B, L]; torch EmbeddingBag
    # equivalent with offsets = arange(B) * L (uniform bag length L)
    indices = jax.random.randint(k_idx, (S, B, L), 0, V, dtype=jnp.int64)
    # per-slot embedding tables stacked: [S, V, D]
    tables = jax.random.normal(k_tab, (S, V, D), dtype=jnp.float32) * 0.01
    W1, b1 = _linear_params(k1, S * D, 256)
    W2, b2 = _linear_params(k2, 256, 256)
    W3, b3 = _linear_params(k3, 256, 128)
    W4, b4 = _linear_params(k4, 128, 128)
    Wo, bo = _linear_params(k5, 128, 1)
    return {"indices": indices, "tables": tables,
            "W1": W1, "b1": b1, "W2": W2, "b2": b2,
            "W3": W3, "b3": b3, "W4": W4, "b4": b4,
            "Wo": Wo, "bo": bo}


def reference(indices, tables, W1, b1, W2, b2, W3, b3, W4, b4, Wo, bo):
    # per-slot EmbeddingBag(mode='mean'): gather then mean over bag length
    gathered = jax.vmap(lambda t, i: jnp.take(t, i, axis=0))(tables, indices)  # [S, B, L, D]
    pooled = jnp.mean(gathered, axis=2)  # [S, B, D]
    # torch.cat(x_emb, 1): concat slot embeddings along feature dim -> [B, S*D]
    x = jnp.transpose(pooled, (1, 0, 2)).reshape(B, S * D)
    x = jax.nn.relu(x @ W1 + b1)
    x = jax.nn.relu(x @ W2 + b2)
    x = jax.nn.relu(x @ W3 + b3)
    x = jax.nn.relu(x @ W4 + b4)
    y = jax.nn.sigmoid(x @ Wo + bo)
    return y

if __name__ == "__main__":
    import jax
    _d = setup_inputs()
    print(jax.jit(kernel)(*tuple(_d.values())))

</pallas_src>

<mosaic_0001>
#map = affine_map<(d0, d1) -> (0, 0, 0)>
#map1 = affine_map<(d0, d1) -> (0, 0, 0, 0)>
module attributes {stable_mosaic.version = 14 : i64} {
  func.func @_sc_pool_kernel(%arg0: i32, %arg1: i32, %arg2: memref<26x100000x32xf32, #tpu.memory_space<hbm>>, %arg3: memref<26x32x20x128xi32, #tpu.memory_space<hbm>>, %arg4: memref<26x4096x32xf32, #tpu.memory_space<hbm>>, %arg5: memref<2x20x128xi32, #tpu.memory_space<vmem>>, %arg6: memref<2x1280x32xf32, #tpu.memory_space<vmem>>, %arg7: memref<128x32xf32, #tpu.memory_space<vmem>>, %arg8: memref<!tpu.dma_semaphore, #tpu.memory_space<semaphore_mem>>, %arg9: memref<!tpu.dma_semaphore, #tpu.memory_space<semaphore_mem>>, %arg10: memref<!tpu.dma_semaphore, #tpu.memory_space<semaphore_mem>>) attributes {dimension_semantics = [#tpu.dimension_semantics<core_parallel>, #tpu.dimension_semantics<subcore_parallel>], iteration_bounds = array<i64: 2, 16>, scalar_prefetch = 0 : i64, scratch_operands = 6 : i64, tpu.core_type = #tpu.core_type<sc_vector_subcore>, window_params = [{transform_indices = #map}, {transform_indices = #map1}, {transform_indices = #map}]} {
    %mul3A = arith.constant 2 : i32
    %mul3A_0 = arith.muli %arg1, %mul3A : i32
    %add3A = arith.addi %mul3A_0, %arg0 : i32
    %mul3A_1 = arith.constant 128 : i32
    %mul3A_2 = arith.muli %add3A, %mul3A_1 : i32
    %run_scoped3A = arith.constant 0 : i32
    %run_scoped3A_3 = arith.constant 0 : i32
    "tpu.region"() ({
      %run_scoped3A_189 = tpu.sem_alloc : memref<!tpu.dma_semaphore, #tpu.memory_space<semaphore_mem>>
      %dma_start3A_190 = arith.constant 0 : i32
      %dma_start3A_191 = arith.constant 0 : i32
      %dma_start3A_192 = tpu.memref_slice %arg5[%run_scoped3A_3, %dma_start3A_190, %dma_start3A_191] : memref<2x20x128xi32, #tpu.memory_space<vmem>> -> memref<1x20x128xi32, #tpu.memory_space<vmem>>
      %dma_start3A_193 = tpu.memref_squeeze %dma_start3A_192 : memref<1x20x128xi32, #tpu.memory_space<vmem>> -> memref<20x128xi32, #tpu.memory_space<vmem>>
      %dma_start3A_194 = arith.constant 0 : i32
      %dma_start3A_195 = arith.constant 0 : i32
      %dma_start3A_196 = tpu.memref_slice %arg3[%run_scoped3A, %add3A, %dma_start3A_194, %dma_start3A_195] : memref<26x32x20x128xi32, #tpu.memory_space<hbm>> -> memref<1x1x20x128xi32, #tpu.memory_space<hbm>>
      %dma_start3A_197 = tpu.memref_squeeze %dma_start3A_196 : memref<1x1x20x128xi32, #tpu.memory_space<hbm>> -> memref<20x128xi32, #tpu.memory_space<hbm>>
      %dma_start3A_198 = arith.constant 0 : i32
      %dma_start3A_199 = arith.constant 0 : i32
      %dma_start3A_200 = tpu.memref_slice %arg5[%run_scoped3A_3, %dma_start3A_198, %dma_start3A_199] : memref<2x20x128xi32, #tpu.memory_space<vmem>> -> memref<1x20x128xi32, #tpu.memory_space<vmem>>
      %dma_start3A_201 = tpu.memref_squeeze %dma_start3A_200 : memref<1x20x128xi32, #tpu.memory_space<vmem>> -> memref<20x128xi32, #tpu.memory_space<vmem>>
      %dma_start3A_202 = arith.constant 0 : i32
      %dma_start3A_203 = arith.constant 0 : i32
      %dma_start3A_204 = tpu.memref_slice %arg3[%run_scoped3A, %add3A, %dma_start3A_202, %dma_start3A_203] : memref<26x32x20x128xi32, #tpu.memory_space<hbm>> -> memref<1x1x20x128xi32, #tpu.memory_space<hbm>>
      %dma_start3A_205 = tpu.memref_squeeze %dma_start3A_204 : memref<1x1x20x128xi32, #tpu.memory_space<hbm>> -> memref<20x128xi32, #tpu.memory_space<hbm>>
      tpu.enqueue_dma source(%dma_start3A_205 : memref<20x128xi32, #tpu.memory_space<hbm>>) target(%dma_start3A_201 : memref<20x128xi32, #tpu.memory_space<vmem>>) target_semaphore(%run_scoped3A_189 : memref<!tpu.dma_semaphore, #tpu.memory_space<semaphore_mem>>)
      %dma_wait3A = arith.constant 0 : i32
      %dma_wait3A_206 = arith.constant 0 : i32
      %dma_wait3A_207 = tpu.memref_slice %arg5[%run_scoped3A_3, %dma_wait3A, %dma_wait3A_206] : memref<2x20x128xi32, #tpu.memory_space<vmem>> -> memref<1x20x128xi32, #tpu.memory_space<vmem>>
      %dma_wait3A_208 = tpu.memref_squeeze %dma_wait3A_207 : memref<1x20x128xi32, #tpu.memory_space<vmem>> -> memref<20x128xi32, #tpu.memory_space<vmem>>
      %dma_wait3A_209 = arith.constant 0 : i32
      %dma_wait3A_210 = arith.constant 0 : i32
      %dma_wait3A_211 = tpu.memref_slice %arg3[%run_scoped3A, %add3A, %dma_wait3A_209, %dma_wait3A_210] : memref<26x32x20x128xi32, #tpu.memory_space<hbm>> -> memref<1x1x20x128xi32, #tpu.memory_space<hbm>>
      %dma_wait3A_212 = tpu.memref_squeeze %dma_wait3A_211 : memref<1x1x20x128xi32, #tpu.memory_space<hbm>> -> memref<20x128xi32, #tpu.memory_space<hbm>>
      %dma_wait3A_213 = arith.constant 0 : i32
      %dma_wait3A_214 = arith.constant 0 : i32
      %dma_wait3A_215 = tpu.memref_slice %arg5[%run_scoped3A_3, %dma_wait3A_213, %dma_wait3A_214] : memref<2x20x128xi32, #tpu.memory_space<vmem>> -> memref<1x20x128xi32, #tpu.memory_space<vmem>>
      %dma_wait3A_216 = tpu.memref_squeeze %dma_wait3A_215 : memref<1x20x128xi32, #tpu.memory_space<vmem>> -> memref<20x128xi32, #tpu.memory_space<vmem>>
      %dma_wait3A_217 = arith.constant 0 : i32
      %dma_wait3A_218 = arith.constant 0 : i32
      %dma_wait3A_219 = tpu.memref_slice %arg3[%run_scoped3A, %add3A, %dma_wait3A_217, %dma_wait3A_218] : memref<26x32x20x128xi32, #tpu.memory_space<hbm>> -> memref<1x1x20x128xi32, #tpu.memory_space<hbm>>
      %dma_wait3A_220 = tpu.memref_squeeze %dma_wait3A_219 : memref<1x1x20x128xi32, #tpu.memory_space<hbm>> -> memref<20x128xi32, #tpu.memory_space<hbm>>
      tpu.wait_dma2 semaphore(%run_scoped3A_189 : memref<!tpu.dma_semaphore, #tpu.memory_space<semaphore_mem>>) src(%dma_wait3A_220 : memref<20x128xi32, #tpu.memory_space<hbm>>) dst(%dma_wait3A_216 : memref<20x128xi32, #tpu.memory_space<vmem>>)
      tpu.yield
    }) : () -> ()
    %jit3A = arith.constant 0 : i32
    %jit3A_4 = arith.constant 2 : i32
    %eq3A = arith.constant 0 : i32
    %eq3A_5 = arith.cmpi eq, %jit3A_4, %eq3A : i32
    %jit3A_6 = arith.constant 1 : i32
    %select_n3A = arith.select %eq3A_5, %jit3A_6, %jit3A_4 : i32
    %rem3A = arith.remsi %jit3A, %select_n3A : i32
    %ne3A = arith.constant 0 : i32
    %ne3A_7 = arith.cmpi ne, %rem3A, %ne3A : i32
    %lt3A = arith.constant 0 : i32
    %lt3A_8 = arith.cmpi slt, %rem3A, %lt3A : i32
    %lt3A_9 = arith.constant 0 : i32
    %lt3A_10 = arith.cmpi slt, %select_n3A, %lt3A_9 : i32
    %ne3A_11 = arith.xori %lt3A_8, %lt3A_10 : i1
    %and3A = arith.andi %ne3A_11, %ne3A_7 : i1
    %add3A_12 = arith.addi %rem3A, %select_n3A : i32
    %select_n3A_13 = arith.select %and3A, %add3A_12, %rem3A : i32
    %dma_start3A = arith.constant 0 : i32
    %dma_start3A_14 = arith.constant 0 : i32
    %dma_start3A_15 = arith.constant 0 : i32
    %dma_start3A_16 = arith.constant 0 : i32
    %dma_start3A_17 = arith.constant 0 : i32
    %dma_start3A_18 = tpu.memref_slice %arg6[%dma_start3A_15, %dma_start3A_16, %dma_start3A_17] : memref<2x1280x32xf32, #tpu.memory_space<vmem>> -> memref<1x128x32xf32, #tpu.memory_space<vmem>>
    %dma_start3A_19 = tpu.memref_squeeze %dma_start3A_18 : memref<1x128x32xf32, #tpu.memory_space<vmem>> -> memref<128x32xf32, #tpu.memory_space<vmem>>
    %dma_start3A_20 = arith.constant 0 : i32
    %dma_start3A_21 = tpu.memref_slice %arg5[%select_n3A_13, %dma_start3A_14, %dma_start3A_20] : memref<2x20x128xi32, #tpu.memory_space<vmem>> -> memref<1x1x128xi32, #tpu.memory_space<vmem>>
    %dma_start3A_22 = tpu.memref_squeeze %dma_start3A_21 : memref<1x1x128xi32, #tpu.memory_space<vmem>> -> memref<128xi32, #tpu.memory_space<vmem>>
    %dma_start3A_23 = arith.constant 0 : i32
    %dma_start3A_24 = arith.constant 0 : i32
    %dma_start3A_25 = tpu.memref_slice %arg2[%dma_start3A, %dma_start3A_23, %dma_start3A_24] : memref<26x100000x32xf32, #tpu.memory_space<hbm>> -> memref<1x100000x32xf32, #tpu.memory_space<hbm>>
    %dma_start3A_26 = tpu.memref_squeeze %dma_start3A_25 : memref<1x100000x32xf32, #tpu.memory_space<hbm>> -> memref<100000x32xf32, #tpu.memory_space<hbm>>
    %dma_start3A_27 = arith.constant 0 : i32
    %dma_start3A_28 = arith.constant 0 : i32
    %dma_start3A_29 = tpu.memref_slice %dma_start3A_26[%dma_start3A_27, %dma_start3A_28] : memref<100000x32xf32, #tpu.memory_space<hbm>> -> memref<100000x32xf32, #tpu.memory_space<hbm>>
    tpu.enqueue_indirect_dma source(%dma_start3A_29 : memref<100000x32xf32, #tpu.memory_space<hbm>>) target(%dma_start3A_19 : memref<128x32xf32, #tpu.memory_space<vmem>>) offsets(%dma_start3A_22 : memref<128xi32, #tpu.memory_space<vmem>>) semaphore(%arg8 : memref<!tpu.dma_semaphore, #tpu.memory_space<semaphore_mem>>)
    %dma_start3A_30 = arith.constant 0 : i32
    %dma_start3A_31 = arith.constant 1 : i32
    %dma_start3A_32 = arith.constant 0 : i32
    %dma_start3A_33 = arith.constant 128 : i32
    %dma_start3A_34 = arith.constant 0 : i32
    %dma_start3A_35 = tpu.memref_slice %arg6[%dma_start3A_32, %dma_start3A_33, %dma_start3A_34] : memref<2x1280x32xf32, #tpu.memory_space<vmem>> -> memref<1x128x32xf32, #tpu.memory_space<vmem>>
    %dma_start3A_36 = tpu.memref_squeeze %dma_start3A_35 : memref<1x128x32xf32, #tpu.memory_space<vmem>> -> memref<128x32xf32, #tpu.memory_space<vmem>>
    %dma_start3A_37 = arith.constant 0 : i32
    %dma_start3A_38 = tpu.memref_slice %arg5[%select_n3A_13, %dma_start3A_31, %dma_start3A_37] : memref<2x20x128xi32, #tpu.memory_space<vmem>> -> memref<1x1x128xi32, #tpu.memory_space<vmem>>
    %dma_start3A_39 = tpu.memref_squeeze %dma_start3A_38 : memref<1x1x128xi32, #tpu.memory_space<vmem>> -> memref<128xi32, #tpu.memory_space<vmem>>
    %dma_start3A_40 = arith.constant 0 : i32
    %dma_start3A_41 = arith.constant 0 : i32
    %dma_start3A_42 = tpu.memref_slice %arg2[%dma_start3A_30, %dma_start3A_40, %dma_start3A_41] : memref<26x100000x32xf32, #tpu.memory_space<hbm>> -> memref<1x100000x32xf32, #tpu.memory_space<hbm>>
    %dma_start3A_43 = tpu.memref_squeeze %dma_start3A_42 : memref<1x100000x32xf32, #tpu.memory_space<hbm>> -> memref<100000x32xf32, #tpu.memory_space<hbm>>
    %dma_start3A_44 = arith.constant 0 : i32
    %dma_start3A_45 = arith.constant 0 : i32
    %dma_start3A_46 = tpu.memref_slice %dma_start3A_43[%dma_start3A_44, %dma_start3A_45] : memref<100000x32xf32, #tpu.memory_space<hbm>> -> memref<100000x32xf32, #tpu.memory_space<hbm>>
    tpu.enqueue_indirect_dma source(%dma_start3A_46 : memref<100000x32xf32, #tpu.memory_space<hbm>>) target(%dma_start3A_36 : memref<128x32xf32, #tpu.memory_space<vmem>>) offsets(%dma_start3A_39 : memref<128xi32, #tpu.memory_space<vmem>>) semaphore(%arg8 : memref<!tpu.dma_semaphore, #tpu.memory_space<semaphore_mem>>)
    %dma_start3A_47 = arith.constant 0 : i32
    %dma_start3A_48 = arith.constant 2 : i32
    %dma_start3A_49 = arith.constant 0 : i32
    %dma_start3A_50 = arith.constant 256 : i32
    %dma_start3A_51 = arith.constant 0 : i32
    %dma_start3A_52 = tpu.memref_slice %arg6[%dma_start3A_49, %dma_start3A_50, %dma_start3A_51] : memref<2x1280x32xf32, #tpu.memory_space<vmem>> -> memref<1x128x32xf32, #tpu.memory_space<vmem>>
    %dma_start3A_53 = tpu.memref_squeeze %dma_start3A_52 : memref<1x128x32xf32, #tpu.memory_space<vmem>> -> memref<128x32xf32, #tpu.memory_space<vmem>>
    %dma_start3A_54 = arith.constant 0 : i32
    %dma_start3A_55 = tpu.memref_slice %arg5[%select_n3A_13, %dma_start3A_48, %dma_start3A_54] : memref<2x20x128xi32, #tpu.memory_space<vmem>> -> memref<1x1x128xi32, #tpu.memory_space<vmem>>
    %dma_start3A_56 = tpu.memref_squeeze %dma_start3A_55 : memref<1x1x128xi32, #tpu.memory_space<vmem>> -> memref<128xi32, #tpu.memory_space<vmem>>
    %dma_start3A_57 = arith.constant 0 : i32
    %dma_start3A_58 = arith.constant 0 : i32
    %dma_start3A_59 = tpu.memref_slice %arg2[%dma_start3A_47, %dma_start3A_57, %dma_start3A_58] : memref<26x100000x32xf32, #tpu.memory_space<hbm>> -> memref<1x100000x32xf32, #tpu.memory_space<hbm>>
    %dma_start3A_60 = tpu.memref_squeeze %dma_start3A_59 : memref<1x100000x32xf32, #tpu.memory_space<hbm>> -> memref<100000x32xf32, #tpu.memory_space<hbm>>
    %dma_start3A_61 = arith.constant 0 : i32
    %dma_start3A_62 = arith.constant 0 : i32
    %dma_start3A_63 = tpu.memref_slice %dma_start3A_60[%dma_start3A_61, %dma_start3A_62] : memref<100000x32xf32, #tpu.memory_space<hbm>> -> memref<100000x32xf32, #tpu.memory_space<hbm>>
    tpu.enqueue_indirect_dma source(%dma_start3A_63 : memref<100000x32xf32, #tpu.memory_space<hbm>>) target(%dma_start3A_53 : memref<128x32xf32, #tpu.memory_space<vmem>>) offsets(%dma_start3A_56 : memref<128xi32, #tpu.memory_space<vmem>>) semaphore(%arg8 : memref<!tpu.dma_semaphore, #tpu.memory_space<semaphore_mem>>)
    %dma_start3A_64 = arith.constant 0 : i32
    %dma_start3A_65 = arith.constant 3 : i32
    %dma_start3A_66 = arith.constant 0 : i32
    %dma_start3A_67 = arith.constant 384 : i32
    %dma_start3A_68 = arith.constant 0 : i32
    %dma_start3A_69 = tpu.memref_slice %arg6[%dma_start3A_66, %dma_start3A_67, %dma_start3A_68] : memref<2x1280x32xf32, #tpu.memory_space<vmem>> -> memref<1x128x32xf32, #tpu.memory_space<vmem>>
    %dma_start3A_70 = tpu.memref_squeeze %dma_start3A_69 : memref<1x128x32xf32, #tpu.memory_space<vmem>> -> memref<128x32xf32, #tpu.memory_space<vmem>>
    %dma_start3A_71 = arith.constant 0 : i32
    %dma_start3A_72 = tpu.memref_slice %arg5[%select_n3A_13, %dma_start3A_65, %dma_start3A_71] : memref<2x20x128xi32, #tpu.memory_space<vmem>> -> memref<1x1x128xi32, #tpu.memory_space<vmem>>
    %dma_start3A_73 = tpu.memref_squeeze %dma_start3A_72 : memref<1x1x128xi32, #tpu.memory_space<vmem>> -> memref<128xi32, #tpu.memory_space<vmem>>
    %dma_start3A_74 = arith.constant 0 : i32
    %dma_start3A_75 = arith.constant 0 : i32
    %dma_start3A_76 = tpu.memref_slice %arg2[%dma_start3A_64, %dma_start3A_74, %dma_start3A_75] : memref<26x100000x32xf32, #tpu.memory_space<hbm>> -> memref<1x100000x32xf32, #tpu.memory_space<hbm>>
    %dma_start3A_77 = tpu.memref_squeeze %dma_start3A_76 : memref<1x100000x32xf32, #tpu.memory_space<hbm>> -> memref<100000x32xf32, #tpu.memory_space<hbm>>
    %dma_start3A_78 = arith.constant 0 : i32
    %dma_start3A_79 = arith.constant 0 : i32
    %dma_start3A_80 = tpu.memref_slice %dma_start3A_77[%dma_start3A_78, %dma_start3A_79] : memref<100000x32xf32, #tpu.memory_space<hbm>> -> memref<100000x32xf32, #tpu.memory_space<hbm>>
    tpu.enqueue_indirect_dma source(%dma_start3A_80 : memref<100000x32xf32, #tpu.memory_space<hbm>>) target(%dma_start3A_70 : memref<128x32xf32, #tpu.memory_space<vmem>>) offsets(%dma_start3A_73 : memref<128xi32, #tpu.memory_space<vmem>>) semaphore(%arg8 : memref<!tpu.dma_semaphore, #tpu.memory_space<semaphore_mem>>)
    %dma_start3A_81 = arith.constant 0 : i32
    %dma_start3A_82 = arith.constant 4 : i32
    %dma_start3A_83 = arith.constant 0 : i32
    %dma_start3A_84 = arith.constant 512 : i32
    %dma_start3A_85 = arith.constant 0 : i32
    %dma_start3A_86 = tpu.memref_slice %arg6[%dma_start3A_83, %dma_start3A_84, %dma_start3A_85] : memref<2x1280x32xf32, #tpu.memory_space<vmem>> -> memref<1x128x32xf32, #tpu.memory_space<vmem>>
    %dma_start3A_87 = tpu.memref_squeeze %dma_start3A_86 : memref<1x128x32xf32, #tpu.memory_space<vmem>> -> memref<128x32xf32, #tpu.memory_space<vmem>>
    %dma_start3A_88 = arith.constant 0 : i32
    %dma_start3A_89 = tpu.memref_slice %arg5[%select_n3A_13, %dma_start3A_82, %dma_start3A_88] : memref<2x20x128xi32, #tpu.memory_space<vmem>> -> memref<1x1x128xi32, #tpu.memory_space<vmem>>
    %dma_start3A_90 = tpu.memref_squeeze %dma_start3A_89 : memref<1x1x128xi32, #tpu.memory_space<vmem>> -> memref<128xi32, #tpu.memory_space<vmem>>
    %dma_start3A_91 = arith.constant 0 : i32
    %dma_start3A_92 = arith.constant 0 : i32
    %dma_start3A_93 = tpu.memref_slice %arg2[%dma_start3A_81, %dma_start3A_91, %dma_start3A_92] : memref<26x100000x32xf32, #tpu.memory_space<hbm>> -> memref<1x100000x32xf32, #tpu.memory_space<hbm>>
    %dma_start3A_94 = tpu.memref_squeeze %dma_start3A_93 : memref<1x100000x32xf32, #tpu.memory_space<hbm>> -> memref<100000x32xf32, #tpu.memory_space<hbm>>
    %dma_start3A_95 = arith.constant 0 : i32
    %dma_start3A_96 = arith.constant 0 : i32
    %dma_start3A_97 = tpu.memref_slice %dma_start3A_94[%dma_start3A_95, %dma_start3A_96] : memref<100000x32xf32, #tpu.memory_space<hbm>> -> memref<100000x32xf32, #tpu.memory_space<hbm>>
    tpu.enqueue_indirect_dma source(%dma_start3A_97 : memref<100000x32xf32, #tpu.memory_space<hbm>>) target(%dma_start3A_87 : memref<128x32xf32, #tpu.memory_space<vmem>>) offsets(%dma_start3A_90 : memref<128xi32, #tpu.memory_space<vmem>>) semaphore(%arg8 : memref<!tpu.dma_semaphore, #tpu.memory_space<semaphore_mem>>)
    %dma_start3A_98 = arith.constant 0 : i32
    %dma_start3A_99 = arith.constant 5 : i32
    %dma_start3A_100 = arith.constant 0 : i32
    %dma_start3A_101 = arith.constant 640 : i32
    %dma_start3A_102 = arith.constant 0 : i32
    %dma_start3A_103 = tpu.memref_slice %arg6[%dma_start3A_100, %dma_start3A_101, %dma_start3A_102] : memref<2x1280x32xf32, #tpu.memory_space<vmem>> -> memref<1x128x32xf32, #tpu.memory_space<vmem>>
    %dma_start3A_104 = tpu.memref_squeeze %dma_start3A_103 : memref<1x128x32xf32, #tpu.memory_space<vmem>> -> memref<128x32xf32, #tpu.memory_space<vmem>>
    %dma_start3A_105 = arith.constant 0 : i32
    %dma_start3A_106 = tpu.memref_slice %arg5[%select_n3A_13, %dma_start3A_99, %dma_start3A_105] : memref<2x20x128xi32, #tpu.memory_space<vmem>> -> memref<1x1x128xi32, #tpu.memory_space<vmem>>
    %dma_start3A_107 = tpu.memref_squeeze %dma_start3A_106 : memref<1x1x128xi32, #tpu.memory_space<vmem>> -> memref<128xi32, #tpu.memory_space<vmem>>
    %dma_start3A_108 = arith.constant 0 : i32
    %dma_start3A_109 = arith.constant 0 : i32
    %dma_start3A_110 = tpu.memref_slice %arg2[%dma_start3A_98, %dma_start3A_108, %dma_start3A_109] : memref<26x100000x32xf32, #tpu.memory_space<hbm>> -> memref<1x100000x32xf32, #tpu.memory_space<hbm>>
    %dma_start3A_111 = tpu.memref_squeeze %dma_start3A_110 : memref<1x100000x32xf32, #tpu.memory_space<hbm>> -> memref<100000x32xf32, #tpu.memory_space<hbm>>
    %dma_start3A_112 = arith.constant 0 : i32
    %dma_start3A_113 = arith.constant 0 : i32
    %dma_start3A_114 = tpu.memref_slice %dma_start3A_111[%dma_start3A_112, %dma_start3A_113] : memref<100000x32xf32, #tpu.memory_space<hbm>> -> memref<100000x32xf32, #tpu.memory_space<hbm>>
    tpu.enqueue_indirect_dma source(%dma_start3A_114 : memref<100000x32xf32, #tpu.memory_space<hbm>>) target(%dma_start3A_104 : memref<128x32xf32, #tpu.memory_space<vmem>>) offsets(%dma_start3A_107 : memref<128xi32, #tpu.memory_space<vmem>>) semaphore(%arg8 : memref<!tpu.dma_semaphore, #tpu.memory_space<semaphore_mem>>)
    %dma_start3A_115 = arith.constant 0 : i32
    %dma_start3A_116 = arith.constant 6 : i32
    %dma_start3A_117 = arith.constant 0 : i32
    %dma_start3A_118 = arith.constant 768 : i32
    %dma_start3A_119 = arith.constant 0 : i32
    %dma_start3A_120 = tpu.memref_slice %arg6[%dma_start3A_117, %dma_start3A_118, %dma_start3A_119] : memref<2x1280x32xf32, #tpu.memory_space<vmem>> -> memref<1x128x32xf32, #tpu.memory_space<vmem>>
    %dma_start3A_121 = tpu.memref_squeeze %dma_start3A_120 : memref<1x128x32xf32, #tpu.memory_space<vmem>> -> memref<128x32xf32, #tpu.memory_space<vmem>>
    %dma_start3A_122 = arith.constant 0 : i32
    %dma_start3A_123 = tpu.memref_slice %arg5[%select_n3A_13, %dma_start3A_116, %dma_start3A_122] : memref<2x20x128xi32, #tpu.memory_space<vmem>> -> memref<1x1x128xi32, #tpu.memory_space<vmem>>
    %dma_start3A_124 = tpu.memref_squeeze %dma_start3A_123 : memref<1x1x128xi32, #tpu.memory_space<vmem>> -> memref<128xi32, #tpu.memory_space<vmem>>
    %dma_start3A_125 = arith.constant 0 : i32
    %dma_start3A_126 = arith.constant 0 : i32
    %dma_start3A_127 = tpu.memref_slice %arg2[%dma_start3A_115, %dma_start3A_125, %dma_start3A_126] : memref<26x100000x32xf32, #tpu.memory_space<hbm>> -> memref<1x100000x32xf32, #tpu.memory_space<hbm>>
    %dma_start3A_128 = tpu.memref_squeeze %dma_start3A_127 : memref<1x100000x32xf32, #tpu.memory_space<hbm>> -> memref<100000x32xf32, #tpu.memory_space<hbm>>
    %dma_start3A_129 = arith.constant 0 : i32
    %dma_start3A_130 = arith.constant 0 : i32
    %dma_start3A_131 = tpu.memref_slice %dma_start3A_128[%dma_start3A_129, %dma_start3A_130] : memref<100000x32xf32, #tpu.memory_space<hbm>> -> memref<100000x32xf32, #tpu.memory_space<hbm>>
    tpu.enqueue_indirect_dma source(%dma_start3A_131 : memref<100000x32xf32, #tpu.memory_space<hbm>>) target(%dma_start3A_121 : memref<128x32xf32, #tpu.memory_space<vmem>>) offsets(%dma_start3A_124 : memref<128xi32, #tpu.memory_space<vmem>>) semaphore(%arg8 : memref<!tpu.dma_semaphore, #tpu.memory_space<semaphore_mem>>)
    %dma_start3A_132 = arith.constant 0 : i32
    %dma_start3A_133 = arith.constant 7 : i32
    %dma_start3A_134 = arith.constant 0 : i32
    %dma_start3A_135 = arith.constant 896 : i32
    %dma_start3A_136 = arith.constant 0 : i32
    %dma_start3A_137 = tpu.memref_slice %arg6[%dma_start3A_134, %dma_start3A_135, %dma_start3A_136] : memref<2x1280x32xf32, #tpu.memory_space<vmem>> -> memref<1x128x32xf32, #tpu.memory_space<vmem>>
    %dma_start3A_138 = tpu.memref_squeeze %dma_start3A_137 : memref<1x128x32xf32, #tpu.memory_space<vmem>> -> memref<128x32xf32, #tpu.memory_space<vmem>>
    %dma_start3A_139 = arith.constant 0 : i32
    %dma_start3A_140 = tpu.memref_slice %arg5[%select_n3A_13, %dma_start3A_133, %dma_start3A_139] : memref<2x20x128xi32, #tpu.memory_space<vmem>> -> memref<1x1x128xi32, #tpu.memory_space<vmem>>
    %dma_start3A_141 = tpu.memref_squeeze %dma_start3A_140 : memref<1x1x128xi32, #tpu.memory_space<vmem>> -> memref<128xi32, #tpu.memory_space<vmem>>
    %dma_start3A_142 = arith.constant 0 : i32
    %dma_start3A_143 = arith.constant 0 : i32
    %dma_start3A_144 = tpu.memref_slice %arg2[%dma_start3A_132, %dma_start3A_142, %dma_start3A_143] : memref<26x100000x32xf32, #tpu.memory_space<hbm>> -> memref<1x100000x32xf32, #tpu.memory_space<hbm>>
    %dma_start3A_145 = tpu.memref_squeeze %dma_start3A_144 : memref<1x100000x32xf32, #tpu.memory_space<hbm>> -> memref<100000x32xf32, #tpu.memory_space<hbm>>
    %dma_start3A_146 = arith.constant 0 : i32
    %dma_start3A_147 = arith.constant 0 : i32
    %dma_start3A_148 = tpu.memref_slice %dma_start3A_145[%dma_start3A_146, %dma_start3A_147] : memref<100000x32xf32, #tpu.memory_space<hbm>> -> memref<100000x32xf32, #tpu.memory_space<hbm>>
    tpu.enqueue_indirect_dma source(%dma_start3A_148 : memref<100000x32xf32, #tpu.memory_space<hbm>>) target(%dma_start3A_138 : memref<128x32xf32, #tpu.memory_space<vmem>>) offsets(%dma_start3A_141 : memref<128xi32, #tpu.memory_space<vmem>>) semaphore(%arg8 : memref<!tpu.dma_semaphore, #tpu.memory_space<semaphore_mem>>)
    %dma_start3A_149 = arith.constant 0 : i32
    %dma_start3A_150 = arith.constant 8 : i32
    %dma_start3A_151 = arith.constant 0 : i32
    %dma_start3A_152 = arith.constant 1024 : i32
    %dma_start3A_153 = arith.constant 0 : i32
    %dma_start3A_154 = tpu.memref_slice %arg6[%dma_start3A_151, %dma_start3A_152, %dma_start3A_153] : memref<2x1280x32xf32, #tpu.memory_space<vmem>> -> memref<1x128x32xf32, #tpu.memory_space<vmem>>
    %dma_start3A_155 = tpu.memref_squeeze %dma_start3A_154 : memref<1x128x32xf32, #tpu.memory_space<vmem>> -> memref<128x32xf32, #tpu.memory_space<vmem>>
    %dma_start3A_156 = arith.constant 0 : i32
    %dma_start3A_157 = tpu.memref_slice %arg5[%select_n3A_13, %dma_start3A_150, %dma_start3A_156] : memref<2x20x128xi32, #tpu.memory_space<vmem>> -> memref<1x1x128xi32, #tpu.memory_space<vmem>>
    %dma_start3A_158 = tpu.memref_squeeze %dma_start3A_157 : memref<1x1x128xi32, #tpu.memory_space<vmem>> -> memref<128xi32, #tpu.memory_space<vmem>>
    %dma_start3A_159 = arith.constant 0 : i32
    %dma_start3A_160 = arith.constant 0 : i32
    %dma_start3A_161 = tpu.memref_slice %arg2[%dma_start3A_149, %dma_start3A_159, %dma_start3A_160] : memref<26x100000x32xf32, #tpu.memory_space<hbm>> -> memref<1x100000x32xf32, #tpu.memory_space<hbm>>
    %dma_start3A_162 = tpu.memref_squeeze %dma_start3A_161 : memref<1x100000x32xf32, #tpu.memory_space<hbm>> -> memref<100000x32xf32, #tpu.memory_space<hbm>>
    %dma_start3A_163 = arith.constant 0 : i32
    %dma_start3A_164 = arith.constant 0 : i32
    %dma_start3A_165 = tpu.memref_slice %dma_start3A_162[%dma_start3A_163, %dma_start3A_164] : memref<100000x32xf32, #tpu.memory_space<hbm>> -> memref<100000x32xf32, #tpu.memory_space<hbm>>
    tpu.enqueue_indirect_dma source(%dma_start3A_165 : memref<100000x32xf32, #tpu.memory_space<hbm>>) target(%dma_start3A_155 : memref<128x32xf32, #tpu.memory_space<vmem>>) offsets(%dma_start3A_158 : memref<128xi32, #tpu.memory_space<vmem>>) semaphore(%arg8 : memref<!tpu.dma_semaphore, #tpu.memory_space<semaphore_mem>>)
    %dma_start3A_166 = arith.constant 0 : i32
    %dma_start3A_167 = arith.constant 9 : i32
    %dma_start3A_168 = arith.constant 0 : i32
    %dma_start3A_169 = arith.constant 1152 : i32
    %dma_start3A_170 = arith.constant 0 : i32
    %dma_start3A_171 = tpu.memref_slice %arg6[%dma_start3A_168, %dma_start3A_169, %dma_start3A_170] : memref<2x1280x32xf32, #tpu.memory_space<vmem>> -> memref<1x128x32xf32, #tpu.memory_space<vmem>>
    %dma_start3A_172 = tpu.memref_squeeze %dma_start3A_171 : memref<1x128x32xf32, #tpu.memory_space<vmem>> -> memref<128x32xf32, #tpu.memory_space<vmem>>
    %dma_start3A_173 = arith.constant 0 : i32
    %dma_start3A_174 = tpu.memref_slice %arg5[%select_n3A_13, %dma_start3A_167, %dma_start3A_173] : memref<2x20x128xi32, #tpu.memory_space<vmem>> -> memref<1x1x128xi32, #tpu.memory_space<vmem>>
    %dma_start3A_175 = tpu.memref_squeeze %dma_start3A_174 : memref<1x1x128xi32, #tpu.memory_space<vmem>> -> memref<128xi32, #tpu.memory_space<vmem>>
    %dma_start3A_176 = arith.constant 0 : i32
    %dma_start3A_177 = arith.constant 0 : i32
    %dma_start3A_178 = tpu.memref_slice %arg2[%dma_start3A_166, %dma_start3A_176, %dma_start3A_177] : memref<26x100000x32xf32, #tpu.memory_space<hbm>> -> memref<1x100000x32xf32, #tpu.memory_space<hbm>>
    %dma_start3A_179 = tpu.memref_squeeze %dma_start3A_178 : memref<1x100000x32xf32, #tpu.memory_space<hbm>> -> memref<100000x32xf32, #tpu.memory_space<hbm>>
    %dma_start3A_180 = arith.constant 0 : i32
    %dma_start3A_181 = arith.constant 0 : i32
    %dma_start3A_182 = tpu.memref_slice %dma_start3A_179[%dma_start3A_180, %dma_start3A_181] : memref<100000x32xf32, #tpu.memory_space<hbm>> -> memref<100000x32xf32, #tpu.memory_space<hbm>>
    tpu.enqueue_indirect_dma source(%dma_start3A_182 : memref<100000x32xf32, #tpu.memory_space<hbm>>) target(%dma_start3A_172 : memref<128x32xf32, #tpu.memory_space<vmem>>) offsets(%dma_start3A_175 : memref<128xi32, #tpu.memory_space<vmem>>) semaphore(%arg8 : memref<!tpu.dma_semaphore, #tpu.memory_space<semaphore_mem>>)
    %scan3A = arith.constant 0 : i32
    %scan3A_183 = arith.constant 0 : i32
    %scan3A_184 = arith.constant 52 : i32
    %scan3A_185 = arith.addi %scan3A_183, %scan3A_184 : i32
    %scan3A_186 = arith.constant 1 : i32
    %scan3A_187 = scf.for %scan3A_189 = %scan3A_183 to %scan3A_185 step %scan3A_186 iter_args(%scan3A_190 = %scan3A) -> (i32)  : i32 {
      %jit3A_191 = arith.constant 2 : i32
      %div3A = arith.divsi %scan3A_189, %jit3A_191 : i32
      %sign3A = arith.constant 0 : i32
      %sign3A_192 = arith.cmpi sgt, %scan3A_189, %sign3A : i32
      %sign3A_193 = arith.extui %sign3A_192 : i1 to i32
      %sign3A_194 = arith.constant 0 : i32
      %sign3A_195 = arith.cmpi slt, %scan3A_189, %sign3A_194 : i32
      %sign3A_196 = arith.extui %sign3A_195 : i1 to i32
      %sign3A_197 = arith.subi %sign3A_193, %sign3A_196 : i32
      %sign3A_198 = arith.constant 0 : i32
      %sign3A_199 = arith.cmpi sgt, %jit3A_191, %sign3A_198 : i32
      %sign3A_200 = arith.extui %sign3A_199 : i1 to i32
      %sign3A_201 = arith.constant 0 : i32
      %sign3A_202 = arith.cmpi slt, %jit3A_191, %sign3A_201 : i32
      %sign3A_203 = arith.extui %sign3A_202 : i1 to i32
      %sign3A_204 = arith.subi %sign3A_200, %sign3A_203 : i32
      %ne3A_205 = arith.cmpi ne, %sign3A_197, %sign3A_204 : i32
      %rem3A_206 = arith.remsi %scan3A_189, %jit3A_191 : i32
      %ne3A_207 = arith.constant 0 : i32
      %ne3A_208 = arith.cmpi ne, %rem3A_206, %ne3A_207 : i32
      %and3A_209 = arith.andi %ne3A_205, %ne3A_208 : i1
      %sub3A = arith.constant 1 : i32
      %sub3A_210 = arith.subi %div3A, %sub3A : i32
      %select_n3A_211 = arith.select %and3A_209, %sub3A_210, %div3A : i32
      %jit3A_212 = arith.constant 2 : i32
      %eq3A_213 = arith.constant 0 : i32
      %eq3A_214 = arith.cmpi eq, %jit3A_212, %eq3A_213 : i32
      %jit3A_215 = arith.constant 1 : i32
      %select_n3A_216 = arith.select %eq3A_214, %jit3A_215, %jit3A_212 : i32
      %rem3A_217 = arith.remsi %scan3A_189, %select_n3A_216 : i32
      %ne3A_218 = arith.constant 0 : i32
      %ne3A_219 = arith.cmpi ne, %rem3A_217, %ne3A_218 : i32
      %lt3A_220 = arith.constant 0 : i32
      %lt3A_221 = arith.cmpi slt, %rem3A_217, %lt3A_220 : i32
      %lt3A_222 = arith.constant 0 : i32
      %lt3A_223 = arith.cmpi slt, %select_n3A_216, %lt3A_222 : i32
      %ne3A_224 = arith.xori %lt3A_221, %lt3A_223 : i1
      %and3A_225 = arith.andi %ne3A_224, %ne3A_219 : i1
      %add3A_226 = arith.addi %rem3A_217, %select_n3A_216 : i32
      %select_n3A_227 = arith.select %and3A_225, %add3A_226, %rem3A_217 : i32
      %eq3A_228 = arith.constant 0 : i32
      %eq3A_229 = arith.cmpi eq, %select_n3A_227, %eq3A_228 : i32
      %convert_element_type3A = arith.extui %eq3A_229 : i1 to i32
      %cond3A = arith.constant 0 : i32
      %cond3A_230 = arith.cmpi ne, %convert_element_type3A, %cond3A : i32
      scf.if %cond3A_230 {
        %add3A_237 = arith.constant 1 : i32
        %add3A_238 = arith.addi %select_n3A_211, %add3A_237 : i32
        %lt3A_239 = arith.constant 26 : i32
        %lt3A_240 = arith.cmpi slt, %add3A_238, %lt3A_239 : i32
        %convert_element_type3A_241 = arith.extui %lt3A_240 : i1 to i32
        %cond3A_242 = arith.constant 0 : i32
        %cond3A_243 = arith.cmpi ne, %convert_element_type3A_241, %cond3A_242 : i32
        scf.if %cond3A_243 {
          %add3A_606 = arith.constant 1 : i32
          %add3A_607 = arith.addi %select_n3A_211, %add3A_606 : i32
          %add3A_608 = arith.constant 1 : i32
          %add3A_609 = arith.addi %select_n3A_211, %add3A_608 : i32
          %jit3A_610 = arith.constant 2 : i32
          %eq3A_611 = arith.constant 0 : i32
          %eq3A_612 = arith.cmpi eq, %jit3A_610, %eq3A_611 : i32
          %jit3A_613 = arith.constant 1 : i32
          %select_n3A_614 = arith.select %eq3A_612, %jit3A_613, %jit3A_610 : i32
          %rem3A_615 = arith.remsi %add3A_609, %select_n3A_614 : i32
          %ne3A_616 = arith.constant 0 : i32
          %ne3A_617 = arith.cmpi ne, %rem3A_615, %ne3A_616 : i32
          %lt3A_618 = arith.constant 0 : i32
          %lt3A_619 = arith.cmpi slt, %rem3A_615, %lt3A_618 : i32
          %lt3A_620 = arith.constant 0 : i32
          %lt3A_621 = arith.cmpi slt, %select_n3A_614, %lt3A_620 : i32
          %ne3A_622 = arith.xori %lt3A_619, %lt3A_621 : i1
          %and3A_623 = arith.andi %ne3A_622, %ne3A_617 : i1
          %add3A_624 = arith.addi %rem3A_615, %select_n3A_614 : i32
          %select_n3A_625 = arith.select %and3A_623, %add3A_624, %rem3A_615 : i32
          %dma_start3A_626 = arith.constant 0 : i32
          %dma_start3A_627 = arith.constant 0 : i32
          %dma_start3A_628 = tpu.memref_slice %arg5[%select_n3A_625, %dma_start3A_626, %dma_start3A_627] : memref<2x20x128xi32, #tpu.memory_space<vmem>> -> memref<1x20x128xi32, #tpu.memory_space<vmem>>
          %dma_start3A_629 = tpu.memref_squeeze %dma_start3A_628 : memref<1x20x128xi32, #tpu.memory_space<vmem>> -> memref<20x128xi32, #tpu.memory_space<vmem>>
          %dma_start3A_630 = arith.constant 0 : i32
          %dma_start3A_631 = arith.constant 0 : i32
          %dma_start3A_632 = tpu.memref_slice %arg3[%add3A_607, %add3A, %dma_start3A_630, %dma_start3A_631] : memref<26x32x20x128xi32, #tpu.memory_space<hbm>> -> memref<1x1x20x128xi32, #tpu.memory_space<hbm>>
          %dma_start3A_633 = tpu.memref_squeeze %dma_start3A_632 : memref<1x1x20x128xi32, #tpu.memory_space<hbm>> -> memref<20x128xi32, #tpu.memory_space<hbm>>
          %dma_start3A_634 = arith.constant 0 : i32
          %dma_start3A_635 = arith.constant 0 : i32
          %dma_start3A_636 = tpu.memref_slice %arg5[%select_n3A_625, %dma_start3A_634, %dma_start3A_635] : memref<2x20x128xi32, #tpu.memory_space<vmem>> -> memref<1x20x128xi32, #tpu.memory_space<vmem>>
          %dma_start3A_637 = tpu.memref_squeeze %dma_start3A_636 : memref<1x20x128xi32, #tpu.memory_space<vmem>> -> memref<20x128xi32, #tpu.memory_space<vmem>>
          %dma_start3A_638 = arith.constant 0 : i32
          %dma_start3A_639 = arith.constant 0 : i32
          %dma_start3A_640 = tpu.memref_slice %arg3[%add3A_607, %add3A, %dma_start3A_638, %dma_start3A_639] : memref<26x32x20x128xi32, #tpu.memory_space<hbm>> -> memref<1x1x20x128xi32, #tpu.memory_space<hbm>>
          %dma_start3A_641 = tpu.memref_squeeze %dma_start3A_640 : memref<1x1x20x128xi32, #tpu.memory_space<hbm>> -> memref<20x128xi32, #tpu.memory_space<hbm>>
          tpu.enqueue_dma source(%dma_start3A_641 : memref<20x128xi32, #tpu.memory_space<hbm>>) target(%dma_start3A_637 : memref<20x128xi32, #tpu.memory_space<vmem>>) target_semaphore(%arg10 : memref<!tpu.dma_semaphore, #tpu.memory_space<semaphore_mem>>)
        } else {
        }
        %jit3A_244 = arith.constant 2 : i32
        %eq3A_245 = arith.constant 0 : i32
        %eq3A_246 = arith.cmpi eq, %jit3A_244, %eq3A_245 : i32
        %jit3A_247 = arith.constant 1 : i32
        %select_n3A_248 = arith.select %eq3A_246, %jit3A_247, %jit3A_244 : i32
        %rem3A_249 = arith.remsi %select_n3A_211, %select_n3A_248 : i32
        %ne3A_250 = arith.constant 0 : i32
        %ne3A_251 = arith.cmpi ne, %rem3A_249, %ne3A_250 : i32
        %lt3A_252 = arith.constant 0 : i32
        %lt3A_253 = arith.cmpi slt, %rem3A_249, %lt3A_252 : i32
        %lt3A_254 = arith.constant 0 : i32
        %lt3A_255 = arith.cmpi slt, %select_n3A_248, %lt3A_254 : i32
        %ne3A_256 = arith.xori %lt3A_253, %lt3A_255 : i1
        %and3A_257 = arith.andi %ne3A_256, %ne3A_251 : i1
        %add3A_258 = arith.addi %rem3A_249, %select_n3A_248 : i32
        %select_n3A_259 = arith.select %and3A_257, %add3A_258, %rem3A_249 : i32
        %dma_start3A_260 = arith.constant 10 : i32
        %dma_start3A_261 = arith.constant 1 : i32
        %dma_start3A_262 = arith.constant 0 : i32
        %dma_start3A_263 = arith.constant 0 : i32
        %dma_start3A_264 = tpu.memref_slice %arg6[%dma_start3A_261, %dma_start3A_262, %dma_start3A_263] : memref<2x1280x32xf32, #tpu.memory_space<vmem>> -> memref<1x128x32xf32, #tpu.memory_space<vmem>>
        %dma_start3A_265 = tpu.memref_squeeze %dma_start3A_264 : memref<1x128x32xf32, #tpu.memory_space<vmem>> -> memref<128x32xf32, #tpu.memory_space<vmem>>
        %dma_start3A_266 = arith.constant 0 : i32
        %dma_start3A_267 = tpu.memref_slice %arg5[%select_n3A_259, %dma_start3A_260, %dma_start3A_266] : memref<2x20x128xi32, #tpu.memory_space<vmem>> -> memref<1x1x128xi32, #tpu.memory_space<vmem>>
        %dma_start3A_268 = tpu.memref_squeeze %dma_start3A_267 : memref<1x1x128xi32, #tpu.memory_space<vmem>> -> memref<128xi32, #tpu.memory_space<vmem>>
        %dma_start3A_269 = arith.constant 0 : i32
        %dma_start3A_270 = arith.constant 0 : i32
        %dma_start3A_271 = tpu.memref_slice %arg2[%select_n3A_211, %dma_start3A_269, %dma_start3A_270] : memref<26x100000x32xf32, #tpu.memory_space<hbm>> -> memref<1x100000x32xf32, #tpu.memory_space<hbm>>
        %dma_start3A_272 = tpu.memref_squeeze %dma_start3A_271 : memref<1x100000x32xf32, #tpu.memory_space<hbm>> -> memref<100000x32xf32, #tpu.memory_space<hbm>>
        %dma_start3A_273 = arith.constant 0 : i32
        %dma_start3A_274 = arith.constant 0 : i32
        %dma_start3A_275 = tpu.memref_slice %dma_start3A_272[%dma_start3A_273, %dma_start3A_274] : memref<100000x32xf32, #tpu.memory_space<hbm>> -> memref<100000x32xf32, #tpu.memory_space<hbm>>
        tpu.enqueue_indirect_dma source(%dma_start3A_275 : memref<100000x32xf32, #tpu.memory_space<hbm>>) target(%dma_start3A_265 : memref<128x32xf32, #tpu.memory_space<vmem>>) offsets(%dma_start3A_268 : memref<128xi32, #tpu.memory_space<vmem>>) semaphore(%arg9 : memref<!tpu.dma_semaphore, #tpu.memory_space<semaphore_mem>>)
        %dma_start3A_276 = arith.constant 11 : i32
        %dma_start3A_277 = arith.constant 1 : i32
        %dma_start3A_278 = arith.constant 128 : i32
        %dma_start3A_279 = arith.constant 0 : i32
        %dma_start3A_280 = tpu.memref_slice %arg6[%dma_start3A_277, %dma_start3A_278, %dma_start3A_279] : memref<2x1280x32xf32, #tpu.memory_space<vmem>> -> memref<1x128x32xf32, #tpu.memory_space<vmem>>
        %dma_start3A_281 = tpu.memref_squeeze %dma_start3A_280 : memref<1x128x32xf32, #tpu.memory_space<vmem>> -> memref<128x32xf32, #tpu.memory_space<vmem>>
        %dma_start3A_282 = arith.constant 0 : i32
        %dma_start3A_283 = tpu.memref_slice %arg5[%select_n3A_259, %dma_start3A_276, %dma_start3A_282] : memref<2x20x128xi32, #tpu.memory_space<vmem>> -> memref<1x1x128xi32, #tpu.memory_space<vmem>>
        %dma_start3A_284 = tpu.memref_squeeze %dma_start3A_283 : memref<1x1x128xi32, #tpu.memory_space<vmem>> -> memref<128xi32, #tpu.memory_space<vmem>>
        %dma_start3A_285 = arith.constant 0 : i32
        %dma_start3A_286 = arith.constant 0 : i32
        %dma_start3A_287 = tpu.memref_slice %arg2[%select_n3A_211, %dma_start3A_285, %dma_start3A_286] : memref<26x100000x32xf32, #tpu.memory_space<hbm>> -> memref<1x100000x32xf32, #tpu.memory_space<hbm>>
        %dma_start3A_288 = tpu.memref_squeeze %dma_start3A_287 : memref<1x100000x32xf32, #tpu.memory_space<hbm>> -> memref<100000x32xf32, #tpu.memory_space<hbm>>
        %dma_start3A_289 = arith.constant 0 : i32
        %dma_start3A_290 = arith.constant 0 : i32
        %dma_start3A_291 = tpu.memref_slice %dma_start3A_288[%dma_start3A_289, %dma_start3A_290] : memref<100000x32xf32, #tpu.memory_space<hbm>> -> memref<100000x32xf32, #tpu.memory_space<hbm>>
        tpu.enqueue_indirect_dma source(%dma_start3A_291 : memref<100000x32xf32, #tpu.memory_space<hbm>>) target(%dma_start3A_281 : memref<128x32xf32, #tpu.memory_space<vmem>>) offsets(%dma_start3A_284 : memref<128xi32, #tpu.memory_space<vmem>>) semaphore(%arg9 : memref<!tpu.dma_semaphore, #tpu.memory_space<semaphore_mem>>)
        %dma_start3A_292 = arith.constant 12 : i32
        %dma_start3A_293 = arith.constant 1 : i32
        %dma_start3A_294 = arith.constant 256 : i32
        %dma_start3A_295 = arith.constant 0 : i32
        %dma_start3A_296 = tpu.memref_slice %arg6[%dma_start3A_293, %dma_start3A_294, %dma_start3A_295] : memref<2x1280x32xf32, #tpu.memory_space<vmem>> -> memref<1x128x32xf32, #tpu.memory_space<vmem>>
        %dma_start3A_297 = tpu.memref_squeeze %dma_start3A_296 : memref<1x128x32xf32, #tpu.memory_space<vmem>> -> memref<128x32xf32, #tpu.memory_space<vmem>>
        %dma_start3A_298 = arith.constant 0 : i32
        %dma_start3A_299 = tpu.memref_slice %arg5[%select_n3A_259, %dma_start3A_292, %dma_start3A_298] : memref<2x20x128xi32, #tpu.memory_space<vmem>> -> memref<1x1x128xi32, #tpu.memory_space<vmem>>
        %dma_start3A_300 = tpu.memref_squeeze %dma_start3A_299 : memref<1x1x128xi32, #tpu.memory_space<vmem>> -> memref<128xi32, #tpu.memory_space<vmem>>
        %dma_start3A_301 = arith.constant 0 : i32
        %dma_start3A_302 = arith.constant 0 : i32
        %dma_start3A_303 = tpu.memref_slice %arg2[%select_n3A_211, %dma_start3A_301, %dma_start3A_302] : memref<26x100000x32xf32, #tpu.memory_space<hbm>> -> memref<1x100000x32xf32, #tpu.memory_space<hbm>>
        %dma_start3A_304 = tpu.memref_squeeze %dma_start3A_303 : memref<1x100000x32xf32, #tpu.memory_space<hbm>> -> memref<100000x32xf32, #tpu.memory_space<hbm>>
        %dma_start3A_305 = arith.constant 0 : i32
        %dma_start3A_306 = arith.constant 0 : i32
        %dma_start3A_307 = tpu.memref_slice %dma_start3A_304[%dma_start3A_305, %dma_start3A_306] : memref<100000x32xf32, #tpu.memory_space<hbm>> -> memref<100000x32xf32, #tpu.memory_space<hbm>>
        tpu.enqueue_indirect_dma source(%dma_start3A_307 : memref<100000x32xf32, #tpu.memory_space<hbm>>) target(%dma_start3A_297 : memref<128x32xf32, #tpu.memory_space<vmem>>) offsets(%dma_start3A_300 : memref<128xi32, #tpu.memory_space<vmem>>) semaphore(%arg9 : memref<!tpu.dma_semaphore, #tpu.memory_space<semaphore_mem>>)
        %dma_start3A_308 = arith.constant 13 : i32
        %dma_start3A_309 = arith.constant 1 : i32
        %dma_start3A_310 = arith.constant 384 : i32
        %dma_start3A_311 = arith.constant 0 : i32
        %dma_start3A_312 = tpu.memref_slice %arg6[%dma_start3A_309, %dma_start3A_310, %dma_start3A_311] : memref<2x1280x32xf32, #tpu.memory_space<vmem>> -> memref<1x128x32xf32, #tpu.memory_space<vmem>>
        %dma_start3A_313 = tpu.memref_squeeze %dma_start3A_312 : memref<1x128x32xf32, #tpu.memory_space<vmem>> -> memref<128x32xf32, #tpu.memory_space<vmem>>
        %dma_start3A_314 = arith.constant 0 : i32
        %dma_start3A_315 = tpu.memref_slice %arg5[%select_n3A_259, %dma_start3A_308, %dma_start3A_314] : memref<2x20x128xi32, #tpu.memory_space<vmem>> -> memref<1x1x128xi32, #tpu.memory_space<vmem>>
        %dma_start3A_316 = tpu.memref_squeeze %dma_start3A_315 : memref<1x1x128xi32, #tpu.memory_space<vmem>> -> memref<128xi32, #tpu.memory_space<vmem>>
        %dma_start3A_317 = arith.constant 0 : i32
        %dma_start3A_318 = arith.constant 0 : i32
        %dma_start3A_319 = tpu.memref_slice %arg2[%select_n3A_211, %dma_start3A_317, %dma_start3A_318] : memref<26x100000x32xf32, #tpu.memory_space<hbm>> -> memref<1x100000x32xf32, #tpu.memory_space<hbm>>
        %dma_start3A_320 = tpu.memref_squeeze %dma_start3A_319 : memref<1x100000x32xf32, #tpu.memory_space<hbm>> -> memref<100000x32xf32, #tpu.memory_space<hbm>>
        %dma_start3A_321 = arith.constant 0 : i32
        %dma_start3A_322 = arith.constant 0 : i32
        %dma_start3A_323 = tpu.memref_slice %dma_start3A_320[%dma_start3A_321, %dma_start3A_322] : memref<100000x32xf32, #tpu.memory_space<hbm>> -> memref<100000x32xf32, #tpu.memory_space<hbm>>
        tpu.enqueue_indirect_dma source(%dma_start3A_323 : memref<100000x32xf32, #tpu.memory_space<hbm>>) target(%dma_start3A_313 : memref<128x32xf32, #tpu.memory_space<vmem>>) offsets(%dma_start3A_316 : memref<128xi32, #tpu.memory_space<vmem>>) semaphore(%arg9 : memref<!tpu.dma_semaphore, #tpu.memory_space<semaphore_mem>>)
        %dma_start3A_324 = arith.constant 14 : i32
        %dma_start3A_325 = arith.constant 1 : i32
        %dma_start3A_326 = arith.constant 512 : i32
        %dma_start3A_327 = arith.constant 0 : i32
        %dma_start3A_328 = tpu.memref_slice %arg6[%dma_start3A_325, %dma_start3A_326, %dma_start3A_327] : memref<2x1280x32xf32, #tpu.memory_space<vmem>> -> memref<1x128x32xf32, #tpu.memory_space<vmem>>
        %dma_start3A_329 = tpu.memref_squeeze %dma_start3A_328 : memref<1x128x32xf32, #tpu.memory_space<vmem>> -> memref<128x32xf32, #tpu.memory_space<vmem>>
        %dma_start3A_330 = arith.constant 0 : i32
        %dma_start3A_331 = tpu.memref_slice %arg5[%select_n3A_259, %dma_start3A_324, %dma_start3A_330] : memref<2x20x128xi32, #tpu.memory_space<vmem>> -> memref<1x1x128xi32, #tpu.memory_space<vmem>>
        %dma_start3A_332 = tpu.memref_squeeze %dma_start3A_331 : memref<1x1x128xi32, #tpu.memory_space<vmem>> -> memref<128xi32, #tpu.memory_space<vmem>>
        %dma_start3A_333 = arith.constant 0 : i32
        %dma_start3A_334 = arith.constant 0 : i32
        %dma_start3A_335 = tpu.memref_slice %arg2[%select_n3A_211, %dma_start3A_333, %dma_start3A_334] : memref<26x100000x32xf32, #tpu.memory_space<hbm>> -> memref<1x100000x32xf32, #tpu.memory_space<hbm>>
        %dma_start3A_336 = tpu.memref_squeeze %dma_start3A_335 : memref<1x100000x32xf32, #tpu.memory_space<hbm>> -> memref<100000x32xf32, #tpu.memory_space<hbm>>
        %dma_start3A_337 = arith.constant 0 : i32
        %dma_start3A_338 = arith.constant 0 : i32
        %dma_start3A_339 = tpu.memref_slice %dma_start3A_336[%dma_start3A_337, %dma_start3A_338] : memref<100000x32xf32, #tpu.memory_space<hbm>> -> memref<100000x32xf32, #tpu.memory_space<hbm>>
        tpu.enqueue_indirect_dma source(%dma_start3A_339 : memref<100000x32xf32, #tpu.memory_space<hbm>>) target(%dma_start3A_329 : memref<128x32xf32, #tpu.memory_space<vmem>>) offsets(%dma_start3A_332 : memref<128xi32, #tpu.memory_space<vmem>>) semaphore(%arg9 : memref<!tpu.dma_semaphore, #tpu.memory_space<semaphore_mem>>)
        %dma_start3A_340 = arith.constant 15 : i32
        %dma_start3A_341 = arith.constant 1 : i32
        %dma_start3A_342 = arith.constant 640 : i32
        %dma_start3A_343 = arith.constant 0 : i32
        %dma_start3A_344 = tpu.memref_slice %arg6[%dma_start3A_341, %dma_start3A_342, %dma_start3A_343] : memref<2x1280x32xf32, #tpu.memory_space<vmem>> -> memref<1x128x32xf32, #tpu.memory_space<vmem>>
        %dma_start3A_345 = tpu.memref_squeeze %dma_start3A_344 : memref<1x128x32xf32, #tpu.memory_space<vmem>> -> memref<128x32xf32, #tpu.memory_space<vmem>>
        %dma_start3A_346 = arith.constant 0 : i32
        %dma_start3A_347 = tpu.memref_slice %arg5[%select_n3A_259, %dma_start3A_340, %dma_start3A_346] : memref<2x20x128xi32, #tpu.memory_space<vmem>> -> memref<1x1x128xi32, #tpu.memory_space<vmem>>
        %dma_start3A_348 = tpu.memref_squeeze %dma_start3A_347 : memref<1x1x128xi32, #tpu.memory_space<vmem>> -> memref<128xi32, #tpu.memory_space<vmem>>
        %dma_start3A_349 = arith.constant 0 : i32
        %dma_start3A_350 = arith.constant 0 : i32
        %dma_start3A_351 = tpu.memref_slice %arg2[%select_n3A_211, %dma_start3A_349, %dma_start3A_350] : memref<26x100000x32xf32, #tpu.memory_space<hbm>> -> memref<1x100000x32xf32, #tpu.memory_space<hbm>>
        %dma_start3A_352 = tpu.memref_squeeze %dma_start3A_351 : memref<1x100000x32xf32, #tpu.memory_space<hbm>> -> memref<100000x32xf32, #tpu.memory_space<hbm>>
        %dma_start3A_353 = arith.constant 0 : i32
        %dma_start3A_354 = arith.constant 0 : i32
        %dma_start3A_355 = tpu.memref_slice %dma_start3A_352[%dma_start3A_353, %dma_start3A_354] : memref<100000x32xf32, #tpu.memory_space<hbm>> -> memref<100000x32xf32, #tpu.memory_space<hbm>>
        tpu.enqueue_indirect_dma source(%dma_start3A_355 : memref<100000x32xf32, #tpu.memory_space<hbm>>) target(%dma_start3A_345 : memref<128x32xf32, #tpu.memory_space<vmem>>) offsets(%dma_start3A_348 : memref<128xi32, #tpu.memory_space<vmem>>) semaphore(%arg9 : memref<!tpu.dma_semaphore, #tpu.memory_space<semaphore_mem>>)
        %dma_start3A_356 = arith.constant 16 : i32
        %dma_start3A_357 = arith.constant 1 : i32
        %dma_start3A_358 = arith.constant 768 : i32
        %dma_start3A_359 = arith.constant 0 : i32
        %dma_start3A_360 = tpu.memref_slice %arg6[%dma_start3A_357, %dma_start3A_358, %dma_start3A_359] : memref<2x1280x32xf32, #tpu.memory_space<vmem>> -> memref<1x128x32xf32, #tpu.memory_space<vmem>>
        %dma_start3A_361 = tpu.memref_squeeze %dma_start3A_360 : memref<1x128x32xf32, #tpu.memory_space<vmem>> -> memref<128x32xf32, #tpu.memory_space<vmem>>
        %dma_start3A_362 = arith.constant 0 : i32
        %dma_start3A_363 = tpu.memref_slice %arg5[%select_n3A_259, %dma_start3A_356, %dma_start3A_362] : memref<2x20x128xi32, #tpu.memory_space<vmem>> -> memref<1x1x128xi32, #tpu.memory_space<vmem>>
        %dma_start3A_364 = tpu.memref_squeeze %dma_start3A_363 : memref<1x1x128xi32, #tpu.memory_space<vmem>> -> memref<128xi32, #tpu.memory_space<vmem>>
        %dma_start3A_365 = arith.constant 0 : i32
        %dma_start3A_366 = arith.constant 0 : i32
        %dma_start3A_367 = tpu.memref_slice %arg2[%select_n3A_211, %dma_start3A_365, %dma_start3A_366] : memref<26x100000x32xf32, #tpu.memory_space<hbm>> -> memref<1x100000x32xf32, #tpu.memory_space<hbm>>
        %dma_start3A_368 = tpu.memref_squeeze %dma_start3A_367 : memref<1x100000x32xf32, #tpu.memory_space<hbm>> -> memref<100000x32xf32, #tpu.memory_space<hbm>>
        %dma_start3A_369 = arith.constant 0 : i32
        %dma_start3A_370 = arith.constant 0 : i32
        %dma_start3A_371 = tpu.memref_slice %dma_start3A_368[%dma_start3A_369, %dma_start3A_370] : memref<100000x32xf32, #tpu.memory_space<hbm>> -> memref<100000x32xf32, #tpu.memory_space<hbm>>
        tpu.enqueue_indirect_dma source(%dma_start3A_371 : memref<100000x32xf32, #tpu.memory_space<hbm>>) target(%dma_start3A_361 : memref<128x32xf32, #tpu.memory_space<vmem>>) offsets(%dma_start3A_364 : memref<128xi32, #tpu.memory_space<vmem>>) semaphore(%arg9 : memref<!tpu.dma_semaphore, #tpu.memory_space<semaphore_mem>>)
        %dma_start3A_372 = arith.constant 17 : i32
        %dma_start3A_373 = arith.constant 1 : i32
        %dma_start3A_374 = arith.constant 896 : i32
        %dma_start3A_375 = arith.constant 0 : i32
        %dma_start3A_376 = tpu.memref_slice %arg6[%dma_start3A_373, %dma_start3A_374, %dma_start3A_375] : memref<2x1280x32xf32, #tpu.memory_space<vmem>> -> memref<1x128x32xf32, #tpu.memory_space<vmem>>
        %dma_start3A_377 = tpu.memref_squeeze %dma_start3A_376 : memref<1x128x32xf32, #tpu.memory_space<vmem>> -> memref<128x32xf32, #tpu.memory_space<vmem>>
        %dma_start3A_378 = arith.constant 0 : i32
        %dma_start3A_379 = tpu.memref_slice %arg5[%select_n3A_259, %dma_start3A_372, %dma_start3A_378] : memref<2x20x128xi32, #tpu.memory_space<vmem>> -> memref<1x1x128xi32, #tpu.memory_space<vmem>>
        %dma_start3A_380 = tpu.memref_squeeze %dma_start3A_379 : memref<1x1x128xi32, #tpu.memory_space<vmem>> -> memref<128xi32, #tpu.memory_space<vmem>>
        %dma_start3A_381 = arith.constant 0 : i32
        %dma_start3A_382 = arith.constant 0 : i32
        %dma_start3A_383 = tpu.memref_slice %arg2[%select_n3A_211, %dma_start3A_381, %dma_start3A_382] : memref<26x100000x32xf32, #tpu.memory_space<hbm>> -> memref<1x100000x32xf32, #tpu.memory_space<hbm>>
        %dma_start3A_384 = tpu.memref_squeeze %dma_start3A_383 : memref<1x100000x32xf32, #tpu.memory_space<hbm>> -> memref<100000x32xf32, #tpu.memory_space<hbm>>
        %dma_start3A_385 = arith.constant 0 : i32
        %dma_start3A_386 = arith.constant 0 : i32
        %dma_start3A_387 = tpu.memref_slice %dma_start3A_384[%dma_start3A_385, %dma_start3A_386] : memref<100000x32xf32, #tpu.memory_space<hbm>> -> memref<100000x32xf32, #tpu.memory_space<hbm>>
        tpu.enqueue_indirect_dma source(%dma_start3A_387 : memref<100000x32xf32, #tpu.memory_space<hbm>>) target(%dma_start3A_377 : memref<128x32xf32, #tpu.memory_space<vmem>>) offsets(%dma_start3A_380 : memref<128xi32, #tpu.memory_space<vmem>>) semaphore(%arg9 : memref<!tpu.dma_semaphore, #tpu.memory_space<semaphore_mem>>)
        %dma_start3A_388 = arith.constant 18 : i32
        %dma_start3A_389 = arith.constant 1 : i32
        %dma_start3A_390 = arith.constant 1024 : i32
        %dma_start3A_391 = arith.constant 0 : i32
        %dma_start3A_392 = tpu.memref_slice %arg6[%dma_start3A_389, %dma_start3A_390, %dma_start3A_391] : memref<2x1280x32xf32, #tpu.memory_space<vmem>> -> memref<1x128x32xf32, #tpu.memory_space<vmem>>
        %dma_start3A_393 = tpu.memref_squeeze %dma_start3A_392 : memref<1x128x32xf32, #tpu.memory_space<vmem>> -> memref<128x32xf32, #tpu.memory_space<vmem>>
        %dma_start3A_394 = arith.constant 0 : i32
        %dma_start3A_395 = tpu.memref_slice %arg5[%select_n3A_259, %dma_start3A_388, %dma_start3A_394] : memref<2x20x128xi32, #tpu.memory_space<vmem>> -> memref<1x1x128xi32, #tpu.memory_space<vmem>>
        %dma_start3A_396 = tpu.memref_squeeze %dma_start3A_395 : memref<1x1x128xi32, #tpu.memory_space<vmem>> -> memref<128xi32, #tpu.memory_space<vmem>>
        %dma_start3A_397 = arith.constant 0 : i32
        %dma_start3A_398 = arith.constant 0 : i32
        %dma_start3A_399 = tpu.memref_slice %arg2[%select_n3A_211, %dma_start3A_397, %dma_start3A_398] : memref<26x100000x32xf32, #tpu.memory_space<hbm>> -> memref<1x100000x32xf32, #tpu.memory_space<hbm>>
        %dma_start3A_400 = tpu.memref_squeeze %dma_start3A_399 : memref<1x100000x32xf32, #tpu.memory_space<hbm>> -> memref<100000x32xf32, #tpu.memory_space<hbm>>
        %dma_start3A_401 = arith.constant 0 : i32
        %dma_start3A_402 = arith.constant 0 : i32
        %dma_start3A_403 = tpu.memref_slice %dma_start3A_400[%dma_start3A_401, %dma_start3A_402] : memref<100000x32xf32, #tpu.memory_space<hbm>> -> memref<100000x32xf32, #tpu.memory_space<hbm>>
        tpu.enqueue_indirect_dma source(%dma_start3A_403 : memref<100000x32xf32, #tpu.memory_space<hbm>>) target(%dma_start3A_393 : memref<128x32xf32, #tpu.memory_space<vmem>>) offsets(%dma_start3A_396 : memref<128xi32, #tpu.memory_space<vmem>>) semaphore(%arg9 : memref<!tpu.dma_semaphore, #tpu.memory_space<semaphore_mem>>)
        %dma_start3A_404 = arith.constant 19 : i32
        %dma_start3A_405 = arith.constant 1 : i32
        %dma_start3A_406 = arith.constant 1152 : i32
        %dma_start3A_407 = arith.constant 0 : i32
        %dma_start3A_408 = tpu.memref_slice %arg6[%dma_start3A_405, %dma_start3A_406, %dma_start3A_407] : memref<2x1280x32xf32, #tpu.memory_space<vmem>> -> memref<1x128x32xf32, #tpu.memory_space<vmem>>
        %dma_start3A_409 = tpu.memref_squeeze %dma_start3A_408 : memref<1x128x32xf32, #tpu.memory_space<vmem>> -> memref<128x32xf32, #tpu.memory_space<vmem>>
        %dma_start3A_410 = arith.constant 0 : i32
        %dma_start3A_411 = tpu.memref_slice %arg5[%select_n3A_259, %dma_start3A_404, %dma_start3A_410] : memref<2x20x128xi32, #tpu.memory_space<vmem>> -> memref<1x1x128xi32, #tpu.memory_space<vmem>>
        %dma_start3A_412 = tpu.memref_squeeze %dma_start3A_411 : memref<1x1x128xi32, #tpu.memory_space<vmem>> -> memref<128xi32, #tpu.memory_space<vmem>>
        %dma_start3A_413 = arith.constant 0 : i32
        %dma_start3A_414 = arith.constant 0 : i32
        %dma_start3A_415 = tpu.memref_slice %arg2[%select_n3A_211, %dma_start3A_413, %dma_start3A_414] : memref<26x100000x32xf32, #tpu.memory_space<hbm>> -> memref<1x100000x32xf32, #tpu.memory_space<hbm>>
        %dma_start3A_416 = tpu.memref_squeeze %dma_start3A_415 : memref<1x100000x32xf32, #tpu.memory_space<hbm>> -> memref<100000x32xf32, #tpu.memory_space<hbm>>
        %dma_start3A_417 = arith.constant 0 : i32
        %dma_start3A_418 = arith.constant 0 : i32
        %dma_start3A_419 = tpu.memref_slice %dma_start3A_416[%dma_start3A_417, %dma_start3A_418] : memref<100000x32xf32, #tpu.memory_space<hbm>> -> memref<100000x32xf32, #tpu.memory_space<hbm>>
        tpu.enqueue_indirect_dma source(%dma_start3A_419 : memref<100000x32xf32, #tpu.memory_space<hbm>>) target(%dma_start3A_409 : memref<128x32xf32, #tpu.memory_space<vmem>>) offsets(%dma_start3A_412 : memref<128xi32, #tpu.memory_space<vmem>>) semaphore(%arg9 : memref<!tpu.dma_semaphore, #tpu.memory_space<semaphore_mem>>)
        %dma_wait3A = arith.constant 0 : i32
        %dma_wait3A_420 = arith.constant 0 : i32
        %dma_wait3A_421 = arith.constant 0 : i32
        %dma_wait3A_422 = arith.constant 0 : i32
        %dma_wait3A_423 = arith.constant 0 : i32
        %dma_wait3A_424 = arith.constant 0 : i32
        %dma_wait3A_425 = tpu.memref_slice %arg6[%dma_wait3A_422, %dma_wait3A_423, %dma_wait3A_424] : memref<2x1280x32xf32, #tpu.memory_space<vmem>> -> memref<1x128x32xf32, #tpu.memory_space<vmem>>
        %dma_wait3A_426 = tpu.memref_squeeze %dma_wait3A_425 : memref<1x128x32xf32, #tpu.memory_space<vmem>> -> memref<128x32xf32, #tpu.memory_space<vmem>>
        %dma_wait3A_427 = arith.constant 0 : i32
        %dma_wait3A_428 = tpu.memref_slice %arg5[%dma_wait3A_420, %dma_wait3A_421, %dma_wait3A_427] : memref<2x20x128xi32, #tpu.memory_space<vmem>> -> memref<1x1x128xi32, #tpu.memory_space<vmem>>
        %dma_wait3A_429 = tpu.memref_squeeze %dma_wait3A_428 : memref<1x1x128xi32, #tpu.memory_space<vmem>> -> memref<128xi32, #tpu.memory_space<vmem>>
        %dma_wait3A_430 = arith.constant 0 : i32
        %dma_wait3A_431 = arith.constant 0 : i32
        %dma_wait3A_432 = tpu.memref_slice %arg2[%dma_wait3A, %dma_wait3A_430, %dma_wait3A_431] : memref<26x100000x32xf32, #tpu.memory_space<hbm>> -> memref<1x100000x32xf32, #tpu.memory_space<hbm>>
        %dma_wait3A_433 = tpu.memref_squeeze %dma_wait3A_432 : memref<1x100000x32xf32, #tpu.memory_space<hbm>> -> memref<100000x32xf32, #tpu.memory_space<hbm>>
        %dma_wait3A_434 = arith.constant 0 : i32
        %dma_wait3A_435 = arith.constant 0 : i32
        %dma_wait3A_436 = tpu.memref_slice %dma_wait3A_433[%dma_wait3A_434, %dma_wait3A_435] : memref<100000x32xf32, #tpu.memory_space<hbm>> -> memref<100000x32xf32, #tpu.memory_space<hbm>>
        tpu.wait_indirect_dma semaphore(%arg8 : memref<!tpu.dma_semaphore, #tpu.memory_space<semaphore_mem>>) src(%dma_wait3A_436 : memref<100000x32xf32, #tpu.memory_space<hbm>>) dst(%dma_wait3A_426 : memref<128x32xf32, #tpu.memory_space<vmem>>)
        %dma_wait3A_437 = arith.constant 0 : i32
        %dma_wait3A_438 = arith.constant 0 : i32
        %dma_wait3A_439 = arith.constant 0 : i32
        %dma_wait3A_440 = arith.constant 0 : i32
        %dma_wait3A_441 = arith.constant 128 : i32
        %dma_wait3A_442 = arith.constant 0 : i32
        %dma_wait3A_443 = tpu.memref_slice %arg6[%dma_wait3A_440, %dma_wait3A_441, %dma_wait3A_442] : memref<2x1280x32xf32, #tpu.memory_space<vmem>> -> memref<1x128x32xf32, #tpu.memory_space<vmem>>
        %dma_wait3A_444 = tpu.memref_squeeze %dma_wait3A_443 : memref<1x128x32xf32, #tpu.memory_space<vmem>> -> memref<128x32xf32, #tpu.memory_space<vmem>>
        %dma_wait3A_445 = arith.constant 0 : i32
        %dma_wait3A_446 = tpu.memref_slice %arg5[%dma_wait3A_438, %dma_wait3A_439, %dma_wait3A_445] : memref<2x20x128xi32, #tpu.memory_space<vmem>> -> memref<1x1x128xi32, #tpu.memory_space<vmem>>
        %dma_wait3A_447 = tpu.memref_squeeze %dma_wait3A_446 : memref<1x1x128xi32, #tpu.memory_space<vmem>> -> memref<128xi32, #tpu.memory_space<vmem>>
        %dma_wait3A_448 = arith.constant 0 : i32
        %dma_wait3A_449 = arith.constant 0 : i32
        %dma_wait3A_450 = tpu.memref_slice %arg2[%dma_wait3A_437, %dma_wait3A_448, %dma_wait3A_449] : memref<26x100000x32xf32, #tpu.memory_space<hbm>> -> memref<1x100000x32xf32, #tpu.memory_space<hbm>>
        %dma_wait3A_451 = tpu.memref_squeeze %dma_wait3A_450 : memref<1x100000x32xf32, #tpu.memory_space<hbm>> -> memref<100000x32xf32, #tpu.memory_space<hbm>>
        %dma_wait3A_452 = arith.constant 0 : i32
        %dma_wait3A_453 = arith.constant 0 : i32
        %dma_wait3A_454 = tpu.memref_slice %dma_wait3A_451[%dma_wait3A_452, %dma_wait3A_453] : memref<100000x32xf32, #tpu.memory_space<hbm>> -> memref<100000x32xf32, #tpu.memory_space<hbm>>
        tpu.wait_indirect_dma semaphore(%arg8 : memref<!tpu.dma_semaphore, #tpu.memory_space<semaphore_mem>>) src(%dma_wait3A_454 : memref<100000x32xf32, #tpu.memory_space<hbm>>) dst(%dma_wait3A_444 : memref<128x32xf32, #tpu.memory_space<vmem>>)
        %dma_wait3A_455 = arith.constant 0 : i32
        %dma_wait3A_456 = arith.constant 0 : i32
        %dma_wait3A_457 = arith.constant 0 : i32
        %dma_wait3A_458 = arith.constant 0 : i32
        %dma_wait3A_459 = arith.constant 256 : i32
        %dma_wait3A_460 = arith.constant 0 : i32
        %dma_wait3A_461 = tpu.memref_slice %arg6[%dma_wait3A_458, %dma_wait3A_459, %dma_wait3A_460] : memref<2x1280x32xf32, #tpu.memory_space<vmem>> -> memref<1x128x32xf32, #tpu.memory_space<vmem>>
        %dma_wait3A_462 = tpu.memref_squeeze %dma_wait3A_461 : memref<1x128x32xf32, #tpu.memory_space<vmem>> -> memref<128x32xf32, #tpu.memory_space<vmem>>
        %dma_wait3A_463 = arith.constant 0 : i32
        %dma_wait3A_464 = tpu.memref_slice %arg5[%dma_wait3A_456, %dma_wait3A_457, %dma_wait3A_463] : memref<2x20x128xi32, #tpu.memory_space<vmem>> -> memref<1x1x128xi32, #tpu.memory_space<vmem>>
        %dma_wait3A_465 = tpu.memref_squeeze %dma_wait3A_464 : memref<1x1x128xi32, #tpu.memory_space<vmem>> -> memref<128xi32, #tpu.memory_space<vmem>>
        %dma_wait3A_466 = arith.constant 0 : i32
        %dma_wait3A_467 = arith.constant 0 : i32
        %dma_wait3A_468 = tpu.memref_slice %arg2[%dma_wait3A_455, %dma_wait3A_466, %dma_wait3A_467] : memref<26x100000x32xf32, #tpu.memory_space<hbm>> -> memref<1x100000x32xf32, #tpu.memory_space<hbm>>
        %dma_wait3A_469 = tpu.memref_squeeze %dma_wait3A_468 : memref<1x100000x32xf32, #tpu.memory_space<hbm>> -> memref<100000x32xf32, #tpu.memory_space<hbm>>
        %dma_wait3A_470 = arith.constant 0 : i32
        %dma_wait3A_471 = arith.constant 0 : i32
        %dma_wait3A_472 = tpu.memref_slice %dma_wait3A_469[%dma_wait3A_470, %dma_wait3A_471] : memref<100000x32xf32, #tpu.memory_space<hbm>> -> memref<100000x32xf32, #tpu.memory_space<hbm>>
        tpu.wait_indirect_dma semaphore(%arg8 : memref<!tpu.dma_semaphore, #tpu.memory_space<semaphore_mem>>) src(%dma_wait3A_472 : memref<100000x32xf32, #tpu.memory_space<hbm>>) dst(%dma_wait3A_462 : memref<128x32xf32, #tpu.memory_space<vmem>>)
        %dma_wait3A_473 = arith.constant 0 : i32
        %dma_wait3A_474 = arith.constant 0 : i32
        %dma_wait3A_475 = arith.constant 0 : i32
        %dma_wait3A_476 = arith.constant 0 : i32
        %dma_wait3A_477 = arith.constant 384 : i32
        %dma_wait3A_478 = arith.constant 0 : i32
        %dma_wait3A_479 = tpu.memref_slice %arg6[%dma_wait3A_476, %dma_wait3A_477, %dma_wait3A_478] : memref<2x1280x32xf32, #tpu.memory_space<vmem>> -> memref<1x128x32xf32, #tpu.memory_space<vmem>>
        %dma_wait3A_480 = tpu.memref_squeeze %dma_wait3A_479 : memref<1x128x32xf32, #tpu.memory_space<vmem>> -> memref<128x32xf32, #tpu.memory_space<vmem>>
        %dma_wait3A_481 = arith.constant 0 : i32
        %dma_wait3A_482 = tpu.memref_slice %arg5[%dma_wait3A_474, %dma_wait3A_475, %dma_wait3A_481] : memref<2x20x128xi32, #tpu.memory_space<vmem>> -> memref<1x1x128xi32, #tpu.memory_space<vmem>>
        %dma_wait3A_483 = tpu.memref_squeeze %dma_wait3A_482 : memref<1x1x128xi32, #tpu.memory_space<vmem>> -> memref<128xi32, #tpu.memory_space<vmem>>
        %dma_wait3A_484 = arith.constant 0 : i32
        %dma_wait3A_485 = arith.constant 0 : i32
        %dma_wait3A_486 = tpu.memref_slice %arg2[%dma_wait3A_473, %dma_wait3A_484, %dma_wait3A_485] : memref<26x100000x32xf32, #tpu.memory_space<hbm>> -> memref<1x100000x32xf32, #tpu.memory_space<hbm>>
        %dma_wait3A_487 = tpu.memref_squeeze %dma_wait3A_486 : memref<1x100000x32xf32, #tpu.memory_space<hbm>> -> memref<100000x32xf32, #tpu.memory_space<hbm>>
        %dma_wait3A_488 = arith.constant 0 : i32
        %dma_wait3A_489 = arith.constant 0 : i32
        %dma_wait3A_490 = tpu.memref_slice %dma_wait3A_487[%dma_wait3A_488, %dma_wait3A_489] : memref<100000x32xf32, #tpu.memory_space<hbm>> -> memref<100000x32xf32, #tpu.memory_space<hbm>>
        tpu.wait_indirect_dma semaphore(%arg8 : memref<!tpu.dma_semaphore, #tpu.memory_space<semaphore_mem>>) src(%dma_wait3A_490 : memref<100000x32xf32, #tpu.memory_space<hbm>>) dst(%dma_wait3A_480 : memref<128x32xf32, #tpu.memory_space<vmem>>)
        %dma_wait3A_491 = arith.constant 0 : i32
        %dma_wait3A_492 = arith.constant 0 : i32
        %dma_wait3A_493 = arith.constant 0 : i32
        %dma_wait3A_494 = arith.constant 0 : i32
        %dma_wait3A_495 = arith.constant 512 : i32
        %dma_wait3A_496 = arith.constant 0 : i32
        %dma_wait3A_497 = tpu.memref_slice %arg6[%dma_wait3A_494, %dma_wait3A_495, %dma_wait3A_496] : memref<2x1280x32xf32, #tpu.memory_space<vmem>> -> memref<1x128x32xf32, #tpu.memory_space<vmem>>
        %dma_wait3A_498 = tpu.memref_squeeze %dma_wait3A_497 : memref<1x128x32xf32, #tpu.memory_space<vmem>> -> memref<128x32xf32, #tpu.memory_space<vmem>>
        %dma_wait3A_499 = arith.constant 0 : i32
        %dma_wait3A_500 = tpu.memref_slice %arg5[%dma_wait3A_492, %dma_wait3A_493, %dma_wait3A_499] : memref<2x20x128xi32, #tpu.memory_space<vmem>> -> memref<1x1x128xi32, #tpu.memory_space<vmem>>
        %dma_wait3A_501 = tpu.memref_squeeze %dma_wait3A_500 : memref<1x1x128xi32, #tpu.memory_space<vmem>> -> memref<128xi32, #tpu.memory_space<vmem>>
        %dma_wait3A_502 = arith.constant 0 : i32
        %dma_wait3A_503 = arith.constant 0 : i32
        %dma_wait3A_504 = tpu.memref_slice %arg2[%dma_wait3A_491, %dma_wait3A_502, %dma_wait3A_503] : memref<26x100000x32xf32, #tpu.memory_space<hbm>> -> memref<1x100000x32xf32, #tpu.memory_space<hbm>>
        %dma_wait3A_505 = tpu.memref_squeeze %dma_wait3A_504 : memref<1x100000x32xf32, #tpu.memory_space<hbm>> -> memref<100000x32xf32, #tpu.memory_space<hbm>>
        %dma_wait3A_506 = arith.constant 0 : i32
        %dma_wait3A_507 = arith.constant 0 : i32
        %dma_wait3A_508 = tpu.memref_slice %dma_wait3A_505[%dma_wait3A_506, %dma_wait3A_507] : memref<100000x32xf32, #tpu.memory_space<hbm>> -> memref<100000x32xf32, #tpu.memory_space<hbm>>
        tpu.wait_indirect_dma semaphore(%arg8 : memref<!tpu.dma_semaphore, #tpu.memory_space<semaphore_mem>>) src(%dma_wait3A_508 : memref<100000x32xf32, #tpu.memory_space<hbm>>) dst(%dma_wait3A_498 : memref<128x32xf32, #tpu.memory_space<vmem>>)
        %dma_wait3A_509 = arith.constant 0 : i32
        %dma_wait3A_510 = arith.constant 0 : i32
        %dma_wait3A_511 = arith.constant 0 : i32
        %dma_wait3A_512 = arith.constant 0 : i32
        %dma_wait3A_513 = arith.constant 640 : i32
        %dma_wait3A_514 = arith.constant 0 : i32
        %dma_wait3A_515 = tpu.memref_slice %arg6[%dma_wait3A_512, %dma_wait3A_513, %dma_wait3A_514] : memref<2x1280x32xf32, #tpu.memory_space<vmem>> -> memref<1x128x32xf32, #tpu.memory_space<vmem>>
        %dma_wait3A_516 = tpu.memref_squeeze %dma_wait3A_515 : memref<1x128x32xf32, #tpu.memory_space<vmem>> -> memref<128x32xf32, #tpu.memory_space<vmem>>
        %dma_wait3A_517 = arith.constant 0 : i32
        %dma_wait3A_518 = tpu.memref_slice %arg5[%dma_wait3A_510, %dma_wait3A_511, %dma_wait3A_517] : memref<2x20x128xi32, #tpu.memory_space<vmem>> -> memref<1x1x128xi32, #tpu.memory_space<vmem>>
        %dma_wait3A_519 = tpu.memref_squeeze %dma_wait3A_518 : memref<1x1x128xi32, #tpu.memory_space<vmem>> -> memref<128xi32, #tpu.memory_space<vmem>>
        %dma_wait3A_520 = arith.constant 0 : i32
        %dma_wait3A_521 = arith.constant 0 : i32
        %dma_wait3A_522 = tpu.memref_slice %arg2[%dma_wait3A_509, %dma_wait3A_520, %dma_wait3A_521] : memref<26x100000x32xf32, #tpu.memory_space<hbm>> -> memref<1x100000x32xf32, #tpu.memory_space<hbm>>
        %dma_wait3A_523 = tpu.memref_squeeze %dma_wait3A_522 : memref<1x100000x32xf32, #tpu.memory_space<hbm>> -> memref<100000x32xf32, #tpu.memory_space<hbm>>
        %dma_wait3A_524 = arith.constant 0 : i32
        %dma_wait3A_525 = arith.constant 0 : i32
        %dma_wait3A_526 = tpu.memref_slice %dma_wait3A_523[%dma_wait3A_524, %dma_wait3A_525] : memref<100000x32xf32, #tpu.memory_space<hbm>> -> memref<100000x32xf32, #tpu.memory_space<hbm>>
        tpu.wait_indirect_dma semaphore(%arg8 : memref<!tpu.dma_semaphore, #tpu.memory_space<semaphore_mem>>) src(%dma_wait3A_526 : memref<100000x32xf32, #tpu.memory_space<hbm>>) dst(%dma_wait3A_516 : memref<128x32xf32, #tpu.memory_space<vmem>>)
        %dma_wait3A_527 = arith.constant 0 : i32
        %dma_wait3A_528 = arith.constant 0 : i32
        %dma_wait3A_529 = arith.constant 0 : i32
        %dma_wait3A_530 = arith.constant 0 : i32
        %dma_wait3A_531 = arith.constant 768 : i32
        %dma_wait3A_532 = arith.constant 0 : i32
        %dma_wait3A_533 = tpu.memref_slice %arg6[%dma_wait3A_530, %dma_wait3A_531, %dma_wait3A_532] : memref<2x1280x32xf32, #tpu.memory_space<vmem>> -> memref<1x128x32xf32, #tpu.memory_space<vmem>>
        %dma_wait3A_534 = tpu.memref_squeeze %dma_wait3A_533 : memref<1x128x32xf32, #tpu.memory_space<vmem>> -> memref<128x32xf32, #tpu.memory_space<vmem>>
        %dma_wait3A_535 = arith.constant 0 : i32
        %dma_wait3A_536 = tpu.memref_slice %arg5[%dma_wait3A_528, %dma_wait3A_529, %dma_wait3A_535] : memref<2x20x128xi32, #tpu.memory_space<vmem>> -> memref<1x1x128xi32, #tpu.memory_space<vmem>>
        %dma_wait3A_537 = tpu.memref_squeeze %dma_wait3A_536 : memref<1x1x128xi32, #tpu.memory_space<vmem>> -> memref<128xi32, #tpu.memory_space<vmem>>
        %dma_wait3A_538 = arith.constant 0 : i32
        %dma_wait3A_539 = arith.constant 0 : i32
        %dma_wait3A_540 = tpu.memref_slice %arg2[%dma_wait3A_527, %dma_wait3A_538, %dma_wait3A_539] : memref<26x100000x32xf32, #tpu.memory_space<hbm>> -> memref<1x100000x32xf32, #tpu.memory_space<hbm>>
        %dma_wait3A_541 = tpu.memref_squeeze %dma_wait3A_540 : memref<1x100000x32xf32, #tpu.memory_space<hbm>> -> memref<100000x32xf32, #tpu.memory_space<hbm>>
        %dma_wait3A_542 = arith.constant 0 : i32
        %dma_wait3A_543 = arith.constant 0 : i32
        %dma_wait3A_544 = tpu.memref_slice %dma_wait3A_541[%dma_wait3A_542, %dma_wait3A_543] : memref<100000x32xf32, #tpu.memory_space<hbm>> -> memref<100000x32xf32, #tpu.memory_space<hbm>>
        tpu.wait_indirect_dma semaphore(%arg8 : memref<!tpu.dma_semaphore, #tpu.memory_space<semaphore_mem>>) src(%dma_wait3A_544 : memref<100000x32xf32, #tpu.memory_space<hbm>>) dst(%dma_wait3A_534 : memref<128x32xf32, #tpu.memory_space<vmem>>)
        %dma_wait3A_545 = arith.constant 0 : i32
        %dma_wait3A_546 = arith.constant 0 : i32
        %dma_wait3A_547 = arith.constant 0 : i32
        %dma_wait3A_548 = arith.constant 0 : i32
        %dma_wait3A_549 = arith.constant 896 : i32
        %dma_wait3A_550 = arith.constant 0 : i32
        %dma_wait3A_551 = tpu.memref_slice %arg6[%dma_wait3A_548, %dma_wait3A_549, %dma_wait3A_550] : memref<2x1280x32xf32, #tpu.memory_space<vmem>> -> memref<1x128x32xf32, #tpu.memory_space<vmem>>
        %dma_wait3A_552 = tpu.memref_squeeze %dma_wait3A_551 : memref<1x128x32xf32, #tpu.memory_space<vmem>> -> memref<128x32xf32, #tpu.memory_space<vmem>>
        %dma_wait3A_553 = arith.constant 0 : i32
        %dma_wait3A_554 = tpu.memref_slice %arg5[%dma_wait3A_546, %dma_wait3A_547, %dma_wait3A_553] : memref<2x20x128xi32, #tpu.memory_space<vmem>> -> memref<1x1x128xi32, #tpu.memory_space<vmem>>
        %dma_wait3A_555 = tpu.memref_squeeze %dma_wait3A_554 : memref<1x1x128xi32, #tpu.memory_space<vmem>> -> memref<128xi32, #tpu.memory_space<vmem>>
        %dma_wait3A_556 = arith.constant 0 : i32
        %dma_wait3A_557 = arith.constant 0 : i32
        %dma_wait3A_558 = tpu.memref_slice %arg2[%dma_wait3A_545, %dma_wait3A_556, %dma_wait3A_557] : memref<26x100000x32xf32, #tpu.memory_space<hbm>> -> memref<1x100000x32xf32, #tpu.memory_space<hbm>>
        %dma_wait3A_559 = tpu.memref_squeeze %dma_wait3A_558 : memref<1x100000x32xf32, #tpu.memory_space<hbm>> -> memref<100000x32xf32, #tpu.memory_space<hbm>>
        %dma_wait3A_560 = arith.constant 0 : i32
        %dma_wait3A_561 = arith.constant 0 : i32
        %dma_wait3A_562 = tpu.memref_slice %dma_wait3A_559[%dma_wait3A_560, %dma_wait3A_561] : memref<100000x32xf32, #tpu.memory_space<hbm>> -> memref<100000x32xf32, #tpu.memory_space<hbm>>
        tpu.wait_indirect_dma semaphore(%arg8 : memref<!tpu.dma_semaphore, #tpu.memory_space<semaphore_mem>>) src(%dma_wait3A_562 : memref<100000x32xf32, #tpu.memory_space<hbm>>) dst(%dma_wait3A_552 : memref<128x32xf32, #tpu.memory_space<vmem>>)
        %dma_wait3A_563 = arith.constant 0 : i32
        %dma_wait3A_564 = arith.constant 0 : i32
        %dma_wait3A_565 = arith.constant 0 : i32
        %dma_wait3A_566 = arith.constant 0 : i32
        %dma_wait3A_567 = arith.constant 1024 : i32
        %dma_wait3A_568 = arith.constant 0 : i32
        %dma_wait3A_569 = tpu.memref_slice %arg6[%dma_wait3A_566, %dma_wait3A_567, %dma_wait3A_568] : memref<2x1280x32xf32, #tpu.memory_space<vmem>> -> memref<1x128x32xf32, #tpu.memory_space<vmem>>
        %dma_wait3A_570 = tpu.memref_squeeze %dma_wait3A_569 : memref<1x128x32xf32, #tpu.memory_space<vmem>> -> memref<128x32xf32, #tpu.memory_space<vmem>>
        %dma_wait3A_571 = arith.constant 0 : i32
        %dma_wait3A_572 = tpu.memref_slice %arg5[%dma_wait3A_564, %dma_wait3A_565, %dma_wait3A_571] : memref<2x20x128xi32, #tpu.memory_space<vmem>> -> memref<1x1x128xi32, #tpu.memory_space<vmem>>
        %dma_wait3A_573 = tpu.memref_squeeze %dma_wait3A_572 : memref<1x1x128xi32, #tpu.memory_space<vmem>> -> memref<128xi32, #tpu.memory_space<vmem>>
        %dma_wait3A_574 = arith.constant 0 : i32
        %dma_wait3A_575 = arith.constant 0 : i32
        %dma_wait3A_576 = tpu.memref_slice %arg2[%dma_wait3A_563, %dma_wait3A_574, %dma_wait3A_575] : memref<26x100000x32xf32, #tpu.memory_space<hbm>> -> memref<1x100000x32xf32, #tpu.memory_space<hbm>>
        %dma_wait3A_577 = tpu.memref_squeeze %dma_wait3A_576 : memref<1x100000x32xf32, #tpu.memory_space<hbm>> -> memref<100000x32xf32, #tpu.memory_space<hbm>>
        %dma_wait3A_578 = arith.constant 0 : i32
        %dma_wait3A_579 = arith.constant 0 : i32
        %dma_wait3A_580 = tpu.memref_slice %dma_wait3A_577[%dma_wait3A_578, %dma_wait3A_579] : memref<100000x32xf32, #tpu.memory_space<hbm>> -> memref<100000x32xf32, #tpu.memory_space<hbm>>
        tpu.wait_indirect_dma semaphore(%arg8 : memref<!tpu.dma_semaphore, #tpu.memory_space<semaphore_mem>>) src(%dma_wait3A_580 : memref<100000x32xf32, #tpu.memory_space<hbm>>) dst(%dma_wait3A_570 : memref<128x32xf32, #tpu.memory_space<vmem>>)
        %dma_wait3A_581 = arith.constant 0 : i32
        %dma_wait3A_582 = arith.constant 0 : i32
        %dma_wait3A_583 = arith.constant 0 : i32
        %dma_wait3A_584 = arith.constant 0 : i32
        %dma_wait3A_585 = arith.constant 1152 : i32
        %dma_wait3A_586 = arith.constant 0 : i32
        %dma_wait3A_587 = tpu.memref_slice %arg6[%dma_wait3A_584, %dma_wait3A_585, %dma_wait3A_586] : memref<2x1280x32xf32, #tpu.memory_space<vmem>> -> memref<1x128x32xf32, #tpu.memory_space<vmem>>
        %dma_wait3A_588 = tpu.memref_squeeze %dma_wait3A_587 : memref<1x128x32xf32, #tpu.memory_space<vmem>> -> memref<128x32xf32, #tpu.memory_space<vmem>>
        %dma_wait3A_589 = arith.constant 0 : i32
        %dma_wait3A_590 = tpu.memref_slice %arg5[%dma_wait3A_582, %dma_wait3A_583, %dma_wait3A_589] : memref<2x20x128xi32, #tpu.memory_space<vmem>> -> memref<1x1x128xi32, #tpu.memory_space<vmem>>
        %dma_wait3A_591 = tpu.memref_squeeze %dma_wait3A_590 : memref<1x1x128xi32, #tpu.memory_space<vmem>> -> memref<128xi32, #tpu.memory_space<vmem>>
        %dma_wait3A_592 = arith.constant 0 : i32
        %dma_wait3A_593 = arith.constant 0 : i32
        %dma_wait3A_594 = tpu.memref_slice %arg2[%dma_wait3A_581, %dma_wait3A_592, %dma_wait3A_593] : memref<26x100000x32xf32, #tpu.memory_space<hbm>> -> memref<1x100000x32xf32, #tpu.memory_space<hbm>>
        %dma_wait3A_595 = tpu.memref_squeeze %dma_wait3A_594 : memref<1x100000x32xf32, #tpu.memory_space<hbm>> -> memref<100000x32xf32, #tpu.memory_space<hbm>>
        %dma_wait3A_596 = arith.constant 0 : i32
        %dma_wait3A_597 = arith.constant 0 : i32
        %dma_wait3A_598 = tpu.memref_slice %dma_wait3A_595[%dma_wait3A_596, %dma_wait3A_597] : memref<100000x32xf32, #tpu.memory_space<hbm>> -> memref<100000x32xf32, #tpu.memory_space<hbm>>
        tpu.wait_indirect_dma semaphore(%arg8 : memref<!tpu.dma_semaphore, #tpu.memory_space<semaphore_mem>>) src(%dma_wait3A_598 : memref<100000x32xf32, #tpu.memory_space<hbm>>) dst(%dma_wait3A_588 : memref<128x32xf32, #tpu.memory_space<vmem>>)
        %scan3A_599 = arith.constant 0 : i32
        %scan3A_600 = arith.constant 0 : i32
        %scan3A_601 = arith.constant 32 : i32
        %scan3A_602 = arith.addi %scan3A_600, %scan3A_601 : i32
        %scan3A_603 = arith.constant 1 : i32
        %scan3A_604 = scf.for %scan3A_606 = %scan3A_600 to %scan3A_602 step %scan3A_603 iter_args(%scan3A_607 = %scan3A_599) -> (i32)  : i32 {
          %mul3A_608 = arith.constant 2 : i32
          %mul3A_609 = arith.muli %scan3A_606, %mul3A_608 : i32
          %add3A_610 = arith.constant 0 : i32
          %add3A_611 = arith.addi %mul3A_609, %add3A_610 : i32
          %mul3A_612 = arith.constant 20 : i32
          %mul3A_613 = arith.muli %add3A_611, %mul3A_612 : i32
          %add3A_614 = arith.constant 0 : i32
          %add3A_615 = arith.addi %mul3A_613, %add3A_614 : i32
          %get3A = arith.constant 0 : i32
          %get3A_616 = arith.index_cast %get3A : i32 to index
          %get3A_617 = arith.index_cast %add3A_615 : i32 to index
          %get3A_618 = arith.constant 0 : index
          %get3A_619 = tpu.vector_load %arg6[%get3A_616, %get3A_617, %get3A_618] {strides = array<i32>} : memref<2x1280x32xf32, #tpu.memory_space<vmem>>, vector<1x1x16xf32>,
          %get3A_620 = vector.shape_cast %get3A_619 : vector<1x1x16xf32> to vector<16xf32>
          %add3A_621 = arith.constant 1 : i32
          %add3A_622 = arith.addi %mul3A_613, %add3A_621 : i32
          %get3A_623 = arith.constant 0 : i32
          %get3A_624 = arith.index_cast %get3A_623 : i32 to index
          %get3A_625 = arith.index_cast %add3A_622 : i32 to index
          %get3A_626 = arith.constant 0 : index
          %get3A_627 = tpu.vector_load %arg6[%get3A_624, %get3A_625, %get3A_626] {strides = array<i32>} : memref<2x1280x32xf32, #tpu.memory_space<vmem>>, vector<1x1x16xf32>,
          %get3A_628 = vector.shape_cast %get3A_627 : vector<1x1x16xf32> to vector<16xf32>
          %add3A_629 = arith.constant 2 : i32
          %add3A_630 = arith.addi %mul3A_613, %add3A_629 : i32
          %get3A_631 = arith.constant 0 : i32
          %get3A_632 = arith.index_cast %get3A_631 : i32 to index
          %get3A_633 = arith.index_cast %add3A_630 : i32 to index
          %get3A_634 = arith.constant 0 : index
          %get3A_635 = tpu.vector_load %arg6[%get3A_632, %get3A_633, %get3A_634] {strides = array<i32>} : memref<2x1280x32xf32, #tpu.memory_space<vmem>>, vector<1x1x16xf32>,
          %get3A_636 = vector.shape_cast %get3A_635 : vector<1x1x16xf32> to vector<16xf32>
          %add3A_637 = arith.constant 3 : i32
          %add3A_638 = arith.addi %mul3A_613, %add3A_637 : i32
          %get3A_639 = arith.constant 0 : i32
          %get3A_640 = arith.index_cast %get3A_639 : i32 to index
          %get3A_641 = arith.index_cast %add3A_638 : i32 to index
          %get3A_642 = arith.constant 0 : index
          %get3A_643 = tpu.vector_load %arg6[%get3A_640, %get3A_641, %get3A_642] {strides = array<i32>} : memref<2x1280x32xf32, #tpu.memory_space<vmem>>, vector<1x1x16xf32>,
          %get3A_644 = vector.shape_cast %get3A_643 : vector<1x1x16xf32> to vector<16xf32>
          %add3A_645 = arith.constant 4 : i32
          %add3A_646 = arith.addi %mul3A_613, %add3A_645 : i32
          %get3A_647 = arith.constant 0 : i32
          %get3A_648 = arith.index_cast %get3A_647 : i32 to index
          %get3A_649 = arith.index_cast %add3A_646 : i32 to index
          %get3A_650 = arith.constant 0 : index
          %get3A_651 = tpu.vector_load %arg6[%get3A_648, %get3A_649, %get3A_650] {strides = array<i32>} : memref<2x1280x32xf32, #tpu.memory_space<vmem>>, vector<1x1x16xf32>,
          %get3A_652 = vector.shape_cast %get3A_651 : vector<1x1x16xf32> to vector<16xf32>
          %add3A_653 = arith.constant 5 : i32
          %add3A_654 = arith.addi %mul3A_613, %add3A_653 : i32
          %get3A_655 = arith.constant 0 : i32
          %get3A_656 = arith.index_cast %get3A_655 : i32 to index
          %get3A_657 = arith.index_cast %add3A_654 : i32 to index
          %get3A_658 = arith.constant 0 : index
          %get3A_659 = tpu.vector_load %arg6[%get3A_656, %get3A_657, %get3A_658] {strides = array<i32>} : memref<2x1280x32xf32, #tpu.memory_space<vmem>>, vector<1x1x16xf32>,
          %get3A_660 = vector.shape_cast %get3A_659 : vector<1x1x16xf32> to vector<16xf32>
          %add3A_661 = arith.constant 6 : i32
          %add3A_662 = arith.addi %mul3A_613, %add3A_661 : i32
          %get3A_663 = arith.constant 0 : i32
          %get3A_664 = arith.index_cast %get3A_663 : i32 to index
          %get3A_665 = arith.index_cast %add3A_662 : i32 to index
          %get3A_666 = arith.constant 0 : index
          %get3A_667 = tpu.vector_load %arg6[%get3A_664, %get3A_665, %get3A_666] {strides = array<i32>} : memref<2x1280x32xf32, #tpu.memory_space<vmem>>, vector<1x1x16xf32>,
          %get3A_668 = vector.shape_cast %get3A_667 : vector<1x1x16xf32> to vector<16xf32>
          %add3A_669 = arith.constant 7 : i32
          %add3A_670 = arith.addi %mul3A_613, %add3A_669 : i32
          %get3A_671 = arith.constant 0 : i32
          %get3A_672 = arith.index_cast %get3A_671 : i32 to index
          %get3A_673 = arith.index_cast %add3A_670 : i32 to index
          %get3A_674 = arith.constant 0 : index
          %get3A_675 = tpu.vector_load %arg6[%get3A_672, %get3A_673, %get3A_674] {strides = array<i32>} : memref<2x1280x32xf32, #tpu.memory_space<vmem>>, vector<1x1x16xf32>,
          %get3A_676 = vector.shape_cast %get3A_675 : vector<1x1x16xf32> to vector<16xf32>
          %add3A_677 = arith.constant 8 : i32
          %add3A_678 = arith.addi %mul3A_613, %add3A_677 : i32
          %get3A_679 = arith.constant 0 : i32
          %get3A_680 = arith.index_cast %get3A_679 : i32 to index
          %get3A_681 = arith.index_cast %add3A_678 : i32 to index
          %get3A_682 = arith.constant 0 : index
          %get3A_683 = tpu.vector_load %arg6[%get3A_680, %get3A_681, %get3A_682] {strides = array<i32>} : memref<2x1280x32xf32, #tpu.memory_space<vmem>>, vector<1x1x16xf32>,
          %get3A_684 = vector.shape_cast %get3A_683 : vector<1x1x16xf32> to vector<16xf32>
          %add3A_685 = arith.constant 9 : i32
          %add3A_686 = arith.addi %mul3A_613, %add3A_685 : i32
          %get3A_687 = arith.constant 0 : i32
          %get3A_688 = arith.index_cast %get3A_687 : i32 to index
          %get3A_689 = arith.index_cast %add3A_686 : i32 to index
          %get3A_690 = arith.constant 0 : index
          %get3A_691 = tpu.vector_load %arg6[%get3A_688, %get3A_689, %get3A_690] {strides = array<i32>} : memref<2x1280x32xf32, #tpu.memory_space<vmem>>, vector<1x1x16xf32>,
          %get3A_692 = vector.shape_cast %get3A_691 : vector<1x1x16xf32> to vector<16xf32>
          %add3A_693 = arith.constant 10 : i32
          %add3A_694 = arith.addi %mul3A_613, %add3A_693 : i32
          %get3A_695 = arith.constant 0 : i32
          %get3A_696 = arith.index_cast %get3A_695 : i32 to index
          %get3A_697 = arith.index_cast %add3A_694 : i32 to index
          %get3A_698 = arith.constant 0 : index
          %get3A_699 = tpu.vector_load %arg6[%get3A_696, %get3A_697, %get3A_698] {strides = array<i32>} : memref<2x1280x32xf32, #tpu.memory_space<vmem>>, vector<1x1x16xf32>,
          %get3A_700 = vector.shape_cast %get3A_699 : vector<1x1x16xf32> to vector<16xf32>
          %add3A_701 = arith.constant 11 : i32
          %add3A_702 = arith.addi %mul3A_613, %add3A_701 : i32
          %get3A_703 = arith.constant 0 : i32
          %get3A_704 = arith.index_cast %get3A_703 : i32 to index
          %get3A_705 = arith.index_cast %add3A_702 : i32 to index
          %get3A_706 = arith.constant 0 : index
          %get3A_707 = tpu.vector_load %arg6[%get3A_704, %get3A_705, %get3A_706] {strides = array<i32>} : memref<2x1280x32xf32, #tpu.memory_space<vmem>>, vector<1x1x16xf32>,
          %get3A_708 = vector.shape_cast %get3A_707 : vector<1x1x16xf32> to vector<16xf32>
          %add3A_709 = arith.constant 12 : i32
          %add3A_710 = arith.addi %mul3A_613, %add3A_709 : i32
          %get3A_711 = arith.constant 0 : i32
          %get3A_712 = arith.index_cast %get3A_711 : i32 to index
          %get3A_713 = arith.index_cast %add3A_710 : i32 to index
          %get3A_714 = arith.constant 0 : index
          %get3A_715 = tpu.vector_load %arg6[%get3A_712, %get3A_713, %get3A_714] {strides = array<i32>} : memref<2x1280x32xf32, #tpu.memory_space<vmem>>, vector<1x1x16xf32>,
          %get3A_716 = vector.shape_cast %get3A_715 : vector<1x1x16xf32> to vector<16xf32>
          %add3A_717 = arith.constant 13 : i32
          %add3A_718 = arith.addi %mul3A_613, %add3A_717 : i32
          %get3A_719 = arith.constant 0 : i32
          %get3A_720 = arith.index_cast %get3A_719 : i32 to index
          %get3A_721 = arith.index_cast %add3A_718 : i32 to index
          %get3A_722 = arith.constant 0 : index
          %get3A_723 = tpu.vector_load %arg6[%get3A_720, %get3A_721, %get3A_722] {strides = array<i32>} : memref<2x1280x32xf32, #tpu.memory_space<vmem>>, vector<1x1x16xf32>,
          %get3A_724 = vector.shape_cast %get3A_723 : vector<1x1x16xf32> to vector<16xf32>
          %add3A_725 = arith.constant 14 : i32
          %add3A_726 = arith.addi %mul3A_613, %add3A_725 : i32
          %get3A_727 = arith.constant 0 : i32
          %get3A_728 = arith.index_cast %get3A_727 : i32 to index
          %get3A_729 = arith.index_cast %add3A_726 : i32 to index
          %get3A_730 = arith.constant 0 : index
          %get3A_731 = tpu.vector_load %arg6[%get3A_728, %get3A_729, %get3A_730] {strides = array<i32>} : memref<2x1280x32xf32, #tpu.memory_space<vmem>>, vector<1x1x16xf32>,
          %get3A_732 = vector.shape_cast %get3A_731 : vector<1x1x16xf32> to vector<16xf32>
          %add3A_733 = arith.constant 15 : i32
          %add3A_734 = arith.addi %mul3A_613, %add3A_733 : i32
          %get3A_735 = arith.constant 0 : i32
          %get3A_736 = arith.index_cast %get3A_735 : i32 to index
          %get3A_737 = arith.index_cast %add3A_734 : i32 to index
          %get3A_738 = arith.constant 0 : index
          %get3A_739 = tpu.vector_load %arg6[%get3A_736, %get3A_737, %get3A_738] {strides = array<i32>} : memref<2x1280x32xf32, #tpu.memory_space<vmem>>, vector<1x1x16xf32>,
          %get3A_740 = vector.shape_cast %get3A_739 : vector<1x1x16xf32> to vector<16xf32>
          %add3A_741 = arith.constant 16 : i32
          %add3A_742 = arith.addi %mul3A_613, %add3A_741 : i32
          %get3A_743 = arith.constant 0 : i32
          %get3A_744 = arith.index_cast %get3A_743 : i32 to index
          %get3A_745 = arith.index_cast %add3A_742 : i32 to index
          %get3A_746 = arith.constant 0 : index
          %get3A_747 = tpu.vector_load %arg6[%get3A_744, %get3A_745, %get3A_746] {strides = array<i32>} : memref<2x1280x32xf32, #tpu.memory_space<vmem>>, vector<1x1x16xf32>,
          %get3A_748 = vector.shape_cast %get3A_747 : vector<1x1x16xf32> to vector<16xf32>
          %add3A_749 = arith.constant 17 : i32
          %add3A_750 = arith.addi %mul3A_613, %add3A_749 : i32
          %get3A_751 = arith.constant 0 : i32
          %get3A_752 = arith.index_cast %get3A_751 : i32 to index
          %get3A_753 = arith.index_cast %add3A_750 : i32 to index
          %get3A_754 = arith.constant 0 : index
          %get3A_755 = tpu.vector_load %arg6[%get3A_752, %get3A_753, %get3A_754] {strides = array<i32>} : memref<2x1280x32xf32, #tpu.memory_space<vmem>>, vector<1x1x16xf32>,
          %get3A_756 = vector.shape_cast %get3A_755 : vector<1x1x16xf32> to vector<16xf32>
          %add3A_757 = arith.constant 18 : i32
          %add3A_758 = arith.addi %mul3A_613, %add3A_757 : i32
          %get3A_759 = arith.constant 0 : i32
          %get3A_760 = arith.index_cast %get3A_759 : i32 to index
          %get3A_761 = arith.index_cast %add3A_758 : i32 to index
          %get3A_762 = arith.constant 0 : index
          %get3A_763 = tpu.vector_load %arg6[%get3A_760, %get3A_761, %get3A_762] {strides = array<i32>} : memref<2x1280x32xf32, #tpu.memory_space<vmem>>, vector<1x1x16xf32>,
          %get3A_764 = vector.shape_cast %get3A_763 : vector<1x1x16xf32> to vector<16xf32>
          %add3A_765 = arith.constant 19 : i32
          %add3A_766 = arith.addi %mul3A_613, %add3A_765 : i32
          %get3A_767 = arith.constant 0 : i32
          %get3A_768 = arith.index_cast %get3A_767 : i32 to index
          %get3A_769 = arith.index_cast %add3A_766 : i32 to index
          %get3A_770 = arith.constant 0 : index
          %get3A_771 = tpu.vector_load %arg6[%get3A_768, %get3A_769, %get3A_770] {strides = array<i32>} : memref<2x1280x32xf32, #tpu.memory_space<vmem>>, vector<1x1x16xf32>,
          %get3A_772 = vector.shape_cast %get3A_771 : vector<1x1x16xf32> to vector<16xf32>
          %add3A_773 = arith.addf %get3A_620, %get3A_628 : vector<16xf32>
          %add3A_774 = arith.addf %get3A_636, %get3A_644 : vector<16xf32>
          %add3A_775 = arith.addf %get3A_652, %get3A_660 : vector<16xf32>
          %add3A_776 = arith.addf %get3A_668, %get3A_676 : vector<16xf32>
          %add3A_777 = arith.addf %get3A_684, %get3A_692 : vector<16xf32>
          %add3A_778 = arith.addf %get3A_700, %get3A_708 : vector<16xf32>
          %add3A_779 = arith.addf %get3A_716, %get3A_724 : vector<16xf32>
          %add3A_780 = arith.addf %get3A_732, %get3A_740 : vector<16xf32>
          %add3A_781 = arith.addf %get3A_748, %get3A_756 : vector<16xf32>
          %add3A_782 = arith.addf %get3A_764, %get3A_772 : vector<16xf32>
          %add3A_783 = arith.addf %add3A_773, %add3A_774 : vector<16xf32>
          %add3A_784 = arith.addf %add3A_775, %add3A_776 : vector<16xf32>
          %add3A_785 = arith.addf %add3A_777, %add3A_778 : vector<16xf32>
          %add3A_786 = arith.addf %add3A_779, %add3A_780 : vector<16xf32>
          %add3A_787 = arith.addf %add3A_781, %add3A_782 : vector<16xf32>
          %add3A_788 = arith.addf %add3A_783, %add3A_784 : vector<16xf32>
          %add3A_789 = arith.addf %add3A_785, %add3A_786 : vector<16xf32>
          %add3A_790 = arith.addf %add3A_788, %add3A_789 : vector<16xf32>
          %add3A_791 = arith.addf %add3A_790, %add3A_787 : vector<16xf32>
          %add3A_792 = arith.constant 0 : i32
          %add3A_793 = arith.addi %mul3A_613, %add3A_792 : i32
          %get3A_794 = arith.constant 0 : i32
          %get3A_795 = arith.index_cast %get3A_794 : i32 to index
          %get3A_796 = arith.index_cast %add3A_793 : i32 to index
          %get3A_797 = arith.constant 16 : index
          %get3A_798 = tpu.vector_load %arg6[%get3A_795, %get3A_796, %get3A_797] {strides = array<i32>} : memref<2x1280x32xf32, #tpu.memory_space<vmem>>, vector<1x1x16xf32>,
          %get3A_799 = vector.shape_cast %get3A_798 : vector<1x1x16xf32> to vector<16xf32>
          %add3A_800 = arith.constant 1 : i32
          %add3A_801 = arith.addi %mul3A_613, %add3A_800 : i32
          %get3A_802 = arith.constant 0 : i32
          %get3A_803 = arith.index_cast %get3A_802 : i32 to index
          %get3A_804 = arith.index_cast %add3A_801 : i32 to index
          %get3A_805 = arith.constant 16 : index
          %get3A_806 = tpu.vector_load %arg6[%get3A_803, %get3A_804, %get3A_805] {strides = array<i32>} : memref<2x1280x32xf32, #tpu.memory_space<vmem>>, vector<1x1x16xf32>,
          %get3A_807 = vector.shape_cast %get3A_806 : vector<1x1x16xf32> to vector<16xf32>
          %add3A_808 = arith.constant 2 : i32
          %add3A_809 = arith.addi %mul3A_613, %add3A_808 : i32
          %get3A_810 = arith.constant 0 : i32
          %get3A_811 = arith.index_cast %get3A_810 : i32 to index
          %get3A_812 = arith.index_cast %add3A_809 : i32 to index
          %get3A_813 = arith.constant 16 : index
          %get3A_814 = tpu.vector_load %arg6[%get3A_811, %get3A_812, %get3A_813] {strides = array<i32>} : memref<2x1280x32xf32, #tpu.memory_space<vmem>>, vector<1x1x16xf32>,
          %get3A_815 = vector.shape_cast %get3A_814 : vector<1x1x16xf32> to vector<16xf32>
          %add3A_816 = arith.constant 3 : i32
          %add3A_817 = arith.addi %mul3A_613, %add3A_816 : i32
          %get3A_818 = arith.constant 0 : i32
          %get3A_819 = arith.index_cast %get3A_818 : i32 to index
          %get3A_820 = arith.index_cast %add3A_817 : i32 to index
          %get3A_821 = arith.constant 16 : index
          %get3A_822 = tpu.vector_load %arg6[%get3A_819, %get3A_820, %get3A_821] {strides = array<i32>} : memref<2x1280x32xf32, #tpu.memory_space<vmem>>, vector<1x1x16xf32>,
          %get3A_823 = vector.shape_cast %get3A_822 : vector<1x1x16xf32> to vector<16xf32>
          %add3A_824 = arith.constant 4 : i32
          %add3A_825 = arith.addi %mul3A_613, %add3A_824 : i32
          %get3A_826 = arith.constant 0 : i32
          %get3A_827 = arith.index_cast %get3A_826 : i32 to index
          %get3A_828 = arith.index_cast %add3A_825 : i32 to index
          %get3A_829 = arith.constant 16 : index
          %get3A_830 = tpu.vector_load %arg6[%get3A_827, %get3A_828, %get3A_829] {strides = array<i32>} : memref<2x1280x32xf32, #tpu.memory_space<vmem>>, vector<1x1x16xf32>,
          %get3A_831 = vector.shape_cast %get3A_830 : vector<1x1x16xf32> to vector<16xf32>
          %add3A_832 = arith.constant 5 : i32
          %add3A_833 = arith.addi %mul3A_613, %add3A_832 : i32
          %get3A_834 = arith.constant 0 : i32
          %get3A_835 = arith.index_cast %get3A_834 : i32 to index
          %get3A_836 = arith.index_cast %add3A_833 : i32 to index
          %get3A_837 = arith.constant 16 : index
          %get3A_838 = tpu.vector_load %arg6[%get3A_835, %get3A_836, %get3A_837] {strides = array<i32>} : memref<2x1280x32xf32, #tpu.memory_space<vmem>>, vector<1x1x16xf32>,
          %get3A_839 = vector.shape_cast %get3A_838 : vector<1x1x16xf32> to vector<16xf32>
          %add3A_840 = arith.constant 6 : i32
          %add3A_841 = arith.addi %mul3A_613, %add3A_840 : i32
          %get3A_842 = arith.constant 0 : i32
          %get3A_843 = arith.index_cast %get3A_842 : i32 to index
          %get3A_844 = arith.index_cast %add3A_841 : i32 to index
          %get3A_845 = arith.constant 16 : index
          %get3A_846 = tpu.vector_load %arg6[%get3A_843, %get3A_844, %get3A_845] {strides = array<i32>} : memref<2x1280x32xf32, #tpu.memory_space<vmem>>, vector<1x1x16xf32>,
          %get3A_847 = vector.shape_cast %get3A_846 : vector<1x1x16xf32> to vector<16xf32>
          %add3A_848 = arith.constant 7 : i32
          %add3A_849 = arith.addi %mul3A_613, %add3A_848 : i32
          %get3A_850 = arith.constant 0 : i32
          %get3A_851 = arith.index_cast %get3A_850 : i32 to index
          %get3A_852 = arith.index_cast %add3A_849 : i32 to index
          %get3A_853 = arith.constant 16 : index
          %get3A_854 = tpu.vector_load %arg6[%get3A_851, %get3A_852, %get3A_853] {strides = array<i32>} : memref<2x1280x32xf32, #tpu.memory_space<vmem>>, vector<1x1x16xf32>,
          %get3A_855 = vector.shape_cast %get3A_854 : vector<1x1x16xf32> to vector<16xf32>
          %add3A_856 = arith.constant 8 : i32
          %add3A_857 = arith.addi %mul3A_613, %add3A_856 : i32
          %get3A_858 = arith.constant 0 : i32
          %get3A_859 = arith.index_cast %get3A_858 : i32 to index
          %get3A_860 = arith.index_cast %add3A_857 : i32 to index
          %get3A_861 = arith.constant 16 : index
          %get3A_862 = tpu.vector_load %arg6[%get3A_859, %get3A_860, %get3A_861] {strides = array<i32>} : memref<2x1280x32xf32, #tpu.memory_space<vmem>>, vector<1x1x16xf32>,
          %get3A_863 = vector.shape_cast %get3A_862 : vector<1x1x16xf32> to vector<16xf32>
          %add3A_864 = arith.constant 9 : i32
          %add3A_865 = arith.addi %mul3A_613, %add3A_864 : i32
          %get3A_866 = arith.constant 0 : i32
          %get3A_867 = arith.index_cast %get3A_866 : i32 to index
          %get3A_868 = arith.index_cast %add3A_865 : i32 to index
          %get3A_869 = arith.constant 16 : index
          %get3A_870 = tpu.vector_load %arg6[%get3A_867, %get3A_868, %get3A_869] {strides = array<i32>} : memref<2x1280x32xf32, #tpu.memory_space<vmem>>, vector<1x1x16xf32>,
          %get3A_871 = vector.shape_cast %get3A_870 : vector<1x1x16xf32> to vector<16xf32>
          %add3A_872 = arith.constant 10 : i32
          %add3A_873 = arith.addi %mul3A_613, %add3A_872 : i32
          %get3A_874 = arith.constant 0 : i32
          %get3A_875 = arith.index_cast %get3A_874 : i32 to index
          %get3A_876 = arith.index_cast %add3A_873 : i32 to index
          %get3A_877 = arith.constant 16 : index
          %get3A_878 = tpu.vector_load %arg6[%get3A_875, %get3A_876, %get3A_877] {strides = array<i32>} : memref<2x1280x32xf32, #tpu.memory_space<vmem>>, vector<1x1x16xf32>,
          %get3A_879 = vector.shape_cast %get3A_878 : vector<1x1x16xf32> to vector<16xf32>
          %add3A_880 = arith.constant 11 : i32
          %add3A_881 = arith.addi %mul3A_613, %add3A_880 : i32
          %get3A_882 = arith.constant 0 : i32
          %get3A_883 = arith.index_cast %get3A_882 : i32 to index
          %get3A_884 = arith.index_cast %add3A_881 : i32 to index
          %get3A_885 = arith.constant 16 : index
          %get3A_886 = tpu.vector_load %arg6[%get3A_883, %get3A_884, %get3A_885] {strides = array<i32>} : memref<2x1280x32xf32, #tpu.memory_space<vmem>>, vector<1x1x16xf32>,
          %get3A_887 = vector.shape_cast %get3A_886 : vector<1x1x16xf32> to vector<16xf32>
          %add3A_888 = arith.constant 12 : i32
          %add3A_889 = arith.addi %mul3A_613, %add3A_888 : i32
          %get3A_890 = arith.constant 0 : i32
          %get3A_891 = arith.index_cast %get3A_890 : i32 to index
          %get3A_892 = arith.index_cast %add3A_889 : i32 to index
          %get3A_893 = arith.constant 16 : index
          %get3A_894 = tpu.vector_load %arg6[%get3A_891, %get3A_892, %get3A_893] {strides = array<i32>} : memref<2x1280x32xf32, #tpu.memory_space<vmem>>, vector<1x1x16xf32>,
          %get3A_895 = vector.shape_cast %get3A_894 : vector<1x1x16xf32> to vector<16xf32>
          %add3A_896 = arith.constant 13 : i32
          %add3A_897 = arith.addi %mul3A_613, %add3A_896 : i32
          %get3A_898 = arith.constant 0 : i32
          %get3A_899 = arith.index_cast %get3A_898 : i32 to index
          %get3A_900 = arith.index_cast %add3A_897 : i32 to index
          %get3A_901 = arith.constant 16 : index
          %get3A_902 = tpu.vector_load %arg6[%get3A_899, %get3A_900, %get3A_901] {strides = array<i32>} : memref<2x1280x32xf32, #tpu.memory_space<vmem>>, vector<1x1x16xf32>,
          %get3A_903 = vector.shape_cast %get3A_902 : vector<1x1x16xf32> to vector<16xf32>
          %add3A_904 = arith.constant 14 : i32
          %add3A_905 = arith.addi %mul3A_613, %add3A_904 : i32
          %get3A_906 = arith.constant 0 : i32
          %get3A_907 = arith.index_cast %get3A_906 : i32 to index
          %get3A_908 = arith.index_cast %add3A_905 : i32 to index
          %get3A_909 = arith.constant 16 : index
          %get3A_910 = tpu.vector_load %arg6[%get3A_907, %get3A_908, %get3A_909] {strides = array<i32>} : memref<2x1280x32xf32, #tpu.memory_space<vmem>>, vector<1x1x16xf32>,
          %get3A_911 = vector.shape_cast %get3A_910 : vector<1x1x16xf32> to vector<16xf32>
          %add3A_912 = arith.constant 15 : i32
          %add3A_913 = arith.addi %mul3A_613, %add3A_912 : i32
          %get3A_914 = arith.constant 0 : i32
          %get3A_915 = arith.index_cast %get3A_914 : i32 to index
          %get3A_916 = arith.index_cast %add3A_913 : i32 to index
          %get3A_917 = arith.constant 16 : index
          %get3A_918 = tpu.vector_load %arg6[%get3A_915, %get3A_916, %get3A_917] {strides = array<i32>} : memref<2x1280x32xf32, #tpu.memory_space<vmem>>, vector<1x1x16xf32>,
          %get3A_919 = vector.shape_cast %get3A_918 : vector<1x1x16xf32> to vector<16xf32>
          %add3A_920 = arith.constant 16 : i32
          %add3A_921 = arith.addi %mul3A_613, %add3A_920 : i32
          %get3A_922 = arith.constant 0 : i32
          %get3A_923 = arith.index_cast %get3A_922 : i32 to index
          %get3A_924 = arith.index_cast %add3A_921 : i32 to index
          %get3A_925 = arith.constant 16 : index
          %get3A_926 = tpu.vector_load %arg6[%get3A_923, %get3A_924, %get3A_925] {strides = array<i32>} : memref<2x1280x32xf32, #tpu.memory_space<vmem>>, vector<1x1x16xf32>,
          %get3A_927 = vector.shape_cast %get3A_926 : vector<1x1x16xf32> to vector<16xf32>
          %add3A_928 = arith.constant 17 : i32
          %add3A_929 = arith.addi %mul3A_613, %add3A_928 : i32
          %get3A_930 = arith.constant 0 : i32
          %get3A_931 = arith.index_cast %get3A_930 : i32 to index
          %get3A_932 = arith.index_cast %add3A_929 : i32 to index
          %get3A_933 = arith.constant 16 : index
          %get3A_934 = tpu.vector_load %arg6[%get3A_931, %get3A_932, %get3A_933] {strides = array<i32>} : memref<2x1280x32xf32, #tpu.memory_space<vmem>>, vector<1x1x16xf32>,
          %get3A_935 = vector.shape_cast %get3A_934 : vector<1x1x16xf32> to vector<16xf32>
          %add3A_936 = arith.constant 18 : i32
          %add3A_937 = arith.addi %mul3A_613, %add3A_936 : i32
          %get3A_938 = arith.constant 0 : i32
          %get3A_939 = arith.index_cast %get3A_938 : i32 to index
          %get3A_940 = arith.index_cast %add3A_937 : i32 to index
          %get3A_941 = arith.constant 16 : index
          %get3A_942 = tpu.vector_load %arg6[%get3A_939, %get3A_940, %get3A_941] {strides = array<i32>} : memref<2x1280x32xf32, #tpu.memory_space<vmem>>, vector<1x1x16xf32>,
          %get3A_943 = vector.shape_cast %get3A_942 : vector<1x1x16xf32> to vector<16xf32>
          %add3A_944 = arith.constant 19 : i32
          %add3A_945 = arith.addi %mul3A_613, %add3A_944 : i32
          %get3A_946 = arith.constant 0 : i32
          %get3A_947 = arith.index_cast %get3A_946 : i32 to index
          %get3A_948 = arith.index_cast %add3A_945 : i32 to index
          %get3A_949 = arith.constant 16 : index
          %get3A_950 = tpu.vector_load %arg6[%get3A_947, %get3A_948, %get3A_949] {strides = array<i32>} : memref<2x1280x32xf32, #tpu.memory_space<vmem>>, vector<1x1x16xf32>,
          %get3A_951 = vector.shape_cast %get3A_950 : vector<1x1x16xf32> to vector<16xf32>
          %add3A_952 = arith.addf %get3A_799, %get3A_807 : vector<16xf32>
          %add3A_953 = arith.addf %get3A_815, %get3A_823 : vector<16xf32>
          %add3A_954 = arith.addf %get3A_831, %get3A_839 : vector<16xf32>
          %add3A_955 = arith.addf %get3A_847, %get3A_855 : vector<16xf32>
          %add3A_956 = arith.addf %get3A_863, %get3A_871 : vector<16xf32>
          %add3A_957 = arith.addf %get3A_879, %get3A_887 : vector<16xf32>
          %add3A_958 = arith.addf %get3A_895, %get3A_903 : vector<16xf32>
          %add3A_959 = arith.addf %get3A_911, %get3A_919 : vector<16xf32>
          %add3A_960 = arith.addf %get3A_927, %get3A_935 : vector<16xf32>
          %add3A_961 = arith.addf %get3A_943, %get3A_951 : vector<16xf32>
          %add3A_962 = arith.addf %add3A_952, %add3A_953 : vector<16xf32>
          %add3A_963 = arith.addf %add3A_954, %add3A_955 : vector<16xf32>
          %add3A_964 = arith.addf %add3A_956, %add3A_957 : vector<16xf32>
          %add3A_965 = arith.addf %add3A_958, %add3A_959 : vector<16xf32>
          %add3A_966 = arith.addf %add3A_960, %add3A_961 : vector<16xf32>
          %add3A_967 = arith.addf %add3A_962, %add3A_963 : vector<16xf32>
          %add3A_968 = arith.addf %add3A_964, %add3A_965 : vector<16xf32>
          %add3A_969 = arith.addf %add3A_967, %add3A_968 : vector<16xf32>
          %add3A_970 = arith.addf %add3A_969, %add3A_966 : vector<16xf32>
          %add3A_971 = arith.constant 0 : i32
          %add3A_972 = arith.addi %add3A_971, %add3A_611 : i32
          %swap3A = arith.index_cast %add3A_972 : i32 to index
          %swap3A_973 = arith.constant 0 : index
          %swap3A_974 = tpu.vector_load %arg7[%swap3A, %swap3A_973] {strides = array<i32>} : memref<128x32xf32, #tpu.memory_space<vmem>>, vector<1x16xf32>,
          %swap3A_975 = vector.shape_cast %swap3A_974 : vector<1x16xf32> to vector<16xf32>
          %swap3A_976 = vector.shape_cast %add3A_791 : vector<16xf32> to vector<1x16xf32>
          tpu.vector_store %arg7[%swap3A, %swap3A_973], %swap3A_976 {strides = array<i32>} : memref<128x32xf32, #tpu.memory_space<vmem>>, vector<1x16xf32>,
          %add3A_977 = arith.constant 0 : i32
          %add3A_978 = arith.addi %add3A_977, %add3A_611 : i32
          %swap3A_979 = arith.index_cast %add3A_978 : i32 to index
          %swap3A_980 = arith.constant 16 : index
          %swap3A_981 = tpu.vector_load %arg7[%swap3A_979, %swap3A_980] {strides = array<i32>} : memref<128x32xf32, #tpu.memory_space<vmem>>, vector<1x16xf32>,
          %swap3A_982 = vector.shape_cast %swap3A_981 : vector<1x16xf32> to vector<16xf32>
          %swap3A_983 = vector.shape_cast %add3A_970 : vector<16xf32> to vector<1x16xf32>
          tpu.vector_store %arg7[%swap3A_979, %swap3A_980], %swap3A_983 {strides = array<i32>} : memref<128x32xf32, #tpu.memory_space<vmem>>, vector<1x16xf32>,
          %mul3A_984 = arith.constant 2 : i32
          %mul3A_985 = arith.muli %scan3A_606, %mul3A_984 : i32
          %add3A_986 = arith.constant 1 : i32
          %add3A_987 = arith.addi %mul3A_985, %add3A_986 : i32
          %mul3A_988 = arith.constant 20 : i32
          %mul3A_989 = arith.muli %add3A_987, %mul3A_988 : i32
          %add3A_990 = arith.constant 0 : i32
          %add3A_991 = arith.addi %mul3A_989, %add3A_990 : i32
          %get3A_992 = arith.constant 0 : i32
          %get3A_993 = arith.index_cast %get3A_992 : i32 to index
          %get3A_994 = arith.index_cast %add3A_991 : i32 to index
          %get3A_995 = arith.constant 0 : index
          %get3A_996 = tpu.vector_load %arg6[%get3A_993, %get3A_994, %get3A_995] {strides = array<i32>} : memref<2x1280x32xf32, #tpu.memory_space<vmem>>, vector<1x1x16xf32>,
          %get3A_997 = vector.shape_cast %get3A_996 : vector<1x1x16xf32> to vector<16xf32>
          %add3A_998 = arith.constant 1 : i32
          %add3A_999 = arith.addi %mul3A_989, %add3A_998 : i32
          %get3A_1000 = arith.constant 0 : i32
          %get3A_1001 = arith.index_cast %get3A_1000 : i32 to index
          %get3A_1002 = arith.index_cast %add3A_999 : i32 to index
          %get3A_1003 = arith.constant 0 : index
          %get3A_1004 = tpu.vector_load %arg6[%get3A_1001, %get3A_1002, %get3A_1003] {strides = array<i32>} : memref<2x1280x32xf32, #tpu.memory_space<vmem>>, vector<1x1x16xf32>,
          %get3A_1005 = vector.shape_cast %get3A_1004 : vector<1x1x16xf32> to vector<16xf32>
          %add3A_1006 = arith.constant 2 : i32
          %add3A_1007 = arith.addi %mul3A_989, %add3A_1006 : i32
          %get3A_1008 = arith.constant 0 : i32
          %get3A_1009 = arith.index_cast %get3A_1008 : i32 to index
          %get3A_1010 = arith.index_cast %add3A_1007 : i32 to index
          %get3A_1011 = arith.constant 0 : index
          %get3A_1012 = tpu.vector_load %arg6[%get3A_1009, %get3A_1010, %get3A_1011] {strides = array<i32>} : memref<2x1280x32xf32, #tpu.memory_space<vmem>>, vector<1x1x16xf32>,
          %get3A_1013 = vector.shape_cast %get3A_1012 : vector<1x1x16xf32> to vector<16xf32>
          %add3A_1014 = arith.constant 3 : i32
          %add3A_1015 = arith.addi %mul3A_989, %add3A_1014 : i32
          %get3A_1016 = arith.constant 0 : i32
          %get3A_1017 = arith.index_cast %get3A_1016 : i32 to index
          %get3A_1018 = arith.index_cast %add3A_1015 : i32 to index
          %get3A_1019 = arith.constant 0 : index
          %get3A_1020 = tpu.vector_load %arg6[%get3A_1017, %get3A_1018, %get3A_1019] {strides = array<i32>} : memref<2x1280x32xf32, #tpu.memory_space<vmem>>, vector<1x1x16xf32>,
          %get3A_1021 = vector.shape_cast %get3A_1020 : vector<1x1x16xf32> to vector<16xf32>
          %add3A_1022 = arith.constant 4 : i32
          %add3A_1023 = arith.addi %mul3A_989, %add3A_1022 : i32
          %get3A_1024 = arith.constant 0 : i32
          %get3A_1025 = arith.index_cast %get3A_1024 : i32 to index
          %get3A_1026 = arith.index_cast %add3A_1023 : i32 to index
          %get3A_1027 = arith.constant 0 : index
          %get3A_1028 = tpu.vector_load %arg6[%get3A_1025, %get3A_1026, %get3A_1027] {strides = array<i32>} : memref<2x1280x32xf32, #tpu.memory_space<vmem>>, vector<1x1x16xf32>,
          %get3A_1029 = vector.shape_cast %get3A_1028 : vector<1x1x16xf32> to vector<16xf32>
          %add3A_1030 = arith.constant 5 : i32
          %add3A_1031 = arith.addi %mul3A_989, %add3A_1030 : i32
          %get3A_1032 = arith.constant 0 : i32
          %get3A_1033 = arith.index_cast %get3A_1032 : i32 to index
          %get3A_1034 = arith.index_cast %add3A_1031 : i32 to index
          %get3A_1035 = arith.constant 0 : index
          %get3A_1036 = tpu.vector_load %arg6[%get3A_1033, %get3A_1034, %get3A_1035] {strides = array<i32>} : memref<2x1280x32xf32, #tpu.memory_space<vmem>>, vector<1x1x16xf32>,
          %get3A_1037 = vector.shape_cast %get3A_1036 : vector<1x1x16xf32> to vector<16xf32>
          %add3A_1038 = arith.constant 6 : i32
          %add3A_1039 = arith.addi %mul3A_989, %add3A_1038 : i32
          %get3A_1040 = arith.constant 0 : i32
          %get3A_1041 = arith.index_cast %get3A_1040 : i32 to index
          %get3A_1042 = arith.index_cast %add3A_1039 : i32 to index
          %get3A_1043 = arith.constant 0 : index
          %get3A_1044 = tpu.vector_load %arg6[%get3A_1041, %get3A_1042, %get3A_1043] {strides = array<i32>} : memref<2x1280x32xf32, #tpu.memory_space<vmem>>, vector<1x1x16xf32>,
          %get3A_1045 = vector.shape_cast %get3A_1044 : vector<1x1x16xf32> to vector<16xf32>
          %add3A_1046 = arith.constant 7 : i32
          %add3A_1047 = arith.addi %mul3A_989, %add3A_1046 : i32
          %get3A_1048 = arith.constant 0 : i32
          %get3A_1049 = arith.index_cast %get3A_1048 : i32 to index
          %get3A_1050 = arith.index_cast %add3A_1047 : i32 to index
          %get3A_1051 = arith.constant 0 : index
          %get3A_1052 = tpu.vector_load %arg6[%get3A_1049, %get3A_1050, %get3A_1051] {strides = array<i32>} : memref<2x1280x32xf32, #tpu.memory_space<vmem>>, vector<1x1x16xf32>,
          %get3A_1053 = vector.shape_cast %get3A_1052 : vector<1x1x16xf32> to vector<16xf32>
          %add3A_1054 = arith.constant 8 : i32
          %add3A_1055 = arith.addi %mul3A_989, %add3A_1054 : i32
          %get3A_1056 = arith.constant 0 : i32
          %get3A_1057 = arith.index_cast %get3A_1056 : i32 to index
          %get3A_1058 = arith.index_cast %add3A_1055 : i32 to index
          %get3A_1059 = arith.constant 0 : index
          %get3A_1060 = tpu.vector_load %arg6[%get3A_1057, %get3A_1058, %get3A_1059] {strides = array<i32>} : memref<2x1280x32xf32, #tpu.memory_space<vmem>>, vector<1x1x16xf32>,
          %get3A_1061 = vector.shape_cast %get3A_1060 : vector<1x1x16xf32> to vector<16xf32>
          %add3A_1062 = arith.constant 9 : i32
          %add3A_1063 = arith.addi %mul3A_989, %add3A_1062 : i32
          %get3A_1064 = arith.constant 0 : i32
          %get3A_1065 = arith.index_cast %get3A_1064 : i32 to index
          %get3A_1066 = arith.index_cast %add3A_1063 : i32 to index
          %get3A_1067 = arith.constant 0 : index
          %get3A_1068 = tpu.vector_load %arg6[%get3A_1065, %get3A_1066, %get3A_1067] {strides = array<i32>} : memref<2x1280x32xf32, #tpu.memory_space<vmem>>, vector<1x1x16xf32>,
          %get3A_1069 = vector.shape_cast %get3A_1068 : vector<1x1x16xf32> to vector<16xf32>
          %add3A_1070 = arith.constant 10 : i32
          %add3A_1071 = arith.addi %mul3A_989, %add3A_1070 : i32
          %get3A_1072 = arith.constant 0 : i32
          %get3A_1073 = arith.index_cast %get3A_1072 : i32 to index
          %get3A_1074 = arith.index_cast %add3A_1071 : i32 to index
          %get3A_1075 = arith.constant 0 : index
          %get3A_1076 = tpu.vector_load %arg6[%get3A_1073, %get3A_1074, %get3A_1075] {strides = array<i32>} : memref<2x1280x32xf32, #tpu.memory_space<vmem>>, vector<1x1x16xf32>,
          %get3A_1077 = vector.shape_cast %get3A_1076 : vector<1x1x16xf32> to vector<16xf32>
          %add3A_1078 = arith.constant 11 : i32
          %add3A_1079 = arith.addi %mul3A_989, %add3A_1078 : i32
          %get3A_1080 = arith.constant 0 : i32
          %get3A_1081 = arith.index_cast %get3A_1080 : i32 to index
          %get3A_1082 = arith.index_cast %add3A_1079 : i32 to index
          %get3A_1083 = arith.constant 0 : index
          %get3A_1084 = tpu.vector_load %arg6[%get3A_1081, %get3A_1082, %get3A_1083] {strides = array<i32>} : memref<2x1280x32xf32, #tpu.memory_space<vmem>>, vector<1x1x16xf32>,
          %get3A_1085 = vector.shape_cast %get3A_1084 : vector<1x1x16xf32> to vector<16xf32>
          %add3A_1086 = arith.constant 12 : i32
          %add3A_1087 = arith.addi %mul3A_989, %add3A_1086 : i32
          %get3A_1088 = arith.constant 0 : i32
          %get3A_1089 = arith.index_cast %get3A_1088 : i32 to index
          %get3A_1090 = arith.index_cast %add3A_1087 : i32 to index
          %get3A_1091 = arith.constant 0 : index
          %get3A_1092 = tpu.vector_load %arg6[%get3A_1089, %get3A_1090, %get3A_1091] {strides = array<i32>} : memref<2x1280x32xf32, #tpu.memory_space<vmem>>, vector<1x1x16xf32>,
          %get3A_1093 = vector.shape_cast %get3A_1092 : vector<1x1x16xf32> to vector<16xf32>
          %add3A_1094 = arith.constant 13 : i32
          %add3A_1095 = arith.addi %mul3A_989, %add3A_1094 : i32
          %get3A_1096 = arith.constant 0 : i32
          %get3A_1097 = arith.index_cast %get3A_1096 : i32 to index
          %get3A_1098 = arith.index_cast %add3A_1095 : i32 to index
          %get3A_1099 = arith.constant 0 : index
          %get3A_1100 = tpu.vector_load %arg6[%get3A_1097, %get3A_1098, %get3A_1099] {strides = array<i32>} : memref<2x1280x32xf32, #tpu.memory_space<vmem>>, vector<1x1x16xf32>,
          %get3A_1101 = vector.shape_cast %get3A_1100 : vector<1x1x16xf32> to vector<16xf32>
          %add3A_1102 = arith.constant 14 : i32
          %add3A_1103 = arith.addi %mul3A_989, %add3A_1102 : i32
          %get3A_1104 = arith.constant 0 : i32
          %get3A_1105 = arith.index_cast %get3A_1104 : i32 to index
          %get3A_1106 = arith.index_cast %add3A_1103 : i32 to index
          %get3A_1107 = arith.constant 0 : index
          %get3A_1108 = tpu.vector_load %arg6[%get3A_1105, %get3A_1106, %get3A_1107] {strides = array<i32>} : memref<2x1280x32xf32, #tpu.memory_space<vmem>>, vector<1x1x16xf32>,
          %get3A_1109 = vector.shape_cast %get3A_1108 : vector<1x1x16xf32> to vector<16xf32>
          %add3A_1110 = arith.constant 15 : i32
          %add3A_1111 = arith.addi %mul3A_989, %add3A_1110 : i32
          %get3A_1112 = arith.constant 0 : i32
          %get3A_1113 = arith.index_cast %get3A_1112 : i32 to index
          %get3A_1114 = arith.index_cast %add3A_1111 : i32 to index
          %get3A_1115 = arith.constant 0 : index
          %get3A_1116 = tpu.vector_load %arg6[%get3A_1113, %get3A_1114, %get3A_1115] {strides = array<i32>} : memref<2x1280x32xf32, #tpu.memory_space<vmem>>, vector<1x1x16xf32>,
          %get3A_1117 = vector.shape_cast %get3A_1116 : vector<1x1x16xf32> to vector<16xf32>
          %add3A_1118 = arith.constant 16 : i32
          %add3A_1119 = arith.addi %mul3A_989, %add3A_1118 : i32
          %get3A_1120 = arith.constant 0 : i32
          %get3A_1121 = arith.index_cast %get3A_1120 : i32 to index
          %get3A_1122 = arith.index_cast %add3A_1119 : i32 to index
          %get3A_1123 = arith.constant 0 : index
          %get3A_1124 = tpu.vector_load %arg6[%get3A_1121, %get3A_1122, %get3A_1123] {strides = array<i32>} : memref<2x1280x32xf32, #tpu.memory_space<vmem>>, vector<1x1x16xf32>,
          %get3A_1125 = vector.shape_cast %get3A_1124 : vector<1x1x16xf32> to vector<16xf32>
          %add3A_1126 = arith.constant 17 : i32
          %add3A_1127 = arith.addi %mul3A_989, %add3A_1126 : i32
          %get3A_1128 = arith.constant 0 : i32
          %get3A_1129 = arith.index_cast %get3A_1128 : i32 to index
          %get3A_1130 = arith.index_cast %add3A_1127 : i32 to index
          %get3A_1131 = arith.constant 0 : index
          %get3A_1132 = tpu.vector_load %arg6[%get3A_1129, %get3A_1130, %get3A_1131] {strides = array<i32>} : memref<2x1280x32xf32, #tpu.memory_space<vmem>>, vector<1x1x16xf32>,
          %get3A_1133 = vector.shape_cast %get3A_1132 : vector<1x1x16xf32> to vector<16xf32>
          %add3A_1134 = arith.constant 18 : i32
          %add3A_1135 = arith.addi %mul3A_989, %add3A_1134 : i32
          %get3A_1136 = arith.constant 0 : i32
          %get3A_1137 = arith.index_cast %get3A_1136 : i32 to index
          %get3A_1138 = arith.index_cast %add3A_1135 : i32 to index
          %get3A_1139 = arith.constant 0 : index
          %get3A_1140 = tpu.vector_load %arg6[%get3A_1137, %get3A_1138, %get3A_1139] {strides = array<i32>} : memref<2x1280x32xf32, #tpu.memory_space<vmem>>, vector<1x1x16xf32>,
          %get3A_1141 = vector.shape_cast %get3A_1140 : vector<1x1x16xf32> to vector<16xf32>
          %add3A_1142 = arith.constant 19 : i32
          %add3A_1143 = arith.addi %mul3A_989, %add3A_1142 : i32
          %get3A_1144 = arith.constant 0 : i32
          %get3A_1145 = arith.index_cast %get3A_1144 : i32 to index
          %get3A_1146 = arith.index_cast %add3A_1143 : i32 to index
          %get3A_1147 = arith.constant 0 : index
          %get3A_1148 = tpu.vector_load %arg6[%get3A_1145, %get3A_1146, %get3A_1147] {strides = array<i32>} : memref<2x1280x32xf32, #tpu.memory_space<vmem>>, vector<1x1x16xf32>,
          %get3A_1149 = vector.shape_cast %get3A_1148 : vector<1x1x16xf32> to vector<16xf32>
          %add3A_1150 = arith.addf %get3A_997, %get3A_1005 : vector<16xf32>
          %add3A_1151 = arith.addf %get3A_1013, %get3A_1021 : vector<16xf32>
          %add3A_1152 = arith.addf %get3A_1029, %get3A_1037 : vector<16xf32>
          %add3A_1153 = arith.addf %get3A_1045, %get3A_1053 : vector<16xf32>
          %add3A_1154 = arith.addf %get3A_1061, %get3A_1069 : vector<16xf32>
          %add3A_1155 = arith.addf %get3A_1077, %get3A_1085 : vector<16xf32>
          %add3A_1156 = arith.addf %get3A_1093, %get3A_1101 : vector<16xf32>
          %add3A_1157 = arith.addf %get3A_1109, %get3A_1117 : vector<16xf32>
          %add3A_1158 = arith.addf %get3A_1125, %get3A_1133 : vector<16xf32>
          %add3A_1159 = arith.addf %get3A_1141, %get3A_1149 : vector<16xf32>
          %add3A_1160 = arith.addf %add3A_1150, %add3A_1151 : vector<16xf32>
          %add3A_1161 = arith.addf %add3A_1152, %add3A_1153 : vector<16xf32>
          %add3A_1162 = arith.addf %add3A_1154, %add3A_1155 : vector<16xf32>
          %add3A_1163 = arith.addf %add3A_1156, %add3A_1157 : vector<16xf32>
          %add3A_1164 = arith.addf %add3A_1158, %add3A_1159 : vector<16xf32>
          %add3A_1165 = arith.addf %add3A_1160, %add3A_1161 : vector<16xf32>
          %add3A_1166 = arith.addf %add3A_1162, %add3A_1163 : vector<16xf32>
          %add3A_1167 = arith.addf %add3A_1165, %add3A_1166 : vector<16xf32>
          %add3A_1168 = arith.addf %add3A_1167, %add3A_1164 : vector<16xf32>
          %add3A_1169 = arith.constant 0 : i32
          %add3A_1170 = arith.addi %mul3A_989, %add3A_1169 : i32
          %get3A_1171 = arith.constant 0 : i32
          %get3A_1172 = arith.index_cast %get3A_1171 : i32 to index
          %get3A_1173 = arith.index_cast %add3A_1170 : i32 to index
          %get3A_1174 = arith.constant 16 : index
          %get3A_1175 = tpu.vector_load %arg6[%get3A_1172, %get3A_1173, %get3A_1174] {strides = array<i32>} : memref<2x1280x32xf32, #tpu.memory_space<vmem>>, vector<1x1x16xf32>,
          %get3A_1176 = vector.shape_cast %get3A_1175 : vector<1x1x16xf32> to vector<16xf32>
          %add3A_1177 = arith.constant 1 : i32
          %add3A_1178 = arith.addi %mul3A_989, %add3A_1177 : i32
          %get3A_1179 = arith.constant 0 : i32
          %get3A_1180 = arith.index_cast %get3A_1179 : i32 to index
          %get3A_1181 = arith.index_cast %add3A_1178 : i32 to index
          %get3A_1182 = arith.constant 16 : index
          %get3A_1183 = tpu.vector_load %arg6[%get3A_1180, %get3A_1181, %get3A_1182] {strides = array<i32>} : memref<2x1280x32xf32, #tpu.memory_space<vmem>>, vector<1x1x16xf32>,
          %get3A_1184 = vector.shape_cast %get3A_1183 : vector<1x1x16xf32> to vector<16xf32>
          %add3A_1185 = arith.constant 2 : i32
          %add3A_1186 = arith.addi %mul3A_989, %add3A_1185 : i32
          %get3A_1187 = arith.constant 0 : i32
          %get3A_1188 = arith.index_cast %get3A_1187 : i32 to index
          %get3A_1189 = arith.index_cast %add3A_1186 : i32 to index
          %get3A_1190 = arith.constant 16 : index
          %get3A_1191 = tpu.vector_load %arg6[%get3A_1188, %get3A_1189, %get3A_1190] {strides = array<i32>} : memref<2x1280x32xf32, #tpu.memory_space<vmem>>, vector<1x1x16xf32>,
          %get3A_1192 = vector.shape_cast %get3A_1191 : vector<1x1x16xf32> to vector<16xf32>
          %add3A_1193 = arith.constant 3 : i32
          %add3A_1194 = arith.addi %mul3A_989, %add3A_1193 : i32
          %get3A_1195 = arith.constant 0 : i32
          %get3A_1196 = arith.index_cast %get3A_1195 : i32 to index
          %get3A_1197 = arith.index_cast %add3A_1194 : i32 to index
          %get3A_1198 = arith.constant 16 : index
          %get3A_1199 = tpu.vector_load %arg6[%get3A_1196, %get3A_1197, %get3A_1198] {strides = array<i32>} : memref<2x1280x32xf32, #tpu.memory_space<vmem>>, vector<1x1x16xf32>,
          %get3A_1200 = vector.shape_cast %get3A_1199 : vector<1x1x16xf32> to vector<16xf32>
          %add3A_1201 = arith.constant 4 : i32
          %add3A_1202 = arith.addi %mul3A_989, %add3A_1201 : i32
          %get3A_1203 = arith.constant 0 : i32
          %get3A_1204 = arith.index_cast %get3A_1203 : i32 to index
          %get3A_1205 = arith.index_cast %add3A_1202 : i32 to index
          %get3A_1206 = arith.constant 16 : index
          %get3A_1207 = tpu.vector_load %arg6[%get3A_1204, %get3A_1205, %get3A_1206] {strides = array<i32>} : memref<2x1280x32xf32, #tpu.memory_space<vmem>>, vector<1x1x16xf32>,
          %get3A_1208 = vector.shape_cast %get3A_1207 : vector<1x1x16xf32> to vector<16xf32>
          %add3A_1209 = arith.constant 5 : i32
          %add3A_1210 = arith.addi %mul3A_989, %add3A_1209 : i32
          %get3A_1211 = arith.constant 0 : i32
          %get3A_1212 = arith.index_cast %get3A_1211 : i32 to index
          %get3A_1213 = arith.index_cast %add3A_1210 : i32 to index
          %get3A_1214 = arith.constant 16 : index
          %get3A_1215 = tpu.vector_load %arg6[%get3A_1212, %get3A_1213, %get3A_1214] {strides = array<i32>} : memref<2x1280x32xf32, #tpu.memory_space<vmem>>, vector<1x1x16xf32>,
          %get3A_1216 = vector.shape_cast %get3A_1215 : vector<1x1x16xf32> to vector<16xf32>
          %add3A_1217 = arith.constant 6 : i32
          %add3A_1218 = arith.addi %mul3A_989, %add3A_1217 : i32
          %get3A_1219 = arith.constant 0 : i32
          %get3A_1220 = arith.index_cast %get3A_1219 : i32 to index
          %get3A_1221 = arith.index_cast %add3A_1218 : i32 to index
          %get3A_1222 = arith.constant 16 : index
          %get3A_1223 = tpu.vector_load %arg6[%get3A_1220, %get3A_1221, %get3A_1222] {strides = array<i32>} : memref<2x1280x32xf32, #tpu.memory_space<vmem>>, vector<1x1x16xf32>,
          %get3A_1224 = vector.shape_cast %get3A_1223 : vector<1x1x16xf32> to vector<16xf32>
          %add3A_1225 = arith.constant 7 : i32
          %add3A_1226 = arith.addi %mul3A_989, %add3A_1225 : i32
          %get3A_1227 = arith.constant 0 : i32
          %get3A_1228 = arith.index_cast %get3A_1227 : i32 to index
          %get3A_1229 = arith.index_cast %add3A_1226 : i32 to index
          %get3A_1230 = arith.constant 16 : index
          %get3A_1231 = tpu.vector_load %arg6[%get3A_1228, %get3A_1229, %get3A_1230] {strides = array<i32>} : memref<2x1280x32xf32, #tpu.memory_space<vmem>>, vector<1x1x16xf32>,
          %get3A_1232 = vector.shape_cast %get3A_1231 : vector<1x1x16xf32> to vector<16xf32>
          %add3A_1233 = arith.constant 8 : i32
          %add3A_1234 = arith.addi %mul3A_989, %add3A_1233 : i32
          %get3A_1235 = arith.constant 0 : i32
          %get3A_1236 = arith.index_cast %get3A_1235 : i32 to index
          %get3A_1237 = arith.index_cast %add3A_1234 : i32 to index
          %get3A_1238 = arith.constant 16 : index
          %get3A_1239 = tpu.vector_load %arg6[%get3A_1236, %get3A_1237, %get3A_1238] {strides = array<i32>} : memref<2x1280x32xf32, #tpu.memory_space<vmem>>, vector<1x1x16xf32>,
          %get3A_1240 = vector.shape_cast %get3A_1239 : vector<1x1x16xf32> to vector<16xf32>
          %add3A_1241 = arith.constant 9 : i32
          %add3A_1242 = arith.addi %mul3A_989, %add3A_1241 : i32
          %get3A_1243 = arith.constant 0 : i32
          %get3A_1244 = arith.index_cast %get3A_1243 : i32 to index
          %get3A_1245 = arith.index_cast %add3A_1242 : i32 to index
          %get3A_1246 = arith.constant 16 : index
          %get3A_1247 = tpu.vector_load %arg6[%get3A_1244, %get3A_1245, %get3A_1246] {strides = array<i32>} : memref<2x1280x32xf32, #tpu.memory_space<vmem>>, vector<1x1x16xf32>,
          %get3A_1248 = vector.shape_cast %get3A_1247 : vector<1x1x16xf32> to vector<16xf32>
          %add3A_1249 = arith.constant 10 : i32
          %add3A_1250 = arith.addi %mul3A_989, %add3A_1249 : i32
          %get3A_1251 = arith.constant 0 : i32
          %get3A_1252 = arith.index_cast %get3A_1251 : i32 to index
          %get3A_1253 = arith.index_cast %add3A_1250 : i32 to index
          %get3A_1254 = arith.constant 16 : index
          %get3A_1255 = tpu.vector_load %arg6[%get3A_1252, %get3A_1253, %get3A_1254] {strides = array<i32>} : memref<2x1280x32xf32, #tpu.memory_space<vmem>>, vector<1x1x16xf32>,
          %get3A_1256 = vector.shape_cast %get3A_1255 : vector<1x1x16xf32> to vector<16xf32>
          %add3A_1257 = arith.constant 11 : i32
          %add3A_1258 = arith.addi %mul3A_989, %add3A_1257 : i32
          %get3A_1259 = arith.constant 0 : i32
          %get3A_1260 = arith.index_cast %get3A_1259 : i32 to index
          %get3A_1261 = arith.index_cast %add3A_1258 : i32 to index
          %get3A_1262 = arith.constant 16 : index
          %get3A_1263 = tpu.vector_load %arg6[%get3A_1260, %get3A_1261, %get3A_1262] {strides = array<i32>} : memref<2x1280x32xf32, #tpu.memory_space<vmem>>, vector<1x1x16xf32>,
          %get3A_1264 = vector.shape_cast %get3A_1263 : vector<1x1x16xf32> to vector<16xf32>
          %add3A_1265 = arith.constant 12 : i32
          %add3A_1266 = arith.addi %mul3A_989, %add3A_1265 : i32
          %get3A_1267 = arith.constant 0 : i32
          %get3A_1268 = arith.index_cast %get3A_1267 : i32 to index
          %get3A_1269 = arith.index_cast %add3A_1266 : i32 to index
          %get3A_1270 = arith.constant 16 : index
          %get3A_1271 = tpu.vector_load %arg6[%get3A_1268, %get3A_1269, %get3A_1270] {strides = array<i32>} : memref<2x1280x32xf32, #tpu.memory_space<vmem>>, vector<1x1x16xf32>,
          %get3A_1272 = vector.shape_cast %get3A_1271 : vector<1x1x16xf32> to vector<16xf32>
          %add3A_1273 = arith.constant 13 : i32
          %add3A_1274 = arith.addi %mul3A_989, %add3A_1273 : i32
          %get3A_1275 = arith.constant 0 : i32
          %get3A_1276 = arith.index_cast %get3A_1275 : i32 to index
          %get3A_1277 = arith.index_cast %add3A_1274 : i32 to index
          %get3A_1278 = arith.constant 16 : index
          %get3A_1279 = tpu.vector_load %arg6[%get3A_1276, %get3A_1277, %get3A_1278] {strides = array<i32>} : memref<2x1280x32xf32, #tpu.memory_space<vmem>>, vector<1x1x16xf32>,
          %get3A_1280 = vector.shape_cast %get3A_1279 : vector<1x1x16xf32> to vector<16xf32>
          %add3A_1281 = arith.constant 14 : i32
          %add3A_1282 = arith.addi %mul3A_989, %add3A_1281 : i32
          %get3A_1283 = arith.constant 0 : i32
          %get3A_1284 = arith.index_cast %get3A_1283 : i32 to index
          %get3A_1285 = arith.index_cast %add3A_1282 : i32 to index
          %get3A_1286 = arith.constant 16 : index
          %get3A_1287 = tpu.vector_load %arg6[%get3A_1284, %get3A_1285, %get3A_1286] {strides = array<i32>} : memref<2x1280x32xf32, #tpu.memory_space<vmem>>, vector<1x1x16xf32>,
          %get3A_1288 = vector.shape_cast %get3A_1287 : vector<1x1x16xf32> to vector<16xf32>
          %add3A_1289 = arith.constant 15 : i32
          %add3A_1290 = arith.addi %mul3A_989, %add3A_1289 : i32
          %get3A_1291 = arith.constant 0 : i32
          %get3A_1292 = arith.index_cast %get3A_1291 : i32 to index
          %get3A_1293 = arith.index_cast %add3A_1290 : i32 to index
          %get3A_1294 = arith.constant 16 : index
          %get3A_1295 = tpu.vector_load %arg6[%get3A_1292, %get3A_1293, %get3A_1294] {strides = array<i32>} : memref<2x1280x32xf32, #tpu.memory_space<vmem>>, vector<1x1x16xf32>,
          %get3A_1296 = vector.shape_cast %get3A_1295 : vector<1x1x16xf32> to vector<16xf32>
          %add3A_1297 = arith.constant 16 : i32
          %add3A_1298 = arith.addi %mul3A_989, %add3A_1297 : i32
          %get3A_1299 = arith.constant 0 : i32
          %get3A_1300 = arith.index_cast %get3A_1299 : i32 to index
          %get3A_1301 = arith.index_cast %add3A_1298 : i32 to index
          %get3A_1302 = arith.constant 16 : index
          %get3A_1303 = tpu.vector_load %arg6[%get3A_1300, %get3A_1301, %get3A_1302] {strides = array<i32>} : memref<2x1280x32xf32, #tpu.memory_space<vmem>>, vector<1x1x16xf32>,
          %get3A_1304 = vector.shape_cast %get3A_1303 : vector<1x1x16xf32> to vector<16xf32>
          %add3A_1305 = arith.constant 17 : i32
          %add3A_1306 = arith.addi %mul3A_989, %add3A_1305 : i32
          %get3A_1307 = arith.constant 0 : i32
          %get3A_1308 = arith.index_cast %get3A_1307 : i32 to index
          %get3A_1309 = arith.index_cast %add3A_1306 : i32 to index
          %get3A_1310 = arith.constant 16 : index
          %get3A_1311 = tpu.vector_load %arg6[%get3A_1308, %get3A_1309, %get3A_1310] {strides = array<i32>} : memref<2x1280x32xf32, #tpu.memory_space<vmem>>, vector<1x1x16xf32>,
          %get3A_1312 = vector.shape_cast %get3A_1311 : vector<1x1x16xf32> to vector<16xf32>
          %add3A_1313 = arith.constant 18 : i32
          %add3A_1314 = arith.addi %mul3A_989, %add3A_1313 : i32
          %get3A_1315 = arith.constant 0 : i32
          %get3A_1316 = arith.index_cast %get3A_1315 : i32 to index
          %get3A_1317 = arith.index_cast %add3A_1314 : i32 to index
          %get3A_1318 = arith.constant 16 : index
          %get3A_1319 = tpu.vector_load %arg6[%get3A_1316, %get3A_1317, %get3A_1318] {strides = array<i32>} : memref<2x1280x32xf32, #tpu.memory_space<vmem>>, vector<1x1x16xf32>,
          %get3A_1320 = vector.shape_cast %get3A_1319 : vector<1x1x16xf32> to vector<16xf32>
          %add3A_1321 = arith.constant 19 : i32
          %add3A_1322 = arith.addi %mul3A_989, %add3A_1321 : i32
          %get3A_1323 = arith.constant 0 : i32
          %get3A_1324 = arith.index_cast %get3A_1323 : i32 to index
          %get3A_1325 = arith.index_cast %add3A_1322 : i32 to index
          %get3A_1326 = arith.constant 16 : index
          %get3A_1327 = tpu.vector_load %arg6[%get3A_1324, %get3A_1325, %get3A_1326] {strides = array<i32>} : memref<2x1280x32xf32, #tpu.memory_space<vmem>>, vector<1x1x16xf32>,
          %get3A_1328 = vector.shape_cast %get3A_1327 : vector<1x1x16xf32> to vector<16xf32>
          %add3A_1329 = arith.addf %get3A_1176, %get3A_1184 : vector<16xf32>
          %add3A_1330 = arith.addf %get3A_1192, %get3A_1200 : vector<16xf32>
          %add3A_1331 = arith.addf %get3A_1208, %get3A_1216 : vector<16xf32>
          %add3A_1332 = arith.addf %get3A_1224, %get3A_1232 : vector<16xf32>
          %add3A_1333 = arith.addf %get3A_1240, %get3A_1248 : vector<16xf32>
          %add3A_1334 = arith.addf %get3A_1256, %get3A_1264 : vector<16xf32>
          %add3A_1335 = arith.addf %get3A_1272, %get3A_1280 : vector<16xf32>
          %add3A_1336 = arith.addf %get3A_1288, %get3A_1296 : vector<16xf32>
          %add3A_1337 = arith.addf %get3A_1304, %get3A_1312 : vector<16xf32>
          %add3A_1338 = arith.addf %get3A_1320, %get3A_1328 : vector<16xf32>
          %add3A_1339 = arith.addf %add3A_1329, %add3A_1330 : vector<16xf32>
          %add3A_1340 = arith.addf %add3A_1331, %add3A_1332 : vector<16xf32>
          %add3A_1341 = arith.addf %add3A_1333, %add3A_1334 : vector<16xf32>
          %add3A_1342 = arith.addf %add3A_1335, %add3A_1336 : vector<16xf32>
          %add3A_1343 = arith.addf %add3A_1337, %add3A_1338 : vector<16xf32>
          %add3A_1344 = arith.addf %add3A_1339, %add3A_1340 : vector<16xf32>
          %add3A_1345 = arith.addf %add3A_1341, %add3A_1342 : vector<16xf32>
          %add3A_1346 = arith.addf %add3A_1344, %add3A_1345 : vector<16xf32>
          %add3A_1347 = arith.addf %add3A_1346, %add3A_1343 : vector<16xf32>
          %add3A_1348 = arith.constant 0 : i32
          %add3A_1349 = arith.addi %add3A_1348, %add3A_987 : i32
          %swap3A_1350 = arith.index_cast %add3A_1349 : i32 to index
          %swap3A_1351 = arith.constant 0 : index
          %swap3A_1352 = tpu.vector_load %arg7[%swap3A_1350, %swap3A_1351] {strides = array<i32>} : memref<128x32xf32, #tpu.memory_space<vmem>>, vector<1x16xf32>,
          %swap3A_1353 = vector.shape_cast %swap3A_1352 : vector<1x16xf32> to vector<16xf32>
          %swap3A_1354 = vector.shape_cast %add3A_1168 : vector<16xf32> to vector<1x16xf32>
          tpu.vector_store %arg7[%swap3A_1350, %swap3A_1351], %swap3A_1354 {strides = array<i32>} : memref<128x32xf32, #tpu.memory_space<vmem>>, vector<1x16xf32>,
          %add3A_1355 = arith.constant 0 : i32
          %add3A_1356 = arith.addi %add3A_1355, %add3A_987 : i32
          %swap3A_1357 = arith.index_cast %add3A_1356 : i32 to index
          %swap3A_1358 = arith.constant 16 : index
          %swap3A_1359 = tpu.vector_load %arg7[%swap3A_1357, %swap3A_1358] {strides = array<i32>} : memref<128x32xf32, #tpu.memory_space<vmem>>, vector<1x16xf32>,
          %swap3A_1360 = vector.shape_cast %swap3A_1359 : vector<1x16xf32> to vector<16xf32>
          %swap3A_1361 = vector.shape_cast %add3A_1347 : vector<16xf32> to vector<1x16xf32>
          tpu.vector_store %arg7[%swap3A_1357, %swap3A_1358], %swap3A_1361 {strides = array<i32>} : memref<128x32xf32, #tpu.memory_space<vmem>>, vector<1x16xf32>,
          %scan3A_1362 = arith.constant 0 : i32
          scf.yield %scan3A_1362 : i32
        }
        %scan3A_605 = arith.constant 32 : i32
      } else {
      }
      %eq3A_231 = arith.constant 1 : i32
      %eq3A_232 = arith.cmpi eq, %select_n3A_227, %eq3A_231 : i32
      %convert_element_type3A_233 = arith.extui %eq3A_232 : i1 to i32
      %cond3A_234 = arith.constant 0 : i32
      %cond3A_235 = arith.cmpi ne, %convert_element_type3A_233, %cond3A_234 : i32
      scf.if %cond3A_235 {
        %add3A_237 = arith.constant 1 : i32
        %add3A_238 = arith.addi %select_n3A_211, %add3A_237 : i32
        %lt3A_239 = arith.constant 26 : i32
        %lt3A_240 = arith.cmpi slt, %add3A_238, %lt3A_239 : i32
        %convert_element_type3A_241 = arith.extui %lt3A_240 : i1 to i32
        %cond3A_242 = arith.constant 0 : i32
        %cond3A_243 = arith.cmpi ne, %convert_element_type3A_241, %cond3A_242 : i32
        scf.if %cond3A_243 {
          %add3A_430 = arith.constant 1 : i32
          %add3A_431 = arith.addi %select_n3A_211, %add3A_430 : i32
          %add3A_432 = arith.constant 1 : i32
          %add3A_433 = arith.addi %select_n3A_211, %add3A_432 : i32
          %jit3A_434 = arith.constant 2 : i32
          %eq3A_435 = arith.constant 0 : i32
          %eq3A_436 = arith.cmpi eq, %jit3A_434, %eq3A_435 : i32
          %jit3A_437 = arith.constant 1 : i32
          %select_n3A_438 = arith.select %eq3A_436, %jit3A_437, %jit3A_434 : i32
          %rem3A_439 = arith.remsi %add3A_433, %select_n3A_438 : i32
          %ne3A_440 = arith.constant 0 : i32
          %ne3A_441 = arith.cmpi ne, %rem3A_439, %ne3A_440 : i32
          %lt3A_442 = arith.constant 0 : i32
          %lt3A_443 = arith.cmpi slt, %rem3A_439, %lt3A_442 : i32
          %lt3A_444 = arith.constant 0 : i32
          %lt3A_445 = arith.cmpi slt, %select_n3A_438, %lt3A_444 : i32
          %ne3A_446 = arith.xori %lt3A_443, %lt3A_445 : i1
          %and3A_447 = arith.andi %ne3A_446, %ne3A_441 : i1
          %add3A_448 = arith.addi %rem3A_439, %select_n3A_438 : i32
          %select_n3A_449 = arith.select %and3A_447, %add3A_448, %rem3A_439 : i32
          %dma_wait3A_450 = arith.constant 0 : i32
          %dma_wait3A_451 = arith.constant 0 : i32
          %dma_wait3A_452 = tpu.memref_slice %arg5[%select_n3A_449, %dma_wait3A_450, %dma_wait3A_451] : memref<2x20x128xi32, #tpu.memory_space<vmem>> -> memref<1x20x128xi32, #tpu.memory_space<vmem>>
          %dma_wait3A_453 = tpu.memref_squeeze %dma_wait3A_452 : memref<1x20x128xi32, #tpu.memory_space<vmem>> -> memref<20x128xi32, #tpu.memory_space<vmem>>
          %dma_wait3A_454 = arith.constant 0 : i32
          %dma_wait3A_455 = arith.constant 0 : i32
          %dma_wait3A_456 = tpu.memref_slice %arg3[%add3A_431, %add3A, %dma_wait3A_454, %dma_wait3A_455] : memref<26x32x20x128xi32, #tpu.memory_space<hbm>> -> memref<1x1x20x128xi32, #tpu.memory_space<hbm>>
          %dma_wait3A_457 = tpu.memref_squeeze %dma_wait3A_456 : memref<1x1x20x128xi32, #tpu.memory_space<hbm>> -> memref<20x128xi32, #tpu.memory_space<hbm>>
          %dma_wait3A_458 = arith.constant 0 : i32
          %dma_wait3A_459 = arith.constant 0 : i32
          %dma_wait3A_460 = tpu.memref_slice %arg5[%select_n3A_449, %dma_wait3A_458, %dma_wait3A_459] : memref<2x20x128xi32, #tpu.memory_space<vmem>> -> memref<1x20x128xi32, #tpu.memory_space<vmem>>
          %dma_wait3A_461 = tpu.memref_squeeze %dma_wait3A_460 : memref<1x20x128xi32, #tpu.memory_space<vmem>> -> memref<20x128xi32, #tpu.memory_space<vmem>>
          %dma_wait3A_462 = arith.constant 0 : i32
          %dma_wait3A_463 = arith.constant 0 : i32
          %dma_wait3A_464 = tpu.memref_slice %arg3[%add3A_431, %add3A, %dma_wait3A_462, %dma_wait3A_463] : memref<26x32x20x128xi32, #tpu.memory_space<hbm>> -> memref<1x1x20x128xi32, #tpu.memory_space<hbm>>
          %dma_wait3A_465 = tpu.memref_squeeze %dma_wait3A_464 : memref<1x1x20x128xi32, #tpu.memory_space<hbm>> -> memref<20x128xi32, #tpu.memory_space<hbm>>
          tpu.wait_dma2 semaphore(%arg10 : memref<!tpu.dma_semaphore, #tpu.memory_space<semaphore_mem>>) src(%dma_wait3A_465 : memref<20x128xi32, #tpu.memory_space<hbm>>) dst(%dma_wait3A_461 : memref<20x128xi32, #tpu.memory_space<vmem>>)
          %add3A_466 = arith.constant 1 : i32
          %add3A_467 = arith.addi %select_n3A_211, %add3A_466 : i32
          %jit3A_468 = arith.constant 2 : i32
          %eq3A_469 = arith.constant 0 : i32
          %eq3A_470 = arith.cmpi eq, %jit3A_468, %eq3A_469 : i32
          %jit3A_471 = arith.constant 1 : i32
          %select_n3A_472 = arith.select %eq3A_470, %jit3A_471, %jit3A_468 : i32
          %rem3A_473 = arith.remsi %add3A_467, %select_n3A_472 : i32
          %ne3A_474 = arith.constant 0 : i32
          %ne3A_475 = arith.cmpi ne, %rem3A_473, %ne3A_474 : i32
          %lt3A_476 = arith.constant 0 : i32
          %lt3A_477 = arith.cmpi slt, %rem3A_473, %lt3A_476 : i32
          %lt3A_478 = arith.constant 0 : i32
          %lt3A_479 = arith.cmpi slt, %select_n3A_472, %lt3A_478 : i32
          %ne3A_480 = arith.xori %lt3A_477, %lt3A_479 : i1
          %and3A_481 = arith.andi %ne3A_480, %ne3A_475 : i1
          %add3A_482 = arith.addi %rem3A_473, %select_n3A_472 : i32
          %select_n3A_483 = arith.select %and3A_481, %add3A_482, %rem3A_473 : i32
          %dma_start3A_484 = arith.constant 0 : i32
          %dma_start3A_485 = arith.constant 0 : i32
          %dma_start3A_486 = arith.constant 0 : i32
          %dma_start3A_487 = arith.constant 0 : i32
          %dma_start3A_488 = tpu.memref_slice %arg6[%dma_start3A_485, %dma_start3A_486, %dma_start3A_487] : memref<2x1280x32xf32, #tpu.memory_space<vmem>> -> memref<1x128x32xf32, #tpu.memory_space<vmem>>
          %dma_start3A_489 = tpu.memref_squeeze %dma_start3A_488 : memref<1x128x32xf32, #tpu.memory_space<vmem>> -> memref<128x32xf32, #tpu.memory_space<vmem>>
          %dma_start3A_490 = arith.constant 0 : i32
          %dma_start3A_491 = tpu.memref_slice %arg5[%select_n3A_483, %dma_start3A_484, %dma_start3A_490] : memref<2x20x128xi32, #tpu.memory_space<vmem>> -> memref<1x1x128xi32, #tpu.memory_space<vmem>>
          %dma_start3A_492 = tpu.memref_squeeze %dma_start3A_491 : memref<1x1x128xi32, #tpu.memory_space<vmem>> -> memref<128xi32, #tpu.memory_space<vmem>>
          %dma_start3A_493 = arith.constant 0 : i32
          %dma_start3A_494 = arith.constant 0 : i32
          %dma_start3A_495 = tpu.memref_slice %arg2[%add3A_467, %dma_start3A_493, %dma_start3A_494] : memref<26x100000x32xf32, #tpu.memory_space<hbm>> -> memref<1x100000x32xf32, #tpu.memory_space<hbm>>
          %dma_start3A_496 = tpu.memref_squeeze %dma_start3A_495 : memref<1x100000x32xf32, #tpu.memory_space<hbm>> -> memref<100000x32xf32, #tpu.memory_space<hbm>>
          %dma_start3A_497 = arith.constant 0 : i32
          %dma_start3A_498 = arith.constant 0 : i32
          %dma_start3A_499 = tpu.memref_slice %dma_start3A_496[%dma_start3A_497, %dma_start3A_498] : memref<100000x32xf32, #tpu.memory_space<hbm>> -> memref<100000x32xf32, #tpu.memory_space<hbm>>
          tpu.enqueue_indirect_dma source(%dma_start3A_499 : memref<100000x32xf32, #tpu.memory_space<hbm>>) target(%dma_start3A_489 : memref<128x32xf32, #tpu.memory_space<vmem>>) offsets(%dma_start3A_492 : memref<128xi32, #tpu.memory_space<vmem>>) semaphore(%arg8 : memref<!tpu.dma_semaphore, #tpu.memory_space<semaphore_mem>>)
          %dma_start3A_500 = arith.constant 1 : i32
          %dma_start3A_501 = arith.constant 0 : i32
          %dma_start3A_502 = arith.constant 128 : i32
          %dma_start3A_503 = arith.constant 0 : i32
          %dma_start3A_504 = tpu.memref_slice %arg6[%dma_start3A_501, %dma_start3A_502, %dma_start3A_503] : memref<2x1280x32xf32, #tpu.memory_space<vmem>> -> memref<1x128x32xf32, #tpu.memory_space<vmem>>
          %dma_start3A_505 = tpu.memref_squeeze %dma_start3A_504 : memref<1x128x32xf32, #tpu.memory_space<vmem>> -> memref<128x32xf32, #tpu.memory_space<vmem>>
          %dma_start3A_506 = arith.constant 0 : i32
          %dma_start3A_507 = tpu.memref_slice %arg5[%select_n3A_483, %dma_start3A_500, %dma_start3A_506] : memref<2x20x128xi32, #tpu.memory_space<vmem>> -> memref<1x1x128xi32, #tpu.memory_space<vmem>>
          %dma_start3A_508 = tpu.memref_squeeze %dma_start3A_507 : memref<1x1x128xi32, #tpu.memory_space<vmem>> -> memref<128xi32, #tpu.memory_space<vmem>>
          %dma_start3A_509 = arith.constant 0 : i32
          %dma_start3A_510 = arith.constant 0 : i32
          %dma_start3A_511 = tpu.memref_slice %arg2[%add3A_467, %dma_start3A_509, %dma_start3A_510] : memref<26x100000x32xf32, #tpu.memory_space<hbm>> -> memref<1x100000x32xf32, #tpu.memory_space<hbm>>
          %dma_start3A_512 = tpu.memref_squeeze %dma_start3A_511 : memref<1x100000x32xf32, #tpu.memory_space<hbm>> -> memref<100000x32xf32, #tpu.memory_space<hbm>>
          %dma_start3A_513 = arith.constant 0 : i32
          %dma_start3A_514 = arith.constant 0 : i32
          %dma_start3A_515 = tpu.memref_slice %dma_start3A_512[%dma_start3A_513, %dma_start3A_514] : memref<100000x32xf32, #tpu.memory_space<hbm>> -> memref<100000x32xf32, #tpu.memory_space<hbm>>
          tpu.enqueue_indirect_dma source(%dma_start3A_515 : memref<100000x32xf32, #tpu.memory_space<hbm>>) target(%dma_start3A_505 : memref<128x32xf32, #tpu.memory_space<vmem>>) offsets(%dma_start3A_508 : memref<128xi32, #tpu.memory_space<vmem>>) semaphore(%arg8 : memref<!tpu.dma_semaphore, #tpu.memory_space<semaphore_mem>>)
          %dma_start3A_516 = arith.constant 2 : i32
          %dma_start3A_517 = arith.constant 0 : i32
          %dma_start3A_518 = arith.constant 256 : i32
          %dma_start3A_519 = arith.constant 0 : i32
          %dma_start3A_520 = tpu.memref_slice %arg6[%dma_start3A_517, %dma_start3A_518, %dma_start3A_519] : memref<2x1280x32xf32, #tpu.memory_space<vmem>> -> memref<1x128x32xf32, #tpu.memory_space<vmem>>
          %dma_start3A_521 = tpu.memref_squeeze %dma_start3A_520 : memref<1x128x32xf32, #tpu.memory_space<vmem>> -> memref<128x32xf32, #tpu.memory_space<vmem>>
          %dma_start3A_522 = arith.constant 0 : i32
          %dma_start3A_523 = tpu.memref_slice %arg5[%select_n3A_483, %dma_start3A_516, %dma_start3A_522] : memref<2x20x128xi32, #tpu.memory_space<vmem>> -> memref<1x1x128xi32, #tpu.memory_space<vmem>>
          %dma_start3A_524 = tpu.memref_squeeze %dma_start3A_523 : memref<1x1x128xi32, #tpu.memory_space<vmem>> -> memref<128xi32, #tpu.memory_space<vmem>>
          %dma_start3A_525 = arith.constant 0 : i32
          %dma_start3A_526 = arith.constant 0 : i32
          %dma_start3A_527 = tpu.memref_slice %arg2[%add3A_467, %dma_start3A_525, %dma_start3A_526] : memref<26x100000x32xf32, #tpu.memory_space<hbm>> -> memref<1x100000x32xf32, #tpu.memory_space<hbm>>
          %dma_start3A_528 = tpu.memref_squeeze %dma_start3A_527 : memref<1x100000x32xf32, #tpu.memory_space<hbm>> -> memref<100000x32xf32, #tpu.memory_space<hbm>>
          %dma_start3A_529 = arith.constant 0 : i32
          %dma_start3A_530 = arith.constant 0 : i32
          %dma_start3A_531 = tpu.memref_slice %dma_start3A_528[%dma_start3A_529, %dma_start3A_530] : memref<100000x32xf32, #tpu.memory_space<hbm>> -> memref<100000x32xf32, #tpu.memory_space<hbm>>
          tpu.enqueue_indirect_dma source(%dma_start3A_531 : memref<100000x32xf32, #tpu.memory_space<hbm>>) target(%dma_start3A_521 : memref<128x32xf32, #tpu.memory_space<vmem>>) offsets(%dma_start3A_524 : memref<128xi32, #tpu.memory_space<vmem>>) semaphore(%arg8 : memref<!tpu.dma_semaphore, #tpu.memory_space<semaphore_mem>>)
          %dma_start3A_532 = arith.constant 3 : i32
          %dma_start3A_533 = arith.constant 0 : i32
          %dma_start3A_534 = arith.constant 384 : i32
          %dma_start3A_535 = arith.constant 0 : i32
          %dma_start3A_536 = tpu.memref_slice %arg6[%dma_start3A_533, %dma_start3A_534, %dma_start3A_535] : memref<2x1280x32xf32, #tpu.memory_space<vmem>> -> memref<1x128x32xf32, #tpu.memory_space<vmem>>
          %dma_start3A_537 = tpu.memref_squeeze %dma_start3A_536 : memref<1x128x32xf32, #tpu.memory_space<vmem>> -> memref<128x32xf32, #tpu.memory_space<vmem>>
          %dma_start3A_538 = arith.constant 0 : i32
          %dma_start3A_539 = tpu.memref_slice %arg5[%select_n3A_483, %dma_start3A_532, %dma_start3A_538] : memref<2x20x128xi32, #tpu.memory_space<vmem>> -> memref<1x1x128xi32, #tpu.memory_space<vmem>>
          %dma_start3A_540 = tpu.memref_squeeze %dma_start3A_539 : memref<1x1x128xi32, #tpu.memory_space<vmem>> -> memref<128xi32, #tpu.memory_space<vmem>>
          %dma_start3A_541 = arith.constant 0 : i32
          %dma_start3A_542 = arith.constant 0 : i32
          %dma_start3A_543 = tpu.memref_slice %arg2[%add3A_467, %dma_start3A_541, %dma_start3A_542] : memref<26x100000x32xf32, #tpu.memory_space<hbm>> -> memref<1x100000x32xf32, #tpu.memory_space<hbm>>
          %dma_start3A_544 = tpu.memref_squeeze %dma_start3A_543 : memref<1x100000x32xf32, #tpu.memory_space<hbm>> -> memref<100000x32xf32, #tpu.memory_space<hbm>>
          %dma_start3A_545 = arith.constant 0 : i32
          %dma_start3A_546 = arith.constant 0 : i32
          %dma_start3A_547 = tpu.memref_slice %dma_start3A_544[%dma_start3A_545, %dma_start3A_546] : memref<100000x32xf32, #tpu.memory_space<hbm>> -> memref<100000x32xf32, #tpu.memory_space<hbm>>
          tpu.enqueue_indirect_dma source(%dma_start3A_547 : memref<100000x32xf32, #tpu.memory_space<hbm>>) target(%dma_start3A_537 : memref<128x32xf32, #tpu.memory_space<vmem>>) offsets(%dma_start3A_540 : memref<128xi32, #tpu.memory_space<vmem>>) semaphore(%arg8 : memref<!tpu.dma_semaphore, #tpu.memory_space<semaphore_mem>>)
          %dma_start3A_548 = arith.constant 4 : i32
          %dma_start3A_549 = arith.constant 0 : i32
          %dma_start3A_550 = arith.constant 512 : i32
          %dma_start3A_551 = arith.constant 0 : i32
          %dma_start3A_552 = tpu.memref_slice %arg6[%dma_start3A_549, %dma_start3A_550, %dma_start3A_551] : memref<2x1280x32xf32, #tpu.memory_space<vmem>> -> memref<1x128x32xf32, #tpu.memory_space<vmem>>
          %dma_start3A_553 = tpu.memref_squeeze %dma_start3A_552 : memref<1x128x32xf32, #tpu.memory_space<vmem>> -> memref<128x32xf32, #tpu.memory_space<vmem>>
          %dma_start3A_554 = arith.constant 0 : i32
          %dma_start3A_555 = tpu.memref_slice %arg5[%select_n3A_483, %dma_start3A_548, %dma_start3A_554] : memref<2x20x128xi32, #tpu.memory_space<vmem>> -> memref<1x1x128xi32, #tpu.memory_space<vmem>>
          %dma_start3A_556 = tpu.memref_squeeze %dma_start3A_555 : memref<1x1x128xi32, #tpu.memory_space<vmem>> -> memref<128xi32, #tpu.memory_space<vmem>>
          %dma_start3A_557 = arith.constant 0 : i32
          %dma_start3A_558 = arith.constant 0 : i32
          %dma_start3A_559 = tpu.memref_slice %arg2[%add3A_467, %dma_start3A_557, %dma_start3A_558] : memref<26x100000x32xf32, #tpu.memory_space<hbm>> -> memref<1x100000x32xf32, #tpu.memory_space<hbm>>
          %dma_start3A_560 = tpu.memref_squeeze %dma_start3A_559 : memref<1x100000x32xf32, #tpu.memory_space<hbm>> -> memref<100000x32xf32, #tpu.memory_space<hbm>>
          %dma_start3A_561 = arith.constant 0 : i32
          %dma_start3A_562 = arith.constant 0 : i32
          %dma_start3A_563 = tpu.memref_slice %dma_start3A_560[%dma_start3A_561, %dma_start3A_562] : memref<100000x32xf32, #tpu.memory_space<hbm>> -> memref<100000x32xf32, #tpu.memory_space<hbm>>
          tpu.enqueue_indirect_dma source(%dma_start3A_563 : memref<100000x32xf32, #tpu.memory_space<hbm>>) target(%dma_start3A_553 : memref<128x32xf32, #tpu.memory_space<vmem>>) offsets(%dma_start3A_556 : memref<128xi32, #tpu.memory_space<vmem>>) semaphore(%arg8 : memref<!tpu.dma_semaphore, #tpu.memory_space<semaphore_mem>>)
          %dma_start3A_564 = arith.constant 5 : i32
          %dma_start3A_565 = arith.constant 0 : i32
          %dma_start3A_566 = arith.constant 640 : i32
          %dma_start3A_567 = arith.constant 0 : i32
          %dma_start3A_568 = tpu.memref_slice %arg6[%dma_start3A_565, %dma_start3A_566, %dma_start3A_567] : memref<2x1280x32xf32, #tpu.memory_space<vmem>> -> memref<1x128x32xf32, #tpu.memory_space<vmem>>
          %dma_start3A_569 = tpu.memref_squeeze %dma_start3A_568 : memref<1x128x32xf32, #tpu.memory_space<vmem>> -> memref<128x32xf32, #tpu.memory_space<vmem>>
          %dma_start3A_570 = arith.constant 0 : i32
          %dma_start3A_571 = tpu.memref_slice %arg5[%select_n3A_483, %dma_start3A_564, %dma_start3A_570] : memref<2x20x128xi32, #tpu.memory_space<vmem>> -> memref<1x1x128xi32, #tpu.memory_space<vmem>>
          %dma_start3A_572 = tpu.memref_squeeze %dma_start3A_571 : memref<1x1x128xi32, #tpu.memory_space<vmem>> -> memref<128xi32, #tpu.memory_space<vmem>>
          %dma_start3A_573 = arith.constant 0 : i32
          %dma_start3A_574 = arith.constant 0 : i32
          %dma_start3A_575 = tpu.memref_slice %arg2[%add3A_467, %dma_start3A_573, %dma_start3A_574] : memref<26x100000x32xf32, #tpu.memory_space<hbm>> -> memref<1x100000x32xf32, #tpu.memory_space<hbm>>
          %dma_start3A_576 = tpu.memref_squeeze %dma_start3A_575 : memref<1x100000x32xf32, #tpu.memory_space<hbm>> -> memref<100000x32xf32, #tpu.memory_space<hbm>>
          %dma_start3A_577 = arith.constant 0 : i32
          %dma_start3A_578 = arith.constant 0 : i32
          %dma_start3A_579 = tpu.memref_slice %dma_start3A_576[%dma_start3A_577, %dma_start3A_578] : memref<100000x32xf32, #tpu.memory_space<hbm>> -> memref<100000x32xf32, #tpu.memory_space<hbm>>
          tpu.enqueue_indirect_dma source(%dma_start3A_579 : memref<100000x32xf32, #tpu.memory_space<hbm>>) target(%dma_start3A_569 : memref<128x32xf32, #tpu.memory_space<vmem>>) offsets(%dma_start3A_572 : memref<128xi32, #tpu.memory_space<vmem>>) semaphore(%arg8 : memref<!tpu.dma_semaphore, #tpu.memory_space<semaphore_mem>>)
          %dma_start3A_580 = arith.constant 6 : i32
          %dma_start3A_581 = arith.constant 0 : i32
          %dma_start3A_582 = arith.constant 768 : i32
          %dma_start3A_583 = arith.constant 0 : i32
          %dma_start3A_584 = tpu.memref_slice %arg6[%dma_start3A_581, %dma_start3A_582, %dma_start3A_583] : memref<2x1280x32xf32, #tpu.memory_space<vmem>> -> memref<1x128x32xf32, #tpu.memory_space<vmem>>
          %dma_start3A_585 = tpu.memref_squeeze %dma_start3A_584 : memref<1x128x32xf32, #tpu.memory_space<vmem>> -> memref<128x32xf32, #tpu.memory_space<vmem>>
          %dma_start3A_586 = arith.constant 0 : i32
          %dma_start3A_587 = tpu.memref_slice %arg5[%select_n3A_483, %dma_start3A_580, %dma_start3A_586] : memref<2x20x128xi32, #tpu.memory_space<vmem>> -> memref<1x1x128xi32, #tpu.memory_space<vmem>>
          %dma_start3A_588 = tpu.memref_squeeze %dma_start3A_587 : memref<1x1x128xi32, #tpu.memory_space<vmem>> -> memref<128xi32, #tpu.memory_space<vmem>>
          %dma_start3A_589 = arith.constant 0 : i32
          %dma_start3A_590 = arith.constant 0 : i32
          %dma_start3A_591 = tpu.memref_slice %arg2[%add3A_467, %dma_start3A_589, %dma_start3A_590] : memref<26x100000x32xf32, #tpu.memory_space<hbm>> -> memref<1x100000x32xf32, #tpu.memory_space<hbm>>
          %dma_start3A_592 = tpu.memref_squeeze %dma_start3A_591 : memref<1x100000x32xf32, #tpu.memory_space<hbm>> -> memref<100000x32xf32, #tpu.memory_space<hbm>>
          %dma_start3A_593 = arith.constant 0 : i32
          %dma_start3A_594 = arith.constant 0 : i32
          %dma_start3A_595 = tpu.memref_slice %dma_start3A_592[%dma_start3A_593, %dma_start3A_594] : memref<100000x32xf32, #tpu.memory_space<hbm>> -> memref<100000x32xf32, #tpu.memory_space<hbm>>
          tpu.enqueue_indirect_dma source(%dma_start3A_595 : memref<100000x32xf32, #tpu.memory_space<hbm>>) target(%dma_start3A_585 : memref<128x32xf32, #tpu.memory_space<vmem>>) offsets(%dma_start3A_588 : memref<128xi32, #tpu.memory_space<vmem>>) semaphore(%arg8 : memref<!tpu.dma_semaphore, #tpu.memory_space<semaphore_mem>>)
          %dma_start3A_596 = arith.constant 7 : i32
          %dma_start3A_597 = arith.constant 0 : i32
          %dma_start3A_598 = arith.constant 896 : i32
          %dma_start3A_599 = arith.constant 0 : i32
          %dma_start3A_600 = tpu.memref_slice %arg6[%dma_start3A_597, %dma_start3A_598, %dma_start3A_599] : memref<2x1280x32xf32, #tpu.memory_space<vmem>> -> memref<1x128x32xf32, #tpu.memory_space<vmem>>
          %dma_start3A_601 = tpu.memref_squeeze %dma_start3A_600 : memref<1x128x32xf32, #tpu.memory_space<vmem>> -> memref<128x32xf32, #tpu.memory_space<vmem>>
          %dma_start3A_602 = arith.constant 0 : i32
          %dma_start3A_603 = tpu.memref_slice %arg5[%select_n3A_483, %dma_start3A_596, %dma_start3A_602] : memref<2x20x128xi32, #tpu.memory_space<vmem>> -> memref<1x1x128xi32, #tpu.memory_space<vmem>>
          %dma_start3A_604 = tpu.memref_squeeze %dma_start3A_603 : memref<1x1x128xi32, #tpu.memory_space<vmem>> -> memref<128xi32, #tpu.memory_space<vmem>>
          %dma_start3A_605 = arith.constant 0 : i32
          %dma_start3A_606 = arith.constant 0 : i32
          %dma_start3A_607 = tpu.memref_slice %arg2[%add3A_467, %dma_start3A_605, %dma_start3A_606] : memref<26x100000x32xf32, #tpu.memory_space<hbm>> -> memref<1x100000x32xf32, #tpu.memory_space<hbm>>
          %dma_start3A_608 = tpu.memref_squeeze %dma_start3A_607 : memref<1x100000x32xf32, #tpu.memory_space<hbm>> -> memref<100000x32xf32, #tpu.memory_space<hbm>>
          %dma_start3A_609 = arith.constant 0 : i32
          %dma_start3A_610 = arith.constant 0 : i32
          %dma_start3A_611 = tpu.memref_slice %dma_start3A_608[%dma_start3A_609, %dma_start3A_610] : memref<100000x32xf32, #tpu.memory_space<hbm>> -> memref<100000x32xf32, #tpu.memory_space<hbm>>
          tpu.enqueue_indirect_dma source(%dma_start3A_611 : memref<100000x32xf32, #tpu.memory_space<hbm>>) target(%dma_start3A_601 : memref<128x32xf32, #tpu.memory_space<vmem>>) offsets(%dma_start3A_604 : memref<128xi32, #tpu.memory_space<vmem>>) semaphore(%arg8 : memref<!tpu.dma_semaphore, #tpu.memory_space<semaphore_mem>>)
          %dma_start3A_612 = arith.constant 8 : i32
          %dma_start3A_613 = arith.constant 0 : i32
          %dma_start3A_614 = arith.constant 1024 : i32
          %dma_start3A_615 = arith.constant 0 : i32
          %dma_start3A_616 = tpu.memref_slice %arg6[%dma_start3A_613, %dma_start3A_614, %dma_start3A_615] : memref<2x1280x32xf32, #tpu.memory_space<vmem>> -> memref<1x128x32xf32, #tpu.memory_space<vmem>>
          %dma_start3A_617 = tpu.memref_squeeze %dma_start3A_616 : memref<1x128x32xf32, #tpu.memory_space<vmem>> -> memref<128x32xf32, #tpu.memory_space<vmem>>
          %dma_start3A_618 = arith.constant 0 : i32
          %dma_start3A_619 = tpu.memref_slice %arg5[%select_n3A_483, %dma_start3A_612, %dma_start3A_618] : memref<2x20x128xi32, #tpu.memory_space<vmem>> -> memref<1x1x128xi32, #tpu.memory_space<vmem>>
          %dma_start3A_620 = tpu.memref_squeeze %dma_start3A_619 : memref<1x1x128xi32, #tpu.memory_space<vmem>> -> memref<128xi32, #tpu.memory_space<vmem>>
          %dma_start3A_621 = arith.constant 0 : i32
          %dma_start3A_622 = arith.constant 0 : i32
          %dma_start3A_623 = tpu.memref_slice %arg2[%add3A_467, %dma_start3A_621, %dma_start3A_622] : memref<26x100000x32xf32, #tpu.memory_space<hbm>> -> memref<1x100000x32xf32, #tpu.memory_space<hbm>>
          %dma_start3A_624 = tpu.memref_squeeze %dma_start3A_623 : memref<1x100000x32xf32, #tpu.memory_space<hbm>> -> memref<100000x32xf32, #tpu.memory_space<hbm>>
          %dma_start3A_625 = arith.constant 0 : i32
          %dma_start3A_626 = arith.constant 0 : i32
          %dma_start3A_627 = tpu.memref_slice %dma_start3A_624[%dma_start3A_625, %dma_start3A_626] : memref<100000x32xf32, #tpu.memory_space<hbm>> -> memref<100000x32xf32, #tpu.memory_space<hbm>>
          tpu.enqueue_indirect_dma source(%dma_start3A_627 : memref<100000x32xf32, #tpu.memory_space<hbm>>) target(%dma_start3A_617 : memref<128x32xf32, #tpu.memory_space<vmem>>) offsets(%dma_start3A_620 : memref<128xi32, #tpu.memory_space<vmem>>) semaphore(%arg8 : memref<!tpu.dma_semaphore, #tpu.memory_space<semaphore_mem>>)
          %dma_start3A_628 = arith.constant 9 : i32
          %dma_start3A_629 = arith.constant 0 : i32
          %dma_start3A_630 = arith.constant 1152 : i32
          %dma_start3A_631 = arith.constant 0 : i32
          %dma_start3A_632 = tpu.memref_slice %arg6[%dma_start3A_629, %dma_start3A_630, %dma_start3A_631] : memref<2x1280x32xf32, #tpu.memory_space<vmem>> -> memref<1x128x32xf32, #tpu.memory_space<vmem>>
          %dma_start3A_633 = tpu.memref_squeeze %dma_start3A_632 : memref<1x128x32xf32, #tpu.memory_space<vmem>> -> memref<128x32xf32, #tpu.memory_space<vmem>>
          %dma_start3A_634 = arith.constant 0 : i32
          %dma_start3A_635 = tpu.memref_slice %arg5[%select_n3A_483, %dma_start3A_628, %dma_start3A_634] : memref<2x20x128xi32, #tpu.memory_space<vmem>> -> memref<1x1x128xi32, #tpu.memory_space<vmem>>
          %dma_start3A_636 = tpu.memref_squeeze %dma_start3A_635 : memref<1x1x128xi32, #tpu.memory_space<vmem>> -> memref<128xi32, #tpu.memory_space<vmem>>
          %dma_start3A_637 = arith.constant 0 : i32
          %dma_start3A_638 = arith.constant 0 : i32
          %dma_start3A_639 = tpu.memref_slice %arg2[%add3A_467, %dma_start3A_637, %dma_start3A_638] : memref<26x100000x32xf32, #tpu.memory_space<hbm>> -> memref<1x100000x32xf32, #tpu.memory_space<hbm>>
          %dma_start3A_640 = tpu.memref_squeeze %dma_start3A_639 : memref<1x100000x32xf32, #tpu.memory_space<hbm>> -> memref<100000x32xf32, #tpu.memory_space<hbm>>
          %dma_start3A_641 = arith.constant 0 : i32
          %dma_start3A_642 = arith.constant 0 : i32
          %dma_start3A_643 = tpu.memref_slice %dma_start3A_640[%dma_start3A_641, %dma_start3A_642] : memref<100000x32xf32, #tpu.memory_space<hbm>> -> memref<100000x32xf32, #tpu.memory_space<hbm>>
          tpu.enqueue_indirect_dma source(%dma_start3A_643 : memref<100000x32xf32, #tpu.memory_space<hbm>>) target(%dma_start3A_633 : memref<128x32xf32, #tpu.memory_space<vmem>>) offsets(%dma_start3A_636 : memref<128xi32, #tpu.memory_space<vmem>>) semaphore(%arg8 : memref<!tpu.dma_semaphore, #tpu.memory_space<semaphore_mem>>)
        } else {
        }
        %dma_wait3A = arith.constant 0 : i32
        %dma_wait3A_244 = arith.constant 0 : i32
        %dma_wait3A_245 = arith.constant 0 : i32
        %dma_wait3A_246 = arith.constant 1 : i32
        %dma_wait3A_247 = arith.constant 0 : i32
        %dma_wait3A_248 = arith.constant 0 : i32
        %dma_wait3A_249 = tpu.memref_slice %arg6[%dma_wait3A_246, %dma_wait3A_247, %dma_wait3A_248] : memref<2x1280x32xf32, #tpu.memory_space<vmem>> -> memref<1x128x32xf32, #tpu.memory_space<vmem>>
        %dma_wait3A_250 = tpu.memref_squeeze %dma_wait3A_249 : memref<1x128x32xf32, #tpu.memory_space<vmem>> -> memref<128x32xf32, #tpu.memory_space<vmem>>
        %dma_wait3A_251 = arith.constant 0 : i32
        %dma_wait3A_252 = tpu.memref_slice %arg5[%dma_wait3A_244, %dma_wait3A_245, %dma_wait3A_251] : memref<2x20x128xi32, #tpu.memory_space<vmem>> -> memref<1x1x128xi32, #tpu.memory_space<vmem>>
        %dma_wait3A_253 = tpu.memref_squeeze %dma_wait3A_252 : memref<1x1x128xi32, #tpu.memory_space<vmem>> -> memref<128xi32, #tpu.memory_space<vmem>>
        %dma_wait3A_254 = arith.constant 0 : i32
        %dma_wait3A_255 = arith.constant 0 : i32
        %dma_wait3A_256 = tpu.memref_slice %arg2[%dma_wait3A, %dma_wait3A_254, %dma_wait3A_255] : memref<26x100000x32xf32, #tpu.memory_space<hbm>> -> memref<1x100000x32xf32, #tpu.memory_space<hbm>>
        %dma_wait3A_257 = tpu.memref_squeeze %dma_wait3A_256 : memref<1x100000x32xf32, #tpu.memory_space<hbm>> -> memref<100000x32xf32, #tpu.memory_space<hbm>>
        %dma_wait3A_258 = arith.constant 0 : i32
        %dma_wait3A_259 = arith.constant 0 : i32
        %dma_wait3A_260 = tpu.memref_slice %dma_wait3A_257[%dma_wait3A_258, %dma_wait3A_259] : memref<100000x32xf32, #tpu.memory_space<hbm>> -> memref<100000x32xf32, #tpu.memory_space<hbm>>
        tpu.wait_indirect_dma semaphore(%arg9 : memref<!tpu.dma_semaphore, #tpu.memory_space<semaphore_mem>>) src(%dma_wait3A_260 : memref<100000x32xf32, #tpu.memory_space<hbm>>) dst(%dma_wait3A_250 : memref<128x32xf32, #tpu.memory_space<vmem>>)
        %dma_wait3A_261 = arith.constant 0 : i32
        %dma_wait3A_262 = arith.constant 0 : i32
        %dma_wait3A_263 = arith.constant 0 : i32
        %dma_wait3A_264 = arith.constant 1 : i32
        %dma_wait3A_265 = arith.constant 128 : i32
        %dma_wait3A_266 = arith.constant 0 : i32
        %dma_wait3A_267 = tpu.memref_slice %arg6[%dma_wait3A_264, %dma_wait3A_265, %dma_wait3A_266] : memref<2x1280x32xf32, #tpu.memory_space<vmem>> -> memref<1x128x32xf32, #tpu.memory_space<vmem>>
        %dma_wait3A_268 = tpu.memref_squeeze %dma_wait3A_267 : memref<1x128x32xf32, #tpu.memory_space<vmem>> -> memref<128x32xf32, #tpu.memory_space<vmem>>
        %dma_wait3A_269 = arith.constant 0 : i32
        %dma_wait3A_270 = tpu.memref_slice %arg5[%dma_wait3A_262, %dma_wait3A_263, %dma_wait3A_269] : memref<2x20x128xi32, #tpu.memory_space<vmem>> -> memref<1x1x128xi32, #tpu.memory_space<vmem>>
        %dma_wait3A_271 = tpu.memref_squeeze %dma_wait3A_270 : memref<1x1x128xi32, #tpu.memory_space<vmem>> -> memref<128xi32, #tpu.memory_space<vmem>>
        %dma_wait3A_272 = arith.constant 0 : i32
        %dma_wait3A_273 = arith.constant 0 : i32
        %dma_wait3A_274 = tpu.memref_slice %arg2[%dma_wait3A_261, %dma_wait3A_272, %dma_wait3A_273] : memref<26x100000x32xf32, #tpu.memory_space<hbm>> -> memref<1x100000x32xf32, #tpu.memory_space<hbm>>
        %dma_wait3A_275 = tpu.memref_squeeze %dma_wait3A_274 : memref<1x100000x32xf32, #tpu.memory_space<hbm>> -> memref<100000x32xf32, #tpu.memory_space<hbm>>
        %dma_wait3A_276 = arith.constant 0 : i32
        %dma_wait3A_277 = arith.constant 0 : i32
        %dma_wait3A_278 = tpu.memref_slice %dma_wait3A_275[%dma_wait3A_276, %dma_wait3A_277] : memref<100000x32xf32, #tpu.memory_space<hbm>> -> memref<100000x32xf32, #tpu.memory_space<hbm>>
        tpu.wait_indirect_dma semaphore(%arg9 : memref<!tpu.dma_semaphore, #tpu.memory_space<semaphore_mem>>) src(%dma_wait3A_278 : memref<100000x32xf32, #tpu.memory_space<hbm>>) dst(%dma_wait3A_268 : memref<128x32xf32, #tpu.memory_space<vmem>>)
        %dma_wait3A_279 = arith.constant 0 : i32
        %dma_wait3A_280 = arith.constant 0 : i32
        %dma_wait3A_281 = arith.constant 0 : i32
        %dma_wait3A_282 = arith.constant 1 : i32
        %dma_wait3A_283 = arith.constant 256 : i32
        %dma_wait3A_284 = arith.constant 0 : i32
        %dma_wait3A_285 = tpu.memref_slice %arg6[%dma_wait3A_282, %dma_wait3A_283, %dma_wait3A_284] : memref<2x1280x32xf32, #tpu.memory_space<vmem>> -> memref<1x128x32xf32, #tpu.memory_space<vmem>>
        %dma_wait3A_286 = tpu.memref_squeeze %dma_wait3A_285 : memref<1x128x32xf32, #tpu.memory_space<vmem>> -> memref<128x32xf32, #tpu.memory_space<vmem>>
        %dma_wait3A_287 = arith.constant 0 : i32
        %dma_wait3A_288 = tpu.memref_slice %arg5[%dma_wait3A_280, %dma_wait3A_281, %dma_wait3A_287] : memref<2x20x128xi32, #tpu.memory_space<vmem>> -> memref<1x1x128xi32, #tpu.memory_space<vmem>>
        %dma_wait3A_289 = tpu.memref_squeeze %dma_wait3A_288 : memref<1x1x128xi32, #tpu.memory_space<vmem>> -> memref<128xi32, #tpu.memory_space<vmem>>
        %dma_wait3A_290 = arith.constant 0 : i32
        %dma_wait3A_291 = arith.constant 0 : i32
        %dma_wait3A_292 = tpu.memref_slice %arg2[%dma_wait3A_279, %dma_wait3A_290, %dma_wait3A_291] : memref<26x100000x32xf32, #tpu.memory_space<hbm>> -> memref<1x100000x32xf32, #tpu.memory_space<hbm>>
        %dma_wait3A_293 = tpu.memref_squeeze %dma_wait3A_292 : memref<1x100000x32xf32, #tpu.memory_space<hbm>> -> memref<100000x32xf32, #tpu.memory_space<hbm>>
        %dma_wait3A_294 = arith.constant 0 : i32
        %dma_wait3A_295 = arith.constant 0 : i32
        %dma_wait3A_296 = tpu.memref_slice %dma_wait3A_293[%dma_wait3A_294, %dma_wait3A_295] : memref<100000x32xf32, #tpu.memory_space<hbm>> -> memref<100000x32xf32, #tpu.memory_space<hbm>>
        tpu.wait_indirect_dma semaphore(%arg9 : memref<!tpu.dma_semaphore, #tpu.memory_space<semaphore_mem>>) src(%dma_wait3A_296 : memref<100000x32xf32, #tpu.memory_space<hbm>>) dst(%dma_wait3A_286 : memref<128x32xf32, #tpu.memory_space<vmem>>)
        %dma_wait3A_297 = arith.constant 0 : i32
        %dma_wait3A_298 = arith.constant 0 : i32
        %dma_wait3A_299 = arith.constant 0 : i32
        %dma_wait3A_300 = arith.constant 1 : i32
        %dma_wait3A_301 = arith.constant 384 : i32
        %dma_wait3A_302 = arith.constant 0 : i32
        %dma_wait3A_303 = tpu.memref_slice %arg6[%dma_wait3A_300, %dma_wait3A_301, %dma_wait3A_302] : memref<2x1280x32xf32, #tpu.memory_space<vmem>> -> memref<1x128x32xf32, #tpu.memory_space<vmem>>
        %dma_wait3A_304 = tpu.memref_squeeze %dma_wait3A_303 : memref<1x128x32xf32, #tpu.memory_space<vmem>> -> memref<128x32xf32, #tpu.memory_space<vmem>>
        %dma_wait3A_305 = arith.constant 0 : i32
        %dma_wait3A_306 = tpu.memref_slice %arg5[%dma_wait3A_298, %dma_wait3A_299, %dma_wait3A_305] : memref<2x20x128xi32, #tpu.memory_space<vmem>> -> memref<1x1x128xi32, #tpu.memory_space<vmem>>
        %dma_wait3A_307 = tpu.memref_squeeze %dma_wait3A_306 : memref<1x1x128xi32, #tpu.memory_space<vmem>> -> memref<128xi32, #tpu.memory_space<vmem>>
        %dma_wait3A_308 = arith.constant 0 : i32
        %dma_wait3A_309 = arith.constant 0 : i32
        %dma_wait3A_310 = tpu.memref_slice %arg2[%dma_wait3A_297, %dma_wait3A_308, %dma_wait3A_309] : memref<26x100000x32xf32, #tpu.memory_space<hbm>> -> memref<1x100000x32xf32, #tpu.memory_space<hbm>>
        %dma_wait3A_311 = tpu.memref_squeeze %dma_wait3A_310 : memref<1x100000x32xf32, #tpu.memory_space<hbm>> -> memref<100000x32xf32, #tpu.memory_space<hbm>>
        %dma_wait3A_312 = arith.constant 0 : i32
        %dma_wait3A_313 = arith.constant 0 : i32
        %dma_wait3A_314 = tpu.memref_slice %dma_wait3A_311[%dma_wait3A_312, %dma_wait3A_313] : memref<100000x32xf32, #tpu.memory_space<hbm>> -> memref<100000x32xf32, #tpu.memory_space<hbm>>
        tpu.wait_indirect_dma semaphore(%arg9 : memref<!tpu.dma_semaphore, #tpu.memory_space<semaphore_mem>>) src(%dma_wait3A_314 : memref<100000x32xf32, #tpu.memory_space<hbm>>) dst(%dma_wait3A_304 : memref<128x32xf32, #tpu.memory_space<vmem>>)
        %dma_wait3A_315 = arith.constant 0 : i32
        %dma_wait3A_316 = arith.constant 0 : i32
        %dma_wait3A_317 = arith.constant 0 : i32
        %dma_wait3A_318 = arith.constant 1 : i32
        %dma_wait3A_319 = arith.constant 512 : i32
        %dma_wait3A_320 = arith.constant 0 : i32
        %dma_wait3A_321 = tpu.memref_slice %arg6[%dma_wait3A_318, %dma_wait3A_319, %dma_wait3A_320] : memref<2x1280x32xf32, #tpu.memory_space<vmem>> -> memref<1x128x32xf32, #tpu.memory_space<vmem>>
        %dma_wait3A_322 = tpu.memref_squeeze %dma_wait3A_321 : memref<1x128x32xf32, #tpu.memory_space<vmem>> -> memref<128x32xf32, #tpu.memory_space<vmem>>
        %dma_wait3A_323 = arith.constant 0 : i32
        %dma_wait3A_324 = tpu.memref_slice %arg5[%dma_wait3A_316, %dma_wait3A_317, %dma_wait3A_323] : memref<2x20x128xi32, #tpu.memory_space<vmem>> -> memref<1x1x128xi32, #tpu.memory_space<vmem>>
        %dma_wait3A_325 = tpu.memref_squeeze %dma_wait3A_324 : memref<1x1x128xi32, #tpu.memory_space<vmem>> -> memref<128xi32, #tpu.memory_space<vmem>>
        %dma_wait3A_326 = arith.constant 0 : i32
        %dma_wait3A_327 = arith.constant 0 : i32
        %dma_wait3A_328 = tpu.memref_slice %arg2[%dma_wait3A_315, %dma_wait3A_326, %dma_wait3A_327] : memref<26x100000x32xf32, #tpu.memory_space<hbm>> -> memref<1x100000x32xf32, #tpu.memory_space<hbm>>
        %dma_wait3A_329 = tpu.memref_squeeze %dma_wait3A_328 : memref<1x100000x32xf32, #tpu.memory_space<hbm>> -> memref<100000x32xf32, #tpu.memory_space<hbm>>
        %dma_wait3A_330 = arith.constant 0 : i32
        %dma_wait3A_331 = arith.constant 0 : i32
        %dma_wait3A_332 = tpu.memref_slice %dma_wait3A_329[%dma_wait3A_330, %dma_wait3A_331] : memref<100000x32xf32, #tpu.memory_space<hbm>> -> memref<100000x32xf32, #tpu.memory_space<hbm>>
        tpu.wait_indirect_dma semaphore(%arg9 : memref<!tpu.dma_semaphore, #tpu.memory_space<semaphore_mem>>) src(%dma_wait3A_332 : memref<100000x32xf32, #tpu.memory_space<hbm>>) dst(%dma_wait3A_322 : memref<128x32xf32, #tpu.memory_space<vmem>>)
        %dma_wait3A_333 = arith.constant 0 : i32
        %dma_wait3A_334 = arith.constant 0 : i32
        %dma_wait3A_335 = arith.constant 0 : i32
        %dma_wait3A_336 = arith.constant 1 : i32
        %dma_wait3A_337 = arith.constant 640 : i32
        %dma_wait3A_338 = arith.constant 0 : i32
        %dma_wait3A_339 = tpu.memref_slice %arg6[%dma_wait3A_336, %dma_wait3A_337, %dma_wait3A_338] : memref<2x1280x32xf32, #tpu.memory_space<vmem>> -> memref<1x128x32xf32, #tpu.memory_space<vmem>>
        %dma_wait3A_340 = tpu.memref_squeeze %dma_wait3A_339 : memref<1x128x32xf32, #tpu.memory_space<vmem>> -> memref<128x32xf32, #tpu.memory_space<vmem>>
        %dma_wait3A_341 = arith.constant 0 : i32
        %dma_wait3A_342 = tpu.memref_slice %arg5[%dma_wait3A_334, %dma_wait3A_335, %dma_wait3A_341] : memref<2x20x128xi32, #tpu.memory_space<vmem>> -> memref<1x1x128xi32, #tpu.memory_space<vmem>>
        %dma_wait3A_343 = tpu.memref_squeeze %dma_wait3A_342 : memref<1x1x128xi32, #tpu.memory_space<vmem>> -> memref<128xi32, #tpu.memory_space<vmem>>
        %dma_wait3A_344 = arith.constant 0 : i32
        %dma_wait3A_345 = arith.constant 0 : i32
        %dma_wait3A_346 = tpu.memref_slice %arg2[%dma_wait3A_333, %dma_wait3A_344, %dma_wait3A_345] : memref<26x100000x32xf32, #tpu.memory_space<hbm>> -> memref<1x100000x32xf32, #tpu.memory_space<hbm>>
        %dma_wait3A_347 = tpu.memref_squeeze %dma_wait3A_346 : memref<1x100000x32xf32, #tpu.memory_space<hbm>> -> memref<100000x32xf32, #tpu.memory_space<hbm>>
        %dma_wait3A_348 = arith.constant 0 : i32
        %dma_wait3A_349 = arith.constant 0 : i32
        %dma_wait3A_350 = tpu.memref_slice %dma_wait3A_347[%dma_wait3A_348, %dma_wait3A_349] : memref<100000x32xf32, #tpu.memory_space<hbm>> -> memref<100000x32xf32, #tpu.memory_space<hbm>>
        tpu.wait_indirect_dma semaphore(%arg9 : memref<!tpu.dma_semaphore, #tpu.memory_space<semaphore_mem>>) src(%dma_wait3A_350 : memref<100000x32xf32, #tpu.memory_space<hbm>>) dst(%dma_wait3A_340 : memref<128x32xf32, #tpu.memory_space<vmem>>)
        %dma_wait3A_351 = arith.constant 0 : i32
        %dma_wait3A_352 = arith.constant 0 : i32
        %dma_wait3A_353 = arith.constant 0 : i32
        %dma_wait3A_354 = arith.constant 1 : i32
        %dma_wait3A_355 = arith.constant 768 : i32
        %dma_wait3A_356 = arith.constant 0 : i32
        %dma_wait3A_357 = tpu.memref_slice %arg6[%dma_wait3A_354, %dma_wait3A_355, %dma_wait3A_356] : memref<2x1280x32xf32, #tpu.memory_space<vmem>> -> memref<1x128x32xf32, #tpu.memory_space<vmem>>
        %dma_wait3A_358 = tpu.memref_squeeze %dma_wait3A_357 : memref<1x128x32xf32, #tpu.memory_space<vmem>> -> memref<128x32xf32, #tpu.memory_space<vmem>>
        %dma_wait3A_359 = arith.constant 0 : i32
        %dma_wait3A_360 = tpu.memref_slice %arg5[%dma_wait3A_352, %dma_wait3A_353, %dma_wait3A_359] : memref<2x20x128xi32, #tpu.memory_space<vmem>> -> memref<1x1x128xi32, #tpu.memory_space<vmem>>
        %dma_wait3A_361 = tpu.memref_squeeze %dma_wait3A_360 : memref<1x1x128xi32, #tpu.memory_space<vmem>> -> memref<128xi32, #tpu.memory_space<vmem>>
        %dma_wait3A_362 = arith.constant 0 : i32
        %dma_wait3A_363 = arith.constant 0 : i32
        %dma_wait3A_364 = tpu.memref_slice %arg2[%dma_wait3A_351, %dma_wait3A_362, %dma_wait3A_363] : memref<26x100000x32xf32, #tpu.memory_space<hbm>> -> memref<1x100000x32xf32, #tpu.memory_space<hbm>>
        %dma_wait3A_365 = tpu.memref_squeeze %dma_wait3A_364 : memref<1x100000x32xf32, #tpu.memory_space<hbm>> -> memref<100000x32xf32, #tpu.memory_space<hbm>>
        %dma_wait3A_366 = arith.constant 0 : i32
        %dma_wait3A_367 = arith.constant 0 : i32
        %dma_wait3A_368 = tpu.memref_slice %dma_wait3A_365[%dma_wait3A_366, %dma_wait3A_367] : memref<100000x32xf32, #tpu.memory_space<hbm>> -> memref<100000x32xf32, #tpu.memory_space<hbm>>
        tpu.wait_indirect_dma semaphore(%arg9 : memref<!tpu.dma_semaphore, #tpu.memory_space<semaphore_mem>>) src(%dma_wait3A_368 : memref<100000x32xf32, #tpu.memory_space<hbm>>) dst(%dma_wait3A_358 : memref<128x32xf32, #tpu.memory_space<vmem>>)
        %dma_wait3A_369 = arith.constant 0 : i32
        %dma_wait3A_370 = arith.constant 0 : i32
        %dma_wait3A_371 = arith.constant 0 : i32
        %dma_wait3A_372 = arith.constant 1 : i32
        %dma_wait3A_373 = arith.constant 896 : i32
        %dma_wait3A_374 = arith.constant 0 : i32
        %dma_wait3A_375 = tpu.memref_slice %arg6[%dma_wait3A_372, %dma_wait3A_373, %dma_wait3A_374] : memref<2x1280x32xf32, #tpu.memory_space<vmem>> -> memref<1x128x32xf32, #tpu.memory_space<vmem>>
        %dma_wait3A_376 = tpu.memref_squeeze %dma_wait3A_375 : memref<1x128x32xf32, #tpu.memory_space<vmem>> -> memref<128x32xf32, #tpu.memory_space<vmem>>
        %dma_wait3A_377 = arith.constant 0 : i32
        %dma_wait3A_378 = tpu.memref_slice %arg5[%dma_wait3A_370, %dma_wait3A_371, %dma_wait3A_377] : memref<2x20x128xi32, #tpu.memory_space<vmem>> -> memref<1x1x128xi32, #tpu.memory_space<vmem>>
        %dma_wait3A_379 = tpu.memref_squeeze %dma_wait3A_378 : memref<1x1x128xi32, #tpu.memory_space<vmem>> -> memref<128xi32, #tpu.memory_space<vmem>>
        %dma_wait3A_380 = arith.constant 0 : i32
        %dma_wait3A_381 = arith.constant 0 : i32
        %dma_wait3A_382 = tpu.memref_slice %arg2[%dma_wait3A_369, %dma_wait3A_380, %dma_wait3A_381] : memref<26x100000x32xf32, #tpu.memory_space<hbm>> -> memref<1x100000x32xf32, #tpu.memory_space<hbm>>
        %dma_wait3A_383 = tpu.memref_squeeze %dma_wait3A_382 : memref<1x100000x32xf32, #tpu.memory_space<hbm>> -> memref<100000x32xf32, #tpu.memory_space<hbm>>
        %dma_wait3A_384 = arith.constant 0 : i32
        %dma_wait3A_385 = arith.constant 0 : i32
        %dma_wait3A_386 = tpu.memref_slice %dma_wait3A_383[%dma_wait3A_384, %dma_wait3A_385] : memref<100000x32xf32, #tpu.memory_space<hbm>> -> memref<100000x32xf32, #tpu.memory_space<hbm>>
        tpu.wait_indirect_dma semaphore(%arg9 : memref<!tpu.dma_semaphore, #tpu.memory_space<semaphore_mem>>) src(%dma_wait3A_386 : memref<100000x32xf32, #tpu.memory_space<hbm>>) dst(%dma_wait3A_376 : memref<128x32xf32, #tpu.memory_space<vmem>>)
        %dma_wait3A_387 = arith.constant 0 : i32
        %dma_wait3A_388 = arith.constant 0 : i32
        %dma_wait3A_389 = arith.constant 0 : i32
        %dma_wait3A_390 = arith.constant 1 : i32
        %dma_wait3A_391 = arith.constant 1024 : i32
        %dma_wait3A_392 = arith.constant 0 : i32
        %dma_wait3A_393 = tpu.memref_slice %arg6[%dma_wait3A_390, %dma_wait3A_391, %dma_wait3A_392] : memref<2x1280x32xf32, #tpu.memory_space<vmem>> -> memref<1x128x32xf32, #tpu.memory_space<vmem>>
        %dma_wait3A_394 = tpu.memref_squeeze %dma_wait3A_393 : memref<1x128x32xf32, #tpu.memory_space<vmem>> -> memref<128x32xf32, #tpu.memory_space<vmem>>
        %dma_wait3A_395 = arith.constant 0 : i32
        %dma_wait3A_396 = tpu.memref_slice %arg5[%dma_wait3A_388, %dma_wait3A_389, %dma_wait3A_395] : memref<2x20x128xi32, #tpu.memory_space<vmem>> -> memref<1x1x128xi32, #tpu.memory_space<vmem>>
        %dma_wait3A_397 = tpu.memref_squeeze %dma_wait3A_396 : memref<1x1x128xi32, #tpu.memory_space<vmem>> -> memref<128xi32, #tpu.memory_space<vmem>>
        %dma_wait3A_398 = arith.constant 0 : i32
        %dma_wait3A_399 = arith.constant 0 : i32
        %dma_wait3A_400 = tpu.memref_slice %arg2[%dma_wait3A_387, %dma_wait3A_398, %dma_wait3A_399] : memref<26x100000x32xf32, #tpu.memory_space<hbm>> -> memref<1x100000x32xf32, #tpu.memory_space<hbm>>
        %dma_wait3A_401 = tpu.memref_squeeze %dma_wait3A_400 : memref<1x100000x32xf32, #tpu.memory_space<hbm>> -> memref<100000x32xf32, #tpu.memory_space<hbm>>
        %dma_wait3A_402 = arith.constant 0 : i32
        %dma_wait3A_403 = arith.constant 0 : i32
        %dma_wait3A_404 = tpu.memref_slice %dma_wait3A_401[%dma_wait3A_402, %dma_wait3A_403] : memref<100000x32xf32, #tpu.memory_space<hbm>> -> memref<100000x32xf32, #tpu.memory_space<hbm>>
        tpu.wait_indirect_dma semaphore(%arg9 : memref<!tpu.dma_semaphore, #tpu.memory_space<semaphore_mem>>) src(%dma_wait3A_404 : memref<100000x32xf32, #tpu.memory_space<hbm>>) dst(%dma_wait3A_394 : memref<128x32xf32, #tpu.memory_space<vmem>>)
        %dma_wait3A_405 = arith.constant 0 : i32
        %dma_wait3A_406 = arith.constant 0 : i32
        %dma_wait3A_407 = arith.constant 0 : i32
        %dma_wait3A_408 = arith.constant 1 : i32
        %dma_wait3A_409 = arith.constant 1152 : i32
        %dma_wait3A_410 = arith.constant 0 : i32
        %dma_wait3A_411 = tpu.memref_slice %arg6[%dma_wait3A_408, %dma_wait3A_409, %dma_wait3A_410] : memref<2x1280x32xf32, #tpu.memory_space<vmem>> -> memref<1x128x32xf32, #tpu.memory_space<vmem>>
        %dma_wait3A_412 = tpu.memref_squeeze %dma_wait3A_411 : memref<1x128x32xf32, #tpu.memory_space<vmem>> -> memref<128x32xf32, #tpu.memory_space<vmem>>
        %dma_wait3A_413 = arith.constant 0 : i32
        %dma_wait3A_414 = tpu.memref_slice %arg5[%dma_wait3A_406, %dma_wait3A_407, %dma_wait3A_413] : memref<2x20x128xi32, #tpu.memory_space<vmem>> -> memref<1x1x128xi32, #tpu.memory_space<vmem>>
        %dma_wait3A_415 = tpu.memref_squeeze %dma_wait3A_414 : memref<1x1x128xi32, #tpu.memory_space<vmem>> -> memref<128xi32, #tpu.memory_space<vmem>>
        %dma_wait3A_416 = arith.constant 0 : i32
        %dma_wait3A_417 = arith.constant 0 : i32
        %dma_wait3A_418 = tpu.memref_slice %arg2[%dma_wait3A_405, %dma_wait3A_416, %dma_wait3A_417] : memref<26x100000x32xf32, #tpu.memory_space<hbm>> -> memref<1x100000x32xf32, #tpu.memory_space<hbm>>
        %dma_wait3A_419 = tpu.memref_squeeze %dma_wait3A_418 : memref<1x100000x32xf32, #tpu.memory_space<hbm>> -> memref<100000x32xf32, #tpu.memory_space<hbm>>
        %dma_wait3A_420 = arith.constant 0 : i32
        %dma_wait3A_421 = arith.constant 0 : i32
        %dma_wait3A_422 = tpu.memref_slice %dma_wait3A_419[%dma_wait3A_420, %dma_wait3A_421] : memref<100000x32xf32, #tpu.memory_space<hbm>> -> memref<100000x32xf32, #tpu.memory_space<hbm>>
        tpu.wait_indirect_dma semaphore(%arg9 : memref<!tpu.dma_semaphore, #tpu.memory_space<semaphore_mem>>) src(%dma_wait3A_422 : memref<100000x32xf32, #tpu.memory_space<hbm>>) dst(%dma_wait3A_412 : memref<128x32xf32, #tpu.memory_space<vmem>>)
        %scan3A_423 = arith.constant 0 : i32
        %scan3A_424 = arith.constant 0 : i32
        %scan3A_425 = arith.constant 32 : i32
        %scan3A_426 = arith.addi %scan3A_424, %scan3A_425 : i32
        %scan3A_427 = arith.constant 1 : i32
        %scan3A_428 = scf.for %scan3A_430 = %scan3A_424 to %scan3A_426 step %scan3A_427 iter_args(%scan3A_431 = %scan3A_423) -> (i32)  : i32 {
          %mul3A_432 = arith.constant 2 : i32
          %mul3A_433 = arith.muli %scan3A_430, %mul3A_432 : i32
          %add3A_434 = arith.constant 0 : i32
          %add3A_435 = arith.addi %mul3A_433, %add3A_434 : i32
          %mul3A_436 = arith.constant 20 : i32
          %mul3A_437 = arith.muli %add3A_435, %mul3A_436 : i32
          %add3A_438 = arith.constant 0 : i32
          %add3A_439 = arith.addi %mul3A_437, %add3A_438 : i32
          %get3A = arith.constant 1 : i32
          %get3A_440 = arith.index_cast %get3A : i32 to index
          %get3A_441 = arith.index_cast %add3A_439 : i32 to index
          %get3A_442 = arith.constant 0 : index
          %get3A_443 = tpu.vector_load %arg6[%get3A_440, %get3A_441, %get3A_442] {strides = array<i32>} : memref<2x1280x32xf32, #tpu.memory_space<vmem>>, vector<1x1x16xf32>,
          %get3A_444 = vector.shape_cast %get3A_443 : vector<1x1x16xf32> to vector<16xf32>
          %add3A_445 = arith.constant 1 : i32
          %add3A_446 = arith.addi %mul3A_437, %add3A_445 : i32
          %get3A_447 = arith.constant 1 : i32
          %get3A_448 = arith.index_cast %get3A_447 : i32 to index
          %get3A_449 = arith.index_cast %add3A_446 : i32 to index
          %get3A_450 = arith.constant 0 : index
          %get3A_451 = tpu.vector_load %arg6[%get3A_448, %get3A_449, %get3A_450] {strides = array<i32>} : memref<2x1280x32xf32, #tpu.memory_space<vmem>>, vector<1x1x16xf32>,
          %get3A_452 = vector.shape_cast %get3A_451 : vector<1x1x16xf32> to vector<16xf32>
          %add3A_453 = arith.constant 2 : i32
          %add3A_454 = arith.addi %mul3A_437, %add3A_453 : i32
          %get3A_455 = arith.constant 1 : i32
          %get3A_456 = arith.index_cast %get3A_455 : i32 to index
          %get3A_457 = arith.index_cast %add3A_454 : i32 to index
          %get3A_458 = arith.constant 0 : index
          %get3A_459 = tpu.vector_load %arg6[%get3A_456, %get3A_457, %get3A_458] {strides = array<i32>} : memref<2x1280x32xf32, #tpu.memory_space<vmem>>, vector<1x1x16xf32>,
          %get3A_460 = vector.shape_cast %get3A_459 : vector<1x1x16xf32> to vector<16xf32>
          %add3A_461 = arith.constant 3 : i32
          %add3A_462 = arith.addi %mul3A_437, %add3A_461 : i32
          %get3A_463 = arith.constant 1 : i32
          %get3A_464 = arith.index_cast %get3A_463 : i32 to index
          %get3A_465 = arith.index_cast %add3A_462 : i32 to index
          %get3A_466 = arith.constant 0 : index
          %get3A_467 = tpu.vector_load %arg6[%get3A_464, %get3A_465, %get3A_466] {strides = array<i32>} : memref<2x1280x32xf32, #tpu.memory_space<vmem>>, vector<1x1x16xf32>,
          %get3A_468 = vector.shape_cast %get3A_467 : vector<1x1x16xf32> to vector<16xf32>
          %add3A_469 = arith.constant 4 : i32
          %add3A_470 = arith.addi %mul3A_437, %add3A_469 : i32
          %get3A_471 = arith.constant 1 : i32
          %get3A_472 = arith.index_cast %get3A_471 : i32 to index
          %get3A_473 = arith.index_cast %add3A_470 : i32 to index
          %get3A_474 = arith.constant 0 : index
          %get3A_475 = tpu.vector_load %arg6[%get3A_472, %get3A_473, %get3A_474] {strides = array<i32>} : memref<2x1280x32xf32, #tpu.memory_space<vmem>>, vector<1x1x16xf32>,
          %get3A_476 = vector.shape_cast %get3A_475 : vector<1x1x16xf32> to vector<16xf32>
          %add3A_477 = arith.constant 5 : i32
          %add3A_478 = arith.addi %mul3A_437, %add3A_477 : i32
          %get3A_479 = arith.constant 1 : i32
          %get3A_480 = arith.index_cast %get3A_479 : i32 to index
          %get3A_481 = arith.index_cast %add3A_478 : i32 to index
          %get3A_482 = arith.constant 0 : index
          %get3A_483 = tpu.vector_load %arg6[%get3A_480, %get3A_481, %get3A_482] {strides = array<i32>} : memref<2x1280x32xf32, #tpu.memory_space<vmem>>, vector<1x1x16xf32>,
          %get3A_484 = vector.shape_cast %get3A_483 : vector<1x1x16xf32> to vector<16xf32>
          %add3A_485 = arith.constant 6 : i32
          %add3A_486 = arith.addi %mul3A_437, %add3A_485 : i32
          %get3A_487 = arith.constant 1 : i32
          %get3A_488 = arith.index_cast %get3A_487 : i32 to index
          %get3A_489 = arith.index_cast %add3A_486 : i32 to index
          %get3A_490 = arith.constant 0 : index
          %get3A_491 = tpu.vector_load %arg6[%get3A_488, %get3A_489, %get3A_490] {strides = array<i32>} : memref<2x1280x32xf32, #tpu.memory_space<vmem>>, vector<1x1x16xf32>,
          %get3A_492 = vector.shape_cast %get3A_491 : vector<1x1x16xf32> to vector<16xf32>
          %add3A_493 = arith.constant 7 : i32
          %add3A_494 = arith.addi %mul3A_437, %add3A_493 : i32
          %get3A_495 = arith.constant 1 : i32
          %get3A_496 = arith.index_cast %get3A_495 : i32 to index
          %get3A_497 = arith.index_cast %add3A_494 : i32 to index
          %get3A_498 = arith.constant 0 : index
          %get3A_499 = tpu.vector_load %arg6[%get3A_496, %get3A_497, %get3A_498] {strides = array<i32>} : memref<2x1280x32xf32, #tpu.memory_space<vmem>>, vector<1x1x16xf32>,
          %get3A_500 = vector.shape_cast %get3A_499 : vector<1x1x16xf32> to vector<16xf32>
          %add3A_501 = arith.constant 8 : i32
          %add3A_502 = arith.addi %mul3A_437, %add3A_501 : i32
          %get3A_503 = arith.constant 1 : i32
          %get3A_504 = arith.index_cast %get3A_503 : i32 to index
          %get3A_505 = arith.index_cast %add3A_502 : i32 to index
          %get3A_506 = arith.constant 0 : index
          %get3A_507 = tpu.vector_load %arg6[%get3A_504, %get3A_505, %get3A_506] {strides = array<i32>} : memref<2x1280x32xf32, #tpu.memory_space<vmem>>, vector<1x1x16xf32>,
          %get3A_508 = vector.shape_cast %get3A_507 : vector<1x1x16xf32> to vector<16xf32>
          %add3A_509 = arith.constant 9 : i32
          %add3A_510 = arith.addi %mul3A_437, %add3A_509 : i32
          %get3A_511 = arith.constant 1 : i32
          %get3A_512 = arith.index_cast %get3A_511 : i32 to index
          %get3A_513 = arith.index_cast %add3A_510 : i32 to index
          %get3A_514 = arith.constant 0 : index
          %get3A_515 = tpu.vector_load %arg6[%get3A_512, %get3A_513, %get3A_514] {strides = array<i32>} : memref<2x1280x32xf32, #tpu.memory_space<vmem>>, vector<1x1x16xf32>,
          %get3A_516 = vector.shape_cast %get3A_515 : vector<1x1x16xf32> to vector<16xf32>
          %add3A_517 = arith.constant 10 : i32
          %add3A_518 = arith.addi %mul3A_437, %add3A_517 : i32
          %get3A_519 = arith.constant 1 : i32
          %get3A_520 = arith.index_cast %get3A_519 : i32 to index
          %get3A_521 = arith.index_cast %add3A_518 : i32 to index
          %get3A_522 = arith.constant 0 : index
          %get3A_523 = tpu.vector_load %arg6[%get3A_520, %get3A_521, %get3A_522] {strides = array<i32>} : memref<2x1280x32xf32, #tpu.memory_space<vmem>>, vector<1x1x16xf32>,
          %get3A_524 = vector.shape_cast %get3A_523 : vector<1x1x16xf32> to vector<16xf32>
          %add3A_525 = arith.constant 11 : i32
          %add3A_526 = arith.addi %mul3A_437, %add3A_525 : i32
          %get3A_527 = arith.constant 1 : i32
          %get3A_528 = arith.index_cast %get3A_527 : i32 to index
          %get3A_529 = arith.index_cast %add3A_526 : i32 to index
          %get3A_530 = arith.constant 0 : index
          %get3A_531 = tpu.vector_load %arg6[%get3A_528, %get3A_529, %get3A_530] {strides = array<i32>} : memref<2x1280x32xf32, #tpu.memory_space<vmem>>, vector<1x1x16xf32>,
          %get3A_532 = vector.shape_cast %get3A_531 : vector<1x1x16xf32> to vector<16xf32>
          %add3A_533 = arith.constant 12 : i32
          %add3A_534 = arith.addi %mul3A_437, %add3A_533 : i32
          %get3A_535 = arith.constant 1 : i32
          %get3A_536 = arith.index_cast %get3A_535 : i32 to index
          %get3A_537 = arith.index_cast %add3A_534 : i32 to index
          %get3A_538 = arith.constant 0 : index
          %get3A_539 = tpu.vector_load %arg6[%get3A_536, %get3A_537, %get3A_538] {strides = array<i32>} : memref<2x1280x32xf32, #tpu.memory_space<vmem>>, vector<1x1x16xf32>,
          %get3A_540 = vector.shape_cast %get3A_539 : vector<1x1x16xf32> to vector<16xf32>
          %add3A_541 = arith.constant 13 : i32
          %add3A_542 = arith.addi %mul3A_437, %add3A_541 : i32
          %get3A_543 = arith.constant 1 : i32
          %get3A_544 = arith.index_cast %get3A_543 : i32 to index
          %get3A_545 = arith.index_cast %add3A_542 : i32 to index
          %get3A_546 = arith.constant 0 : index
          %get3A_547 = tpu.vector_load %arg6[%get3A_544, %get3A_545, %get3A_546] {strides = array<i32>} : memref<2x1280x32xf32, #tpu.memory_space<vmem>>, vector<1x1x16xf32>,
          %get3A_548 = vector.shape_cast %get3A_547 : vector<1x1x16xf32> to vector<16xf32>
          %add3A_549 = arith.constant 14 : i32
          %add3A_550 = arith.addi %mul3A_437, %add3A_549 : i32
          %get3A_551 = arith.constant 1 : i32
          %get3A_552 = arith.index_cast %get3A_551 : i32 to index
          %get3A_553 = arith.index_cast %add3A_550 : i32 to index
          %get3A_554 = arith.constant 0 : index
          %get3A_555 = tpu.vector_load %arg6[%get3A_552, %get3A_553, %get3A_554] {strides = array<i32>} : memref<2x1280x32xf32, #tpu.memory_space<vmem>>, vector<1x1x16xf32>,
          %get3A_556 = vector.shape_cast %get3A_555 : vector<1x1x16xf32> to vector<16xf32>
          %add3A_557 = arith.constant 15 : i32
          %add3A_558 = arith.addi %mul3A_437, %add3A_557 : i32
          %get3A_559 = arith.constant 1 : i32
          %get3A_560 = arith.index_cast %get3A_559 : i32 to index
          %get3A_561 = arith.index_cast %add3A_558 : i32 to index
          %get3A_562 = arith.constant 0 : index
          %get3A_563 = tpu.vector_load %arg6[%get3A_560, %get3A_561, %get3A_562] {strides = array<i32>} : memref<2x1280x32xf32, #tpu.memory_space<vmem>>, vector<1x1x16xf32>,
          %get3A_564 = vector.shape_cast %get3A_563 : vector<1x1x16xf32> to vector<16xf32>
          %add3A_565 = arith.constant 16 : i32
          %add3A_566 = arith.addi %mul3A_437, %add3A_565 : i32
          %get3A_567 = arith.constant 1 : i32
          %get3A_568 = arith.index_cast %get3A_567 : i32 to index
          %get3A_569 = arith.index_cast %add3A_566 : i32 to index
          %get3A_570 = arith.constant 0 : index
          %get3A_571 = tpu.vector_load %arg6[%get3A_568, %get3A_569, %get3A_570] {strides = array<i32>} : memref<2x1280x32xf32, #tpu.memory_space<vmem>>, vector<1x1x16xf32>,
          %get3A_572 = vector.shape_cast %get3A_571 : vector<1x1x16xf32> to vector<16xf32>
          %add3A_573 = arith.constant 17 : i32
          %add3A_574 = arith.addi %mul3A_437, %add3A_573 : i32
          %get3A_575 = arith.constant 1 : i32
          %get3A_576 = arith.index_cast %get3A_575 : i32 to index
          %get3A_577 = arith.index_cast %add3A_574 : i32 to index
          %get3A_578 = arith.constant 0 : index
          %get3A_579 = tpu.vector_load %arg6[%get3A_576, %get3A_577, %get3A_578] {strides = array<i32>} : memref<2x1280x32xf32, #tpu.memory_space<vmem>>, vector<1x1x16xf32>,
          %get3A_580 = vector.shape_cast %get3A_579 : vector<1x1x16xf32> to vector<16xf32>
          %add3A_581 = arith.constant 18 : i32
          %add3A_582 = arith.addi %mul3A_437, %add3A_581 : i32
          %get3A_583 = arith.constant 1 : i32
          %get3A_584 = arith.index_cast %get3A_583 : i32 to index
          %get3A_585 = arith.index_cast %add3A_582 : i32 to index
          %get3A_586 = arith.constant 0 : index
          %get3A_587 = tpu.vector_load %arg6[%get3A_584, %get3A_585, %get3A_586] {strides = array<i32>} : memref<2x1280x32xf32, #tpu.memory_space<vmem>>, vector<1x1x16xf32>,
          %get3A_588 = vector.shape_cast %get3A_587 : vector<1x1x16xf32> to vector<16xf32>
          %add3A_589 = arith.constant 19 : i32
          %add3A_590 = arith.addi %mul3A_437, %add3A_589 : i32
          %get3A_591 = arith.constant 1 : i32
          %get3A_592 = arith.index_cast %get3A_591 : i32 to index
          %get3A_593 = arith.index_cast %add3A_590 : i32 to index
          %get3A_594 = arith.constant 0 : index
          %get3A_595 = tpu.vector_load %arg6[%get3A_592, %get3A_593, %get3A_594] {strides = array<i32>} : memref<2x1280x32xf32, #tpu.memory_space<vmem>>, vector<1x1x16xf32>,
          %get3A_596 = vector.shape_cast %get3A_595 : vector<1x1x16xf32> to vector<16xf32>
          %add3A_597 = arith.addf %get3A_444, %get3A_452 : vector<16xf32>
          %add3A_598 = arith.addf %get3A_460, %get3A_468 : vector<16xf32>
          %add3A_599 = arith.addf %get3A_476, %get3A_484 : vector<16xf32>
          %add3A_600 = arith.addf %get3A_492, %get3A_500 : vector<16xf32>
          %add3A_601 = arith.addf %get3A_508, %get3A_516 : vector<16xf32>
          %add3A_602 = arith.addf %get3A_524, %get3A_532 : vector<16xf32>
          %add3A_603 = arith.addf %get3A_540, %get3A_548 : vector<16xf32>
          %add3A_604 = arith.addf %get3A_556, %get3A_564 : vector<16xf32>
          %add3A_605 = arith.addf %get3A_572, %get3A_580 : vector<16xf32>
          %add3A_606 = arith.addf %get3A_588, %get3A_596 : vector<16xf32>
          %add3A_607 = arith.addf %add3A_597, %add3A_598 : vector<16xf32>
          %add3A_608 = arith.addf %add3A_599, %add3A_600 : vector<16xf32>
          %add3A_609 = arith.addf %add3A_601, %add3A_602 : vector<16xf32>
          %add3A_610 = arith.addf %add3A_603, %add3A_604 : vector<16xf32>
          %add3A_611 = arith.addf %add3A_605, %add3A_606 : vector<16xf32>
          %add3A_612 = arith.addf %add3A_607, %add3A_608 : vector<16xf32>
          %add3A_613 = arith.addf %add3A_609, %add3A_610 : vector<16xf32>
          %add3A_614 = arith.addf %add3A_612, %add3A_613 : vector<16xf32>
          %add3A_615 = arith.addf %add3A_614, %add3A_611 : vector<16xf32>
          %add3A_616 = arith.constant 0 : i32
          %add3A_617 = arith.addi %mul3A_437, %add3A_616 : i32
          %get3A_618 = arith.constant 1 : i32
          %get3A_619 = arith.index_cast %get3A_618 : i32 to index
          %get3A_620 = arith.index_cast %add3A_617 : i32 to index
          %get3A_621 = arith.constant 16 : index
          %get3A_622 = tpu.vector_load %arg6[%get3A_619, %get3A_620, %get3A_621] {strides = array<i32>} : memref<2x1280x32xf32, #tpu.memory_space<vmem>>, vector<1x1x16xf32>,
          %get3A_623 = vector.shape_cast %get3A_622 : vector<1x1x16xf32> to vector<16xf32>
          %add3A_624 = arith.constant 1 : i32
          %add3A_625 = arith.addi %mul3A_437, %add3A_624 : i32
          %get3A_626 = arith.constant 1 : i32
          %get3A_627 = arith.index_cast %get3A_626 : i32 to index
          %get3A_628 = arith.index_cast %add3A_625 : i32 to index
          %get3A_629 = arith.constant 16 : index
          %get3A_630 = tpu.vector_load %arg6[%get3A_627, %get3A_628, %get3A_629] {strides = array<i32>} : memref<2x1280x32xf32, #tpu.memory_space<vmem>>, vector<1x1x16xf32>,
          %get3A_631 = vector.shape_cast %get3A_630 : vector<1x1x16xf32> to vector<16xf32>
          %add3A_632 = arith.constant 2 : i32
          %add3A_633 = arith.addi %mul3A_437, %add3A_632 : i32
          %get3A_634 = arith.constant 1 : i32
          %get3A_635 = arith.index_cast %get3A_634 : i32 to index
          %get3A_636 = arith.index_cast %add3A_633 : i32 to index
          %get3A_637 = arith.constant 16 : index
          %get3A_638 = tpu.vector_load %arg6[%get3A_635, %get3A_636, %get3A_637] {strides = array<i32>} : memref<2x1280x32xf32, #tpu.memory_space<vmem>>, vector<1x1x16xf32>,
          %get3A_639 = vector.shape_cast %get3A_638 : vector<1x1x16xf32> to vector<16xf32>
          %add3A_640 = arith.constant 3 : i32
          %add3A_641 = arith.addi %mul3A_437, %add3A_640 : i32
          %get3A_642 = arith.constant 1 : i32
          %get3A_643 = arith.index_cast %get3A_642 : i32 to index
          %get3A_644 = arith.index_cast %add3A_641 : i32 to index
          %get3A_645 = arith.constant 16 : index
          %get3A_646 = tpu.vector_load %arg6[%get3A_643, %get3A_644, %get3A_645] {strides = array<i32>} : memref<2x1280x32xf32, #tpu.memory_space<vmem>>, vector<1x1x16xf32>,
          %get3A_647 = vector.shape_cast %get3A_646 : vector<1x1x16xf32> to vector<16xf32>
          %add3A_648 = arith.constant 4 : i32
          %add3A_649 = arith.addi %mul3A_437, %add3A_648 : i32
          %get3A_650 = arith.constant 1 : i32
          %get3A_651 = arith.index_cast %get3A_650 : i32 to index
          %get3A_652 = arith.index_cast %add3A_649 : i32 to index
          %get3A_653 = arith.constant 16 : index
          %get3A_654 = tpu.vector_load %arg6[%get3A_651, %get3A_652, %get3A_653] {strides = array<i32>} : memref<2x1280x32xf32, #tpu.memory_space<vmem>>, vector<1x1x16xf32>,
          %get3A_655 = vector.shape_cast %get3A_654 : vector<1x1x16xf32> to vector<16xf32>
          %add3A_656 = arith.constant 5 : i32
          %add3A_657 = arith.addi %mul3A_437, %add3A_656 : i32
          %get3A_658 = arith.constant 1 : i32
          %get3A_659 = arith.index_cast %get3A_658 : i32 to index
          %get3A_660 = arith.index_cast %add3A_657 : i32 to index
          %get3A_661 = arith.constant 16 : index
          %get3A_662 = tpu.vector_load %arg6[%get3A_659, %get3A_660, %get3A_661] {strides = array<i32>} : memref<2x1280x32xf32, #tpu.memory_space<vmem>>, vector<1x1x16xf32>,
          %get3A_663 = vector.shape_cast %get3A_662 : vector<1x1x16xf32> to vector<16xf32>
          %add3A_664 = arith.constant 6 : i32
          %add3A_665 = arith.addi %mul3A_437, %add3A_664 : i32
          %get3A_666 = arith.constant 1 : i32
          %get3A_667 = arith.index_cast %get3A_666 : i32 to index
          %get3A_668 = arith.index_cast %add3A_665 : i32 to index
          %get3A_669 = arith.constant 16 : index
          %get3A_670 = tpu.vector_load %arg6[%get3A_667, %get3A_668, %get3A_669] {strides = array<i32>} : memref<2x1280x32xf32, #tpu.memory_space<vmem>>, vector<1x1x16xf32>,
          %get3A_671 = vector.shape_cast %get3A_670 : vector<1x1x16xf32> to vector<16xf32>
          %add3A_672 = arith.constant 7 : i32
          %add3A_673 = arith.addi %mul3A_437, %add3A_672 : i32
          %get3A_674 = arith.constant 1 : i32
          %get3A_675 = arith.index_cast %get3A_674 : i32 to index
          %get3A_676 = arith.index_cast %add3A_673 : i32 to index
          %get3A_677 = arith.constant 16 : index
          %get3A_678 = tpu.vector_load %arg6[%get3A_675, %get3A_676, %get3A_677] {strides = array<i32>} : memref<2x1280x32xf32, #tpu.memory_space<vmem>>, vector<1x1x16xf32>,
          %get3A_679 = vector.shape_cast %get3A_678 : vector<1x1x16xf32> to vector<16xf32>
          %add3A_680 = arith.constant 8 : i32
          %add3A_681 = arith.addi %mul3A_437, %add3A_680 : i32
          %get3A_682 = arith.constant 1 : i32
          %get3A_683 = arith.index_cast %get3A_682 : i32 to index
          %get3A_684 = arith.index_cast %add3A_681 : i32 to index
          %get3A_685 = arith.constant 16 : index
          %get3A_686 = tpu.vector_load %arg6[%get3A_683, %get3A_684, %get3A_685] {strides = array<i32>} : memref<2x1280x32xf32, #tpu.memory_space<vmem>>, vector<1x1x16xf32>,
          %get3A_687 = vector.shape_cast %get3A_686 : vector<1x1x16xf32> to vector<16xf32>
          %add3A_688 = arith.constant 9 : i32
          %add3A_689 = arith.addi %mul3A_437, %add3A_688 : i32
          %get3A_690 = arith.constant 1 : i32
          %get3A_691 = arith.index_cast %get3A_690 : i32 to index
          %get3A_692 = arith.index_cast %add3A_689 : i32 to index
          %get3A_693 = arith.constant 16 : index
          %get3A_694 = tpu.vector_load %arg6[%get3A_691, %get3A_692, %get3A_693] {strides = array<i32>} : memref<2x1280x32xf32, #tpu.memory_space<vmem>>, vector<1x1x16xf32>,
          %get3A_695 = vector.shape_cast %get3A_694 : vector<1x1x16xf32> to vector<16xf32>
          %add3A_696 = arith.constant 10 : i32
          %add3A_697 = arith.addi %mul3A_437, %add3A_696 : i32
          %get3A_698 = arith.constant 1 : i32
          %get3A_699 = arith.index_cast %get3A_698 : i32 to index
          %get3A_700 = arith.index_cast %add3A_697 : i32 to index
          %get3A_701 = arith.constant 16 : index
          %get3A_702 = tpu.vector_load %arg6[%get3A_699, %get3A_700, %get3A_701] {strides = array<i32>} : memref<2x1280x32xf32, #tpu.memory_space<vmem>>, vector<1x1x16xf32>,
          %get3A_703 = vector.shape_cast %get3A_702 : vector<1x1x16xf32> to vector<16xf32>
          %add3A_704 = arith.constant 11 : i32
          %add3A_705 = arith.addi %mul3A_437, %add3A_704 : i32
          %get3A_706 = arith.constant 1 : i32
          %get3A_707 = arith.index_cast %get3A_706 : i32 to index
          %get3A_708 = arith.index_cast %add3A_705 : i32 to index
          %get3A_709 = arith.constant 16 : index
          %get3A_710 = tpu.vector_load %arg6[%get3A_707, %get3A_708, %get3A_709] {strides = array<i32>} : memref<2x1280x32xf32, #tpu.memory_space<vmem>>, vector<1x1x16xf32>,
          %get3A_711 = vector.shape_cast %get3A_710 : vector<1x1x16xf32> to vector<16xf32>
          %add3A_712 = arith.constant 12 : i32
          %add3A_713 = arith.addi %mul3A_437, %add3A_712 : i32
          %get3A_714 = arith.constant 1 : i32
          %get3A_715 = arith.index_cast %get3A_714 : i32 to index
          %get3A_716 = arith.index_cast %add3A_713 : i32 to index
          %get3A_717 = arith.constant 16 : index
          %get3A_718 = tpu.vector_load %arg6[%get3A_715, %get3A_716, %get3A_717] {strides = array<i32>} : memref<2x1280x32xf32, #tpu.memory_space<vmem>>, vector<1x1x16xf32>,
          %get3A_719 = vector.shape_cast %get3A_718 : vector<1x1x16xf32> to vector<16xf32>
          %add3A_720 = arith.constant 13 : i32
          %add3A_721 = arith.addi %mul3A_437, %add3A_720 : i32
          %get3A_722 = arith.constant 1 : i32
          %get3A_723 = arith.index_cast %get3A_722 : i32 to index
          %get3A_724 = arith.index_cast %add3A_721 : i32 to index
          %get3A_725 = arith.constant 16 : index
          %get3A_726 = tpu.vector_load %arg6[%get3A_723, %get3A_724, %get3A_725] {strides = array<i32>} : memref<2x1280x32xf32, #tpu.memory_space<vmem>>, vector<1x1x16xf32>,
          %get3A_727 = vector.shape_cast %get3A_726 : vector<1x1x16xf32> to vector<16xf32>
          %add3A_728 = arith.constant 14 : i32
          %add3A_729 = arith.addi %mul3A_437, %add3A_728 : i32
          %get3A_730 = arith.constant 1 : i32
          %get3A_731 = arith.index_cast %get3A_730 : i32 to index
          %get3A_732 = arith.index_cast %add3A_729 : i32 to index
          %get3A_733 = arith.constant 16 : index
          %get3A_734 = tpu.vector_load %arg6[%get3A_731, %get3A_732, %get3A_733] {strides = array<i32>} : memref<2x1280x32xf32, #tpu.memory_space<vmem>>, vector<1x1x16xf32>,
          %get3A_735 = vector.shape_cast %get3A_734 : vector<1x1x16xf32> to vector<16xf32>
          %add3A_736 = arith.constant 15 : i32
          %add3A_737 = arith.addi %mul3A_437, %add3A_736 : i32
          %get3A_738 = arith.constant 1 : i32
          %get3A_739 = arith.index_cast %get3A_738 : i32 to index
          %get3A_740 = arith.index_cast %add3A_737 : i32 to index
          %get3A_741 = arith.constant 16 : index
          %get3A_742 = tpu.vector_load %arg6[%get3A_739, %get3A_740, %get3A_741] {strides = array<i32>} : memref<2x1280x32xf32, #tpu.memory_space<vmem>>, vector<1x1x16xf32>,
          %get3A_743 = vector.shape_cast %get3A_742 : vector<1x1x16xf32> to vector<16xf32>
          %add3A_744 = arith.constant 16 : i32
          %add3A_745 = arith.addi %mul3A_437, %add3A_744 : i32
          %get3A_746 = arith.constant 1 : i32
          %get3A_747 = arith.index_cast %get3A_746 : i32 to index
          %get3A_748 = arith.index_cast %add3A_745 : i32 to index
          %get3A_749 = arith.constant 16 : index
          %get3A_750 = tpu.vector_load %arg6[%get3A_747, %get3A_748, %get3A_749] {strides = array<i32>} : memref<2x1280x32xf32, #tpu.memory_space<vmem>>, vector<1x1x16xf32>,
          %get3A_751 = vector.shape_cast %get3A_750 : vector<1x1x16xf32> to vector<16xf32>
          %add3A_752 = arith.constant 17 : i32
          %add3A_753 = arith.addi %mul3A_437, %add3A_752 : i32
          %get3A_754 = arith.constant 1 : i32
          %get3A_755 = arith.index_cast %get3A_754 : i32 to index
          %get3A_756 = arith.index_cast %add3A_753 : i32 to index
          %get3A_757 = arith.constant 16 : index
          %get3A_758 = tpu.vector_load %arg6[%get3A_755, %get3A_756, %get3A_757] {strides = array<i32>} : memref<2x1280x32xf32, #tpu.memory_space<vmem>>, vector<1x1x16xf32>,
          %get3A_759 = vector.shape_cast %get3A_758 : vector<1x1x16xf32> to vector<16xf32>
          %add3A_760 = arith.constant 18 : i32
          %add3A_761 = arith.addi %mul3A_437, %add3A_760 : i32
          %get3A_762 = arith.constant 1 : i32
          %get3A_763 = arith.index_cast %get3A_762 : i32 to index
          %get3A_764 = arith.index_cast %add3A_761 : i32 to index
          %get3A_765 = arith.constant 16 : index
          %get3A_766 = tpu.vector_load %arg6[%get3A_763, %get3A_764, %get3A_765] {strides = array<i32>} : memref<2x1280x32xf32, #tpu.memory_space<vmem>>, vector<1x1x16xf32>,
          %get3A_767 = vector.shape_cast %get3A_766 : vector<1x1x16xf32> to vector<16xf32>
          %add3A_768 = arith.constant 19 : i32
          %add3A_769 = arith.addi %mul3A_437, %add3A_768 : i32
          %get3A_770 = arith.constant 1 : i32
          %get3A_771 = arith.index_cast %get3A_770 : i32 to index
          %get3A_772 = arith.index_cast %add3A_769 : i32 to index
          %get3A_773 = arith.constant 16 : index
          %get3A_774 = tpu.vector_load %arg6[%get3A_771, %get3A_772, %get3A_773] {strides = array<i32>} : memref<2x1280x32xf32, #tpu.memory_space<vmem>>, vector<1x1x16xf32>,
          %get3A_775 = vector.shape_cast %get3A_774 : vector<1x1x16xf32> to vector<16xf32>
          %add3A_776 = arith.addf %get3A_623, %get3A_631 : vector<16xf32>
          %add3A_777 = arith.addf %get3A_639, %get3A_647 : vector<16xf32>
          %add3A_778 = arith.addf %get3A_655, %get3A_663 : vector<16xf32>
          %add3A_779 = arith.addf %get3A_671, %get3A_679 : vector<16xf32>
          %add3A_780 = arith.addf %get3A_687, %get3A_695 : vector<16xf32>
          %add3A_781 = arith.addf %get3A_703, %get3A_711 : vector<16xf32>
          %add3A_782 = arith.addf %get3A_719, %get3A_727 : vector<16xf32>
          %add3A_783 = arith.addf %get3A_735, %get3A_743 : vector<16xf32>
          %add3A_784 = arith.addf %get3A_751, %get3A_759 : vector<16xf32>
          %add3A_785 = arith.addf %get3A_767, %get3A_775 : vector<16xf32>
          %add3A_786 = arith.addf %add3A_776, %add3A_777 : vector<16xf32>
          %add3A_787 = arith.addf %add3A_778, %add3A_779 : vector<16xf32>
          %add3A_788 = arith.addf %add3A_780, %add3A_781 : vector<16xf32>
          %add3A_789 = arith.addf %add3A_782, %add3A_783 : vector<16xf32>
          %add3A_790 = arith.addf %add3A_784, %add3A_785 : vector<16xf32>
          %add3A_791 = arith.addf %add3A_786, %add3A_787 : vector<16xf32>
          %add3A_792 = arith.addf %add3A_788, %add3A_789 : vector<16xf32>
          %add3A_793 = arith.addf %add3A_791, %add3A_792 : vector<16xf32>
          %add3A_794 = arith.addf %add3A_793, %add3A_790 : vector<16xf32>
          %add3A_795 = arith.constant 64 : i32
          %add3A_796 = arith.addi %add3A_795, %add3A_435 : i32
          %swap3A = arith.index_cast %add3A_796 : i32 to index
          %swap3A_797 = arith.constant 0 : index
          %swap3A_798 = tpu.vector_load %arg7[%swap3A, %swap3A_797] {strides = array<i32>} : memref<128x32xf32, #tpu.memory_space<vmem>>, vector<1x16xf32>,
          %swap3A_799 = vector.shape_cast %swap3A_798 : vector<1x16xf32> to vector<16xf32>
          %swap3A_800 = vector.shape_cast %add3A_615 : vector<16xf32> to vector<1x16xf32>
          tpu.vector_store %arg7[%swap3A, %swap3A_797], %swap3A_800 {strides = array<i32>} : memref<128x32xf32, #tpu.memory_space<vmem>>, vector<1x16xf32>,
          %add3A_801 = arith.constant 64 : i32
          %add3A_802 = arith.addi %add3A_801, %add3A_435 : i32
          %swap3A_803 = arith.index_cast %add3A_802 : i32 to index
          %swap3A_804 = arith.constant 16 : index
          %swap3A_805 = tpu.vector_load %arg7[%swap3A_803, %swap3A_804] {strides = array<i32>} : memref<128x32xf32, #tpu.memory_space<vmem>>, vector<1x16xf32>,
          %swap3A_806 = vector.shape_cast %swap3A_805 : vector<1x16xf32> to vector<16xf32>
          %swap3A_807 = vector.shape_cast %add3A_794 : vector<16xf32> to vector<1x16xf32>
          tpu.vector_store %arg7[%swap3A_803, %swap3A_804], %swap3A_807 {strides = array<i32>} : memref<128x32xf32, #tpu.memory_space<vmem>>, vector<1x16xf32>,
          %mul3A_808 = arith.constant 2 : i32
          %mul3A_809 = arith.muli %scan3A_430, %mul3A_808 : i32
          %add3A_810 = arith.constant 1 : i32
          %add3A_811 = arith.addi %mul3A_809, %add3A_810 : i32
          %mul3A_812 = arith.constant 20 : i32
          %mul3A_813 = arith.muli %add3A_811, %mul3A_812 : i32
          %add3A_814 = arith.constant 0 : i32
          %add3A_815 = arith.addi %mul3A_813, %add3A_814 : i32
          %get3A_816 = arith.constant 1 : i32
          %get3A_817 = arith.index_cast %get3A_816 : i32 to index
          %get3A_818 = arith.index_cast %add3A_815 : i32 to index
          %get3A_819 = arith.constant 0 : index
          %get3A_820 = tpu.vector_load %arg6[%get3A_817, %get3A_818, %get3A_819] {strides = array<i32>} : memref<2x1280x32xf32, #tpu.memory_space<vmem>>, vector<1x1x16xf32>,
          %get3A_821 = vector.shape_cast %get3A_820 : vector<1x1x16xf32> to vector<16xf32>
          %add3A_822 = arith.constant 1 : i32
          %add3A_823 = arith.addi %mul3A_813, %add3A_822 : i32
          %get3A_824 = arith.constant 1 : i32
          %get3A_825 = arith.index_cast %get3A_824 : i32 to index
          %get3A_826 = arith.index_cast %add3A_823 : i32 to index
          %get3A_827 = arith.constant 0 : index
          %get3A_828 = tpu.vector_load %arg6[%get3A_825, %get3A_826, %get3A_827] {strides = array<i32>} : memref<2x1280x32xf32, #tpu.memory_space<vmem>>, vector<1x1x16xf32>,
          %get3A_829 = vector.shape_cast %get3A_828 : vector<1x1x16xf32> to vector<16xf32>
          %add3A_830 = arith.constant 2 : i32
          %add3A_831 = arith.addi %mul3A_813, %add3A_830 : i32
          %get3A_832 = arith.constant 1 : i32
          %get3A_833 = arith.index_cast %get3A_832 : i32 to index
          %get3A_834 = arith.index_cast %add3A_831 : i32 to index
          %get3A_835 = arith.constant 0 : index
          %get3A_836 = tpu.vector_load %arg6[%get3A_833, %get3A_834, %get3A_835] {strides = array<i32>} : memref<2x1280x32xf32, #tpu.memory_space<vmem>>, vector<1x1x16xf32>,
          %get3A_837 = vector.shape_cast %get3A_836 : vector<1x1x16xf32> to vector<16xf32>
          %add3A_838 = arith.constant 3 : i32
          %add3A_839 = arith.addi %mul3A_813, %add3A_838 : i32
          %get3A_840 = arith.constant 1 : i32
          %get3A_841 = arith.index_cast %get3A_840 : i32 to index
          %get3A_842 = arith.index_cast %add3A_839 : i32 to index
          %get3A_843 = arith.constant 0 : index
          %get3A_844 = tpu.vector_load %arg6[%get3A_841, %get3A_842, %get3A_843] {strides = array<i32>} : memref<2x1280x32xf32, #tpu.memory_space<vmem>>, vector<1x1x16xf32>,
          %get3A_845 = vector.shape_cast %get3A_844 : vector<1x1x16xf32> to vector<16xf32>
          %add3A_846 = arith.constant 4 : i32
          %add3A_847 = arith.addi %mul3A_813, %add3A_846 : i32
          %get3A_848 = arith.constant 1 : i32
          %get3A_849 = arith.index_cast %get3A_848 : i32 to index
          %get3A_850 = arith.index_cast %add3A_847 : i32 to index
          %get3A_851 = arith.constant 0 : index
          %get3A_852 = tpu.vector_load %arg6[%get3A_849, %get3A_850, %get3A_851] {strides = array<i32>} : memref<2x1280x32xf32, #tpu.memory_space<vmem>>, vector<1x1x16xf32>,
          %get3A_853 = vector.shape_cast %get3A_852 : vector<1x1x16xf32> to vector<16xf32>
          %add3A_854 = arith.constant 5 : i32
          %add3A_855 = arith.addi %mul3A_813, %add3A_854 : i32
          %get3A_856 = arith.constant 1 : i32
          %get3A_857 = arith.index_cast %get3A_856 : i32 to index
          %get3A_858 = arith.index_cast %add3A_855 : i32 to index
          %get3A_859 = arith.constant 0 : index
          %get3A_860 = tpu.vector_load %arg6[%get3A_857, %get3A_858, %get3A_859] {strides = array<i32>} : memref<2x1280x32xf32, #tpu.memory_space<vmem>>, vector<1x1x16xf32>,
          %get3A_861 = vector.shape_cast %get3A_860 : vector<1x1x16xf32> to vector<16xf32>
          %add3A_862 = arith.constant 6 : i32
          %add3A_863 = arith.addi %mul3A_813, %add3A_862 : i32
          %get3A_864 = arith.constant 1 : i32
          %get3A_865 = arith.index_cast %get3A_864 : i32 to index
          %get3A_866 = arith.index_cast %add3A_863 : i32 to index
          %get3A_867 = arith.constant 0 : index
          %get3A_868 = tpu.vector_load %arg6[%get3A_865, %get3A_866, %get3A_867] {strides = array<i32>} : memref<2x1280x32xf32, #tpu.memory_space<vmem>>, vector<1x1x16xf32>,
          %get3A_869 = vector.shape_cast %get3A_868 : vector<1x1x16xf32> to vector<16xf32>
          %add3A_870 = arith.constant 7 : i32
          %add3A_871 = arith.addi %mul3A_813, %add3A_870 : i32
          %get3A_872 = arith.constant 1 : i32
          %get3A_873 = arith.index_cast %get3A_872 : i32 to index
          %get3A_874 = arith.index_cast %add3A_871 : i32 to index
          %get3A_875 = arith.constant 0 : index
          %get3A_876 = tpu.vector_load %arg6[%get3A_873, %get3A_874, %get3A_875] {strides = array<i32>} : memref<2x1280x32xf32, #tpu.memory_space<vmem>>, vector<1x1x16xf32>,
          %get3A_877 = vector.shape_cast %get3A_876 : vector<1x1x16xf32> to vector<16xf32>
          %add3A_878 = arith.constant 8 : i32
          %add3A_879 = arith.addi %mul3A_813, %add3A_878 : i32
          %get3A_880 = arith.constant 1 : i32
          %get3A_881 = arith.index_cast %get3A_880 : i32 to index
          %get3A_882 = arith.index_cast %add3A_879 : i32 to index
          %get3A_883 = arith.constant 0 : index
          %get3A_884 = tpu.vector_load %arg6[%get3A_881, %get3A_882, %get3A_883] {strides = array<i32>} : memref<2x1280x32xf32, #tpu.memory_space<vmem>>, vector<1x1x16xf32>,
          %get3A_885 = vector.shape_cast %get3A_884 : vector<1x1x16xf32> to vector<16xf32>
          %add3A_886 = arith.constant 9 : i32
          %add3A_887 = arith.addi %mul3A_813, %add3A_886 : i32
          %get3A_888 = arith.constant 1 : i32
          %get3A_889 = arith.index_cast %get3A_888 : i32 to index
          %get3A_890 = arith.index_cast %add3A_887 : i32 to index
          %get3A_891 = arith.constant 0 : index
          %get3A_892 = tpu.vector_load %arg6[%get3A_889, %get3A_890, %get3A_891] {strides = array<i32>} : memref<2x1280x32xf32, #tpu.memory_space<vmem>>, vector<1x1x16xf32>,
          %get3A_893 = vector.shape_cast %get3A_892 : vector<1x1x16xf32> to vector<16xf32>
          %add3A_894 = arith.constant 10 : i32
          %add3A_895 = arith.addi %mul3A_813, %add3A_894 : i32
          %get3A_896 = arith.constant 1 : i32
          %get3A_897 = arith.index_cast %get3A_896 : i32 to index
          %get3A_898 = arith.index_cast %add3A_895 : i32 to index
          %get3A_899 = arith.constant 0 : index
          %get3A_900 = tpu.vector_load %arg6[%get3A_897, %get3A_898, %get3A_899] {strides = array<i32>} : memref<2x1280x32xf32, #tpu.memory_space<vmem>>, vector<1x1x16xf32>,
          %get3A_901 = vector.shape_cast %get3A_900 : vector<1x1x16xf32> to vector<16xf32>
          %add3A_902 = arith.constant 11 : i32
          %add3A_903 = arith.addi %mul3A_813, %add3A_902 : i32
          %get3A_904 = arith.constant 1 : i32
          %get3A_905 = arith.index_cast %get3A_904 : i32 to index
          %get3A_906 = arith.index_cast %add3A_903 : i32 to index
          %get3A_907 = arith.constant 0 : index
          %get3A_908 = tpu.vector_load %arg6[%get3A_905, %get3A_906, %get3A_907] {strides = array<i32>} : memref<2x1280x32xf32, #tpu.memory_space<vmem>>, vector<1x1x16xf32>,
          %get3A_909 = vector.shape_cast %get3A_908 : vector<1x1x16xf32> to vector<16xf32>
          %add3A_910 = arith.constant 12 : i32
          %add3A_911 = arith.addi %mul3A_813, %add3A_910 : i32
          %get3A_912 = arith.constant 1 : i32
          %get3A_913 = arith.index_cast %get3A_912 : i32 to index
          %get3A_914 = arith.index_cast %add3A_911 : i32 to index
          %get3A_915 = arith.constant 0 : index
          %get3A_916 = tpu.vector_load %arg6[%get3A_913, %get3A_914, %get3A_915] {strides = array<i32>} : memref<2x1280x32xf32, #tpu.memory_space<vmem>>, vector<1x1x16xf32>,
          %get3A_917 = vector.shape_cast %get3A_916 : vector<1x1x16xf32> to vector<16xf32>
          %add3A_918 = arith.constant 13 : i32
          %add3A_919 = arith.addi %mul3A_813, %add3A_918 : i32
          %get3A_920 = arith.constant 1 : i32
          %get3A_921 = arith.index_cast %get3A_920 : i32 to index
          %get3A_922 = arith.index_cast %add3A_919 : i32 to index
          %get3A_923 = arith.constant 0 : index
          %get3A_924 = tpu.vector_load %arg6[%get3A_921, %get3A_922, %get3A_923] {strides = array<i32>} : memref<2x1280x32xf32, #tpu.memory_space<vmem>>, vector<1x1x16xf32>,
          %get3A_925 = vector.shape_cast %get3A_924 : vector<1x1x16xf32> to vector<16xf32>
          %add3A_926 = arith.constant 14 : i32
          %add3A_927 = arith.addi %mul3A_813, %add3A_926 : i32
          %get3A_928 = arith.constant 1 : i32
          %get3A_929 = arith.index_cast %get3A_928 : i32 to index
          %get3A_930 = arith.index_cast %add3A_927 : i32 to index
          %get3A_931 = arith.constant 0 : index
          %get3A_932 = tpu.vector_load %arg6[%get3A_929, %get3A_930, %get3A_931] {strides = array<i32>} : memref<2x1280x32xf32, #tpu.memory_space<vmem>>, vector<1x1x16xf32>,
          %get3A_933 = vector.shape_cast %get3A_932 : vector<1x1x16xf32> to vector<16xf32>
          %add3A_934 = arith.constant 15 : i32
          %add3A_935 = arith.addi %mul3A_813, %add3A_934 : i32
          %get3A_936 = arith.constant 1 : i32
          %get3A_937 = arith.index_cast %get3A_936 : i32 to index
          %get3A_938 = arith.index_cast %add3A_935 : i32 to index
          %get3A_939 = arith.constant 0 : index
          %get3A_940 = tpu.vector_load %arg6[%get3A_937, %get3A_938, %get3A_939] {strides = array<i32>} : memref<2x1280x32xf32, #tpu.memory_space<vmem>>, vector<1x1x16xf32>,
          %get3A_941 = vector.shape_cast %get3A_940 : vector<1x1x16xf32> to vector<16xf32>
          %add3A_942 = arith.constant 16 : i32
          %add3A_943 = arith.addi %mul3A_813, %add3A_942 : i32
          %get3A_944 = arith.constant 1 : i32
          %get3A_945 = arith.index_cast %get3A_944 : i32 to index
          %get3A_946 = arith.index_cast %add3A_943 : i32 to index
          %get3A_947 = arith.constant 0 : index
          %get3A_948 = tpu.vector_load %arg6[%get3A_945, %get3A_946, %get3A_947] {strides = array<i32>} : memref<2x1280x32xf32, #tpu.memory_space<vmem>>, vector<1x1x16xf32>,
          %get3A_949 = vector.shape_cast %get3A_948 : vector<1x1x16xf32> to vector<16xf32>
          %add3A_950 = arith.constant 17 : i32
          %add3A_951 = arith.addi %mul3A_813, %add3A_950 : i32
          %get3A_952 = arith.constant 1 : i32
          %get3A_953 = arith.index_cast %get3A_952 : i32 to index
          %get3A_954 = arith.index_cast %add3A_951 : i32 to index
          %get3A_955 = arith.constant 0 : index
          %get3A_956 = tpu.vector_load %arg6[%get3A_953, %get3A_954, %get3A_955] {strides = array<i32>} : memref<2x1280x32xf32, #tpu.memory_space<vmem>>, vector<1x1x16xf32>,
          %get3A_957 = vector.shape_cast %get3A_956 : vector<1x1x16xf32> to vector<16xf32>
          %add3A_958 = arith.constant 18 : i32
          %add3A_959 = arith.addi %mul3A_813, %add3A_958 : i32
          %get3A_960 = arith.constant 1 : i32
          %get3A_961 = arith.index_cast %get3A_960 : i32 to index
          %get3A_962 = arith.index_cast %add3A_959 : i32 to index
          %get3A_963 = arith.constant 0 : index
          %get3A_964 = tpu.vector_load %arg6[%get3A_961, %get3A_962, %get3A_963] {strides = array<i32>} : memref<2x1280x32xf32, #tpu.memory_space<vmem>>, vector<1x1x16xf32>,
          %get3A_965 = vector.shape_cast %get3A_964 : vector<1x1x16xf32> to vector<16xf32>
          %add3A_966 = arith.constant 19 : i32
          %add3A_967 = arith.addi %mul3A_813, %add3A_966 : i32
          %get3A_968 = arith.constant 1 : i32
          %get3A_969 = arith.index_cast %get3A_968 : i32 to index
          %get3A_970 = arith.index_cast %add3A_967 : i32 to index
          %get3A_971 = arith.constant 0 : index
          %get3A_972 = tpu.vector_load %arg6[%get3A_969, %get3A_970, %get3A_971] {strides = array<i32>} : memref<2x1280x32xf32, #tpu.memory_space<vmem>>, vector<1x1x16xf32>,
          %get3A_973 = vector.shape_cast %get3A_972 : vector<1x1x16xf32> to vector<16xf32>
          %add3A_974 = arith.addf %get3A_821, %get3A_829 : vector<16xf32>
          %add3A_975 = arith.addf %get3A_837, %get3A_845 : vector<16xf32>
          %add3A_976 = arith.addf %get3A_853, %get3A_861 : vector<16xf32>
          %add3A_977 = arith.addf %get3A_869, %get3A_877 : vector<16xf32>
          %add3A_978 = arith.addf %get3A_885, %get3A_893 : vector<16xf32>
          %add3A_979 = arith.addf %get3A_901, %get3A_909 : vector<16xf32>
          %add3A_980 = arith.addf %get3A_917, %get3A_925 : vector<16xf32>
          %add3A_981 = arith.addf %get3A_933, %get3A_941 : vector<16xf32>
          %add3A_982 = arith.addf %get3A_949, %get3A_957 : vector<16xf32>
          %add3A_983 = arith.addf %get3A_965, %get3A_973 : vector<16xf32>
          %add3A_984 = arith.addf %add3A_974, %add3A_975 : vector<16xf32>
          %add3A_985 = arith.addf %add3A_976, %add3A_977 : vector<16xf32>
          %add3A_986 = arith.addf %add3A_978, %add3A_979 : vector<16xf32>
          %add3A_987 = arith.addf %add3A_980, %add3A_981 : vector<16xf32>
          %add3A_988 = arith.addf %add3A_982, %add3A_983 : vector<16xf32>
          %add3A_989 = arith.addf %add3A_984, %add3A_985 : vector<16xf32>
          %add3A_990 = arith.addf %add3A_986, %add3A_987 : vector<16xf32>
          %add3A_991 = arith.addf %add3A_989, %add3A_990 : vector<16xf32>
          %add3A_992 = arith.addf %add3A_991, %add3A_988 : vector<16xf32>
          %add3A_993 = arith.constant 0 : i32
          %add3A_994 = arith.addi %mul3A_813, %add3A_993 : i32
          %get3A_995 = arith.constant 1 : i32
          %get3A_996 = arith.index_cast %get3A_995 : i32 to index
          %get3A_997 = arith.index_cast %add3A_994 : i32 to index
          %get3A_998 = arith.constant 16 : index
          %get3A_999 = tpu.vector_load %arg6[%get3A_996, %get3A_997, %get3A_998] {strides = array<i32>} : memref<2x1280x32xf32, #tpu.memory_space<vmem>>, vector<1x1x16xf32>,
          %get3A_1000 = vector.shape_cast %get3A_999 : vector<1x1x16xf32> to vector<16xf32>
          %add3A_1001 = arith.constant 1 : i32
          %add3A_1002 = arith.addi %mul3A_813, %add3A_1001 : i32
          %get3A_1003 = arith.constant 1 : i32
          %get3A_1004 = arith.index_cast %get3A_1003 : i32 to index
          %get3A_1005 = arith.index_cast %add3A_1002 : i32 to index
          %get3A_1006 = arith.constant 16 : index
          %get3A_1007 = tpu.vector_load %arg6[%get3A_1004, %get3A_1005, %get3A_1006] {strides = array<i32>} : memref<2x1280x32xf32, #tpu.memory_space<vmem>>, vector<1x1x16xf32>,
          %get3A_1008 = vector.shape_cast %get3A_1007 : vector<1x1x16xf32> to vector<16xf32>
          %add3A_1009 = arith.constant 2 : i32
          %add3A_1010 = arith.addi %mul3A_813, %add3A_1009 : i32
          %get3A_1011 = arith.constant 1 : i32
          %get3A_1012 = arith.index_cast %get3A_1011 : i32 to index
          %get3A_1013 = arith.index_cast %add3A_1010 : i32 to index
          %get3A_1014 = arith.constant 16 : index
          %get3A_1015 = tpu.vector_load %arg6[%get3A_1012, %get3A_1013, %get3A_1014] {strides = array<i32>} : memref<2x1280x32xf32, #tpu.memory_space<vmem>>, vector<1x1x16xf32>,
          %get3A_1016 = vector.shape_cast %get3A_1015 : vector<1x1x16xf32> to vector<16xf32>
          %add3A_1017 = arith.constant 3 : i32
          %add3A_1018 = arith.addi %mul3A_813, %add3A_1017 : i32
          %get3A_1019 = arith.constant 1 : i32
          %get3A_1020 = arith.index_cast %get3A_1019 : i32 to index
          %get3A_1021 = arith.index_cast %add3A_1018 : i32 to index
          %get3A_1022 = arith.constant 16 : index
          %get3A_1023 = tpu.vector_load %arg6[%get3A_1020, %get3A_1021, %get3A_1022] {strides = array<i32>} : memref<2x1280x32xf32, #tpu.memory_space<vmem>>, vector<1x1x16xf32>,
          %get3A_1024 = vector.shape_cast %get3A_1023 : vector<1x1x16xf32> to vector<16xf32>
          %add3A_1025 = arith.constant 4 : i32
          %add3A_1026 = arith.addi %mul3A_813, %add3A_1025 : i32
          %get3A_1027 = arith.constant 1 : i32
          %get3A_1028 = arith.index_cast %get3A_1027 : i32 to index
          %get3A_1029 = arith.index_cast %add3A_1026 : i32 to index
          %get3A_1030 = arith.constant 16 : index
          %get3A_1031 = tpu.vector_load %arg6[%get3A_1028, %get3A_1029, %get3A_1030] {strides = array<i32>} : memref<2x1280x32xf32, #tpu.memory_space<vmem>>, vector<1x1x16xf32>,
          %get3A_1032 = vector.shape_cast %get3A_1031 : vector<1x1x16xf32> to vector<16xf32>
          %add3A_1033 = arith.constant 5 : i32
          %add3A_1034 = arith.addi %mul3A_813, %add3A_1033 : i32
          %get3A_1035 = arith.constant 1 : i32
          %get3A_1036 = arith.index_cast %get3A_1035 : i32 to index
          %get3A_1037 = arith.index_cast %add3A_1034 : i32 to index
          %get3A_1038 = arith.constant 16 : index
          %get3A_1039 = tpu.vector_load %arg6[%get3A_1036, %get3A_1037, %get3A_1038] {strides = array<i32>} : memref<2x1280x32xf32, #tpu.memory_space<vmem>>, vector<1x1x16xf32>,
          %get3A_1040 = vector.shape_cast %get3A_1039 : vector<1x1x16xf32> to vector<16xf32>
          %add3A_1041 = arith.constant 6 : i32
          %add3A_1042 = arith.addi %mul3A_813, %add3A_1041 : i32
          %get3A_1043 = arith.constant 1 : i32
          %get3A_1044 = arith.index_cast %get3A_1043 : i32 to index
          %get3A_1045 = arith.index_cast %add3A_1042 : i32 to index
          %get3A_1046 = arith.constant 16 : index
          %get3A_1047 = tpu.vector_load %arg6[%get3A_1044, %get3A_1045, %get3A_1046] {strides = array<i32>} : memref<2x1280x32xf32, #tpu.memory_space<vmem>>, vector<1x1x16xf32>,
          %get3A_1048 = vector.shape_cast %get3A_1047 : vector<1x1x16xf32> to vector<16xf32>
          %add3A_1049 = arith.constant 7 : i32
          %add3A_1050 = arith.addi %mul3A_813, %add3A_1049 : i32
          %get3A_1051 = arith.constant 1 : i32
          %get3A_1052 = arith.index_cast %get3A_1051 : i32 to index
          %get3A_1053 = arith.index_cast %add3A_1050 : i32 to index
          %get3A_1054 = arith.constant 16 : index
          %get3A_1055 = tpu.vector_load %arg6[%get3A_1052, %get3A_1053, %get3A_1054] {strides = array<i32>} : memref<2x1280x32xf32, #tpu.memory_space<vmem>>, vector<1x1x16xf32>,
          %get3A_1056 = vector.shape_cast %get3A_1055 : vector<1x1x16xf32> to vector<16xf32>
          %add3A_1057 = arith.constant 8 : i32
          %add3A_1058 = arith.addi %mul3A_813, %add3A_1057 : i32
          %get3A_1059 = arith.constant 1 : i32
          %get3A_1060 = arith.index_cast %get3A_1059 : i32 to index
          %get3A_1061 = arith.index_cast %add3A_1058 : i32 to index
          %get3A_1062 = arith.constant 16 : index
          %get3A_1063 = tpu.vector_load %arg6[%get3A_1060, %get3A_1061, %get3A_1062] {strides = array<i32>} : memref<2x1280x32xf32, #tpu.memory_space<vmem>>, vector<1x1x16xf32>,
          %get3A_1064 = vector.shape_cast %get3A_1063 : vector<1x1x16xf32> to vector<16xf32>
          %add3A_1065 = arith.constant 9 : i32
          %add3A_1066 = arith.addi %mul3A_813, %add3A_1065 : i32
          %get3A_1067 = arith.constant 1 : i32
          %get3A_1068 = arith.index_cast %get3A_1067 : i32 to index
          %get3A_1069 = arith.index_cast %add3A_1066 : i32 to index
          %get3A_1070 = arith.constant 16 : index
          %get3A_1071 = tpu.vector_load %arg6[%get3A_1068, %get3A_1069, %get3A_1070] {strides = array<i32>} : memref<2x1280x32xf32, #tpu.memory_space<vmem>>, vector<1x1x16xf32>,
          %get3A_1072 = vector.shape_cast %get3A_1071 : vector<1x1x16xf32> to vector<16xf32>
          %add3A_1073 = arith.constant 10 : i32
          %add3A_1074 = arith.addi %mul3A_813, %add3A_1073 : i32
          %get3A_1075 = arith.constant 1 : i32
          %get3A_1076 = arith.index_cast %get3A_1075 : i32 to index
          %get3A_1077 = arith.index_cast %add3A_1074 : i32 to index
          %get3A_1078 = arith.constant 16 : index
          %get3A_1079 = tpu.vector_load %arg6[%get3A_1076, %get3A_1077, %get3A_1078] {strides = array<i32>} : memref<2x1280x32xf32, #tpu.memory_space<vmem>>, vector<1x1x16xf32>,
          %get3A_1080 = vector.shape_cast %get3A_1079 : vector<1x1x16xf32> to vector<16xf32>
          %add3A_1081 = arith.constant 11 : i32
          %add3A_1082 = arith.addi %mul3A_813, %add3A_1081 : i32
          %get3A_1083 = arith.constant 1 : i32
          %get3A_1084 = arith.index_cast %get3A_1083 : i32 to index
          %get3A_1085 = arith.index_cast %add3A_1082 : i32 to index
          %get3A_1086 = arith.constant 16 : index
          %get3A_1087 = tpu.vector_load %arg6[%get3A_1084, %get3A_1085, %get3A_1086] {strides = array<i32>} : memref<2x1280x32xf32, #tpu.memory_space<vmem>>, vector<1x1x16xf32>,
          %get3A_1088 = vector.shape_cast %get3A_1087 : vector<1x1x16xf32> to vector<16xf32>
          %add3A_1089 = arith.constant 12 : i32
          %add3A_1090 = arith.addi %mul3A_813, %add3A_1089 : i32
          %get3A_1091 = arith.constant 1 : i32
          %get3A_1092 = arith.index_cast %get3A_1091 : i32 to index
          %get3A_1093 = arith.index_cast %add3A_1090 : i32 to index
          %get3A_1094 = arith.constant 16 : index
          %get3A_1095 = tpu.vector_load %arg6[%get3A_1092, %get3A_1093, %get3A_1094] {strides = array<i32>} : memref<2x1280x32xf32, #tpu.memory_space<vmem>>, vector<1x1x16xf32>,
          %get3A_1096 = vector.shape_cast %get3A_1095 : vector<1x1x16xf32> to vector<16xf32>
          %add3A_1097 = arith.constant 13 : i32
          %add3A_1098 = arith.addi %mul3A_813, %add3A_1097 : i32
          %get3A_1099 = arith.constant 1 : i32
          %get3A_1100 = arith.index_cast %get3A_1099 : i32 to index
          %get3A_1101 = arith.index_cast %add3A_1098 : i32 to index
          %get3A_1102 = arith.constant 16 : index
          %get3A_1103 = tpu.vector_load %arg6[%get3A_1100, %get3A_1101, %get3A_1102] {strides = array<i32>} : memref<2x1280x32xf32, #tpu.memory_space<vmem>>, vector<1x1x16xf32>,
          %get3A_1104 = vector.shape_cast %get3A_1103 : vector<1x1x16xf32> to vector<16xf32>
          %add3A_1105 = arith.constant 14 : i32
          %add3A_1106 = arith.addi %mul3A_813, %add3A_1105 : i32
          %get3A_1107 = arith.constant 1 : i32
          %get3A_1108 = arith.index_cast %get3A_1107 : i32 to index
          %get3A_1109 = arith.index_cast %add3A_1106 : i32 to index
          %get3A_1110 = arith.constant 16 : index
          %get3A_1111 = tpu.vector_load %arg6[%get3A_1108, %get3A_1109, %get3A_1110] {strides = array<i32>} : memref<2x1280x32xf32, #tpu.memory_space<vmem>>, vector<1x1x16xf32>,
          %get3A_1112 = vector.shape_cast %get3A_1111 : vector<1x1x16xf32> to vector<16xf32>
          %add3A_1113 = arith.constant 15 : i32
          %add3A_1114 = arith.addi %mul3A_813, %add3A_1113 : i32
          %get3A_1115 = arith.constant 1 : i32
          %get3A_1116 = arith.index_cast %get3A_1115 : i32 to index
          %get3A_1117 = arith.index_cast %add3A_1114 : i32 to index
          %get3A_1118 = arith.constant 16 : index
          %get3A_1119 = tpu.vector_load %arg6[%get3A_1116, %get3A_1117, %get3A_1118] {strides = array<i32>} : memref<2x1280x32xf32, #tpu.memory_space<vmem>>, vector<1x1x16xf32>,
          %get3A_1120 = vector.shape_cast %get3A_1119 : vector<1x1x16xf32> to vector<16xf32>
          %add3A_1121 = arith.constant 16 : i32
          %add3A_1122 = arith.addi %mul3A_813, %add3A_1121 : i32
          %get3A_1123 = arith.constant 1 : i32
          %get3A_1124 = arith.index_cast %get3A_1123 : i32 to index
          %get3A_1125 = arith.index_cast %add3A_1122 : i32 to index
          %get3A_1126 = arith.constant 16 : index
          %get3A_1127 = tpu.vector_load %arg6[%get3A_1124, %get3A_1125, %get3A_1126] {strides = array<i32>} : memref<2x1280x32xf32, #tpu.memory_space<vmem>>, vector<1x1x16xf32>,
          %get3A_1128 = vector.shape_cast %get3A_1127 : vector<1x1x16xf32> to vector<16xf32>
          %add3A_1129 = arith.constant 17 : i32
          %add3A_1130 = arith.addi %mul3A_813, %add3A_1129 : i32
          %get3A_1131 = arith.constant 1 : i32
          %get3A_1132 = arith.index_cast %get3A_1131 : i32 to index
          %get3A_1133 = arith.index_cast %add3A_1130 : i32 to index
          %get3A_1134 = arith.constant 16 : index
          %get3A_1135 = tpu.vector_load %arg6[%get3A_1132, %get3A_1133, %get3A_1134] {strides = array<i32>} : memref<2x1280x32xf32, #tpu.memory_space<vmem>>, vector<1x1x16xf32>,
          %get3A_1136 = vector.shape_cast %get3A_1135 : vector<1x1x16xf32> to vector<16xf32>
          %add3A_1137 = arith.constant 18 : i32
          %add3A_1138 = arith.addi %mul3A_813, %add3A_1137 : i32
          %get3A_1139 = arith.constant 1 : i32
          %get3A_1140 = arith.index_cast %get3A_1139 : i32 to index
          %get3A_1141 = arith.index_cast %add3A_1138 : i32 to index
          %get3A_1142 = arith.constant 16 : index
          %get3A_1143 = tpu.vector_load %arg6[%get3A_1140, %get3A_1141, %get3A_1142] {strides = array<i32>} : memref<2x1280x32xf32, #tpu.memory_space<vmem>>, vector<1x1x16xf32>,
          %get3A_1144 = vector.shape_cast %get3A_1143 : vector<1x1x16xf32> to vector<16xf32>
          %add3A_1145 = arith.constant 19 : i32
          %add3A_1146 = arith.addi %mul3A_813, %add3A_1145 : i32
          %get3A_1147 = arith.constant 1 : i32
          %get3A_1148 = arith.index_cast %get3A_1147 : i32 to index
          %get3A_1149 = arith.index_cast %add3A_1146 : i32 to index
          %get3A_1150 = arith.constant 16 : index
          %get3A_1151 = tpu.vector_load %arg6[%get3A_1148, %get3A_1149, %get3A_1150] {strides = array<i32>} : memref<2x1280x32xf32, #tpu.memory_space<vmem>>, vector<1x1x16xf32>,
          %get3A_1152 = vector.shape_cast %get3A_1151 : vector<1x1x16xf32> to vector<16xf32>
          %add3A_1153 = arith.addf %get3A_1000, %get3A_1008 : vector<16xf32>
          %add3A_1154 = arith.addf %get3A_1016, %get3A_1024 : vector<16xf32>
          %add3A_1155 = arith.addf %get3A_1032, %get3A_1040 : vector<16xf32>
          %add3A_1156 = arith.addf %get3A_1048, %get3A_1056 : vector<16xf32>
          %add3A_1157 = arith.addf %get3A_1064, %get3A_1072 : vector<16xf32>
          %add3A_1158 = arith.addf %get3A_1080, %get3A_1088 : vector<16xf32>
          %add3A_1159 = arith.addf %get3A_1096, %get3A_1104 : vector<16xf32>
          %add3A_1160 = arith.addf %get3A_1112, %get3A_1120 : vector<16xf32>
          %add3A_1161 = arith.addf %get3A_1128, %get3A_1136 : vector<16xf32>
          %add3A_1162 = arith.addf %get3A_1144, %get3A_1152 : vector<16xf32>
          %add3A_1163 = arith.addf %add3A_1153, %add3A_1154 : vector<16xf32>
          %add3A_1164 = arith.addf %add3A_1155, %add3A_1156 : vector<16xf32>
          %add3A_1165 = arith.addf %add3A_1157, %add3A_1158 : vector<16xf32>
          %add3A_1166 = arith.addf %add3A_1159, %add3A_1160 : vector<16xf32>
          %add3A_1167 = arith.addf %add3A_1161, %add3A_1162 : vector<16xf32>
          %add3A_1168 = arith.addf %add3A_1163, %add3A_1164 : vector<16xf32>
          %add3A_1169 = arith.addf %add3A_1165, %add3A_1166 : vector<16xf32>
          %add3A_1170 = arith.addf %add3A_1168, %add3A_1169 : vector<16xf32>
          %add3A_1171 = arith.addf %add3A_1170, %add3A_1167 : vector<16xf32>
          %add3A_1172 = arith.constant 64 : i32
          %add3A_1173 = arith.addi %add3A_1172, %add3A_811 : i32
          %swap3A_1174 = arith.index_cast %add3A_1173 : i32 to index
          %swap3A_1175 = arith.constant 0 : index
          %swap3A_1176 = tpu.vector_load %arg7[%swap3A_1174, %swap3A_1175] {strides = array<i32>} : memref<128x32xf32, #tpu.memory_space<vmem>>, vector<1x16xf32>,
          %swap3A_1177 = vector.shape_cast %swap3A_1176 : vector<1x16xf32> to vector<16xf32>
          %swap3A_1178 = vector.shape_cast %add3A_992 : vector<16xf32> to vector<1x16xf32>
          tpu.vector_store %arg7[%swap3A_1174, %swap3A_1175], %swap3A_1178 {strides = array<i32>} : memref<128x32xf32, #tpu.memory_space<vmem>>, vector<1x16xf32>,
          %add3A_1179 = arith.constant 64 : i32
          %add3A_1180 = arith.addi %add3A_1179, %add3A_811 : i32
          %swap3A_1181 = arith.index_cast %add3A_1180 : i32 to index
          %swap3A_1182 = arith.constant 16 : index
          %swap3A_1183 = tpu.vector_load %arg7[%swap3A_1181, %swap3A_1182] {strides = array<i32>} : memref<128x32xf32, #tpu.memory_space<vmem>>, vector<1x16xf32>,
          %swap3A_1184 = vector.shape_cast %swap3A_1183 : vector<1x16xf32> to vector<16xf32>
          %swap3A_1185 = vector.shape_cast %add3A_1171 : vector<16xf32> to vector<1x16xf32>
          tpu.vector_store %arg7[%swap3A_1181, %swap3A_1182], %swap3A_1185 {strides = array<i32>} : memref<128x32xf32, #tpu.memory_space<vmem>>, vector<1x16xf32>,
          %scan3A_1186 = arith.constant 0 : i32
          scf.yield %scan3A_1186 : i32
        }
        %scan3A_429 = arith.constant 32 : i32
        "tpu.region"() ({
          %run_scoped3A_430 = tpu.sem_alloc : memref<!tpu.dma_semaphore, #tpu.memory_space<semaphore_mem>>
          %dma_start3A_431 = arith.constant 0 : i32
          %dma_start3A_432 = tpu.memref_slice %arg4[%select_n3A_211, %mul3A_2, %dma_start3A_431] : memref<26x4096x32xf32, #tpu.memory_space<hbm>> -> memref<1x128x32xf32, #tpu.memory_space<hbm>>
          %dma_start3A_433 = tpu.memref_squeeze %dma_start3A_432 : memref<1x128x32xf32, #tpu.memory_space<hbm>> -> memref<128x32xf32, #tpu.memory_space<hbm>>
          %dma_start3A_434 = arith.constant 0 : i32
          %dma_start3A_435 = tpu.memref_slice %arg4[%select_n3A_211, %mul3A_2, %dma_start3A_434] : memref<26x4096x32xf32, #tpu.memory_space<hbm>> -> memref<1x128x32xf32, #tpu.memory_space<hbm>>
          %dma_start3A_436 = tpu.memref_squeeze %dma_start3A_435 : memref<1x128x32xf32, #tpu.memory_space<hbm>> -> memref<128x32xf32, #tpu.memory_space<hbm>>
          tpu.enqueue_dma source(%arg7 : memref<128x32xf32, #tpu.memory_space<vmem>>) target(%dma_start3A_436 : memref<128x32xf32, #tpu.memory_space<hbm>>) target_semaphore(%run_scoped3A_430 : memref<!tpu.dma_semaphore, #tpu.memory_space<semaphore_mem>>)
          %dma_wait3A_437 = arith.constant 0 : i32
          %dma_wait3A_438 = tpu.memref_slice %arg4[%select_n3A_211, %mul3A_2, %dma_wait3A_437] : memref<26x4096x32xf32, #tpu.memory_space<hbm>> -> memref<1x128x32xf32, #tpu.memory_space<hbm>>
          %dma_wait3A_439 = tpu.memref_squeeze %dma_wait3A_438 : memref<1x128x32xf32, #tpu.memory_space<hbm>> -> memref<128x32xf32, #tpu.memory_space<hbm>>
          %dma_wait3A_440 = arith.constant 0 : i32
          %dma_wait3A_441 = tpu.memref_slice %arg4[%select_n3A_211, %mul3A_2, %dma_wait3A_440] : memref<26x4096x32xf32, #tpu.memory_space<hbm>> -> memref<1x128x32xf32, #tpu.memory_space<hbm>>
          %dma_wait3A_442 = tpu.memref_squeeze %dma_wait3A_441 : memref<1x128x32xf32, #tpu.memory_space<hbm>> -> memref<128x32xf32, #tpu.memory_space<hbm>>
          tpu.wait_dma2 semaphore(%run_scoped3A_430 : memref<!tpu.dma_semaphore, #tpu.memory_space<semaphore_mem>>) src(%arg7 : memref<128x32xf32, #tpu.memory_space<vmem>>) dst(%dma_wait3A_442 : memref<128x32xf32, #tpu.memory_space<hbm>>)
          tpu.yield
        }) : () -> ()
      } else {
      }
      %scan3A_236 = arith.constant 0 : i32
      scf.yield %scan3A_236 : i32
    }
    %scan3A_188 = arith.constant 52 : i32
    return
  }
}

</mosaic_0001>

<sc_bundles>
// kernel: _sc_pool.3.cloned.1.call-start
scs
__scs_entry_jumppad:
0x0: {  	(pc) =	sbr.rel $0x88, $3  }
0x1: {  	(tag) =	ssettag $0x0;
	lr =	simm.s32 $0x1  }
0x2: {  	[smem:$0x3F9F] =	sst lr;
	_ =	strace $0xD0000000  }
0x3: {  	_ = 	snop  }
0x4: {  	_ = 	snop  }
0x5: {  	_ = 	snop  }
0x6: {  	_ = 	snop  }
0x7: {  	_ = 	snop  }
__scs_overlays_trampoline_lowered:
0x8: {  	[smem:$0x3FAE] =	sst s0  }
0x9: {  	[smem:$0x3FAF] =	sst s1  }
0xa: {  	[smem:$0x3FB0] =	sst s2  }
0xb: {  	[smem:$0x3FB1] =	sst s3  }
0xc: {  	[smem:$0x3FB2] =	sst s4  }
0xd: {  	[smem:$0x3FB3] =	sst s5  }
0xe: {  	[smem:$0x3FB4] =	sst s6  }
0xf: {  	[smem:$0x3FB5] =	sst s7  }
0x10: {  	[smem:$0x3FB6] =	sst s8  }
0x11: {  	[smem:$0x3FB7] =	sst s9;
	s0 =	simm.s32 @!p0 $0x0  }
0x12: {  	s1 =	sld [smem:$0x3F9D];
	s0 =	simm.s32 @p0 $0x1  }
0x13: {  	[smem:$0x3FB8] =	sst s0;
	s0 =	simm.s32 @!p1 $0x0  }
0x14: {  	s2 =	sld [smem:$0x3F9C];
	s0 =	simm.s32 @p1 $0x1  }
0x15: {  	[smem:$0x3FB9] =	sst s0;
	s0 =	simm.s32 @!p2 $0x0  }
0x16: {  	s3 =	sld [smem:$0x3FDB];
	s0 =	simm.s32 @p2 $0x1  }
0x17: {  	s4 =	simm.s32 $0x1BF5;
	[smem:$0x3FBB] =	sst s0  }
0x18: {  	s0 =	sld [smem:$0x3F9E];
	_ =	swait.ge [sflag:s4], $0x0  }
0x19: {  	s7 =	sld [smem:$0x3F9F]  }
0x1a: {  	s8 =	sadd.s32 $0xFFFFE003, lr  }
0x1b: {  	s9 =	sadd.s32 $0xFFFFFEF7, lr;
	s5 =	simm.s32 $0xFFFFFFFF;
	p2 =	slt.u32 s8, $0xFFFFF086  }
0x1c: {  	p1 =	slt.u32 s9, $0xF7A;
	s5 =	simm.s32 @!p2 $0x0  }
0x1d: {  	s5 =	simm.s32 @p1 $0x1;
	p0 =	seq.s32 s7, s2  }
0x1e: {  	s7 =	smul.u32 @!p0 $0xF7A, s2;
	p2 =	seq.s32 @!p0 s5, $0x0  }
0x1f: {  	s9 =	smul.u32 $0xF7A, s1;
	s8 =	simm.s32 @!p0 $0x1BF5;
	p2 =	por !p2, p0  }
0x20: {  	[sflag:s8] =	ssyncset.s32 @!p0 $0xFFFFF086;
	s6 =	sadd.s32 @!p0 s3, s7;
	s7 =	simm.s32 @!p0 $0x108  }
0x21: {  	s3 =	sadd.s32 s3, s9;
	s6 =	sadd.s32 @!p0 $0x88, s6;
	s7 =	simm.s32 @p2 $0x1082  }
0x22: {  	[simem:s7], [sflag:s8] =	dma.local @!p0 [hbm:s6], $0xF7A  }
0x23: {  	s9 =	sor.u32 $0xD0000000, s2;
	s6 =	simm.s32 $0x108;
	_ =	swait.ge @!p0 [sflag:s8], $0x0  }
0x24: {  	s3 =	sadd.s32 $0x88, s3;
	s6 =	simm.s32 @!p1 $0x1082;
	[sflag:s4] =	ssyncset.s32 $0xFFFFF086  }
0x25: {  	[simem:s6], [sflag:s4] =	dma.local [hbm:s3], $0xF7A  }
0x26: {  	[smem:$0x3F9F] =	sst s1;
	(tag) =	ssettag s2;
	_ =	strace s9  }
0x27: {  	s1 =	sld [smem:$0x3FAF]  }
0x28: {  	s2 =	sld [smem:$0x3FB0]  }
0x29: {  	s4 =	sld [smem:$0x3FB2]  }
0x2a: {  	p0 =	seq.s32 s5, $0x0;
	s5 =	sld [smem:$0x3FB3]  }
0x2b: {  	s6 =	sld [smem:$0x3FB4]  }
0x2c: {  	s7 =	sld [smem:$0x3FB5]  }
0x2d: {  	s3 =	simm.s32 $0x108;
	s8 =	sld [smem:$0x3FB6]  }
0x2e: {  	s3 =	simm.s32 @!p0 $0x1082;
	s9 =	sld [smem:$0x3FB7]  }
0x2f: {  	lr =	sadd.s32 s0, s3;
	s0 =	sld [smem:$0x3FAE]  }
0x30: {  	s3 =	sld [smem:$0x3FB1]  }
0x31: {  	[smem:$0x3FBA] =	sst s10  }
0x32: {  	s10 =	sld [smem:$0x3FB8];
	_ =	sdelay $0x3  }
0x33: {  	p0 =	seq.s32 s10, $0x1;
	s10 =	sld [smem:$0x3FBA];
	_ =	sdelay $0x3  }
0x34: {  	[smem:$0x3FBA] =	sst s10  }
0x35: {  	s10 =	sld [smem:$0x3FB9];
	_ =	sdelay $0x3  }
0x36: {  	p1 =	seq.s32 s10, $0x1;
	s10 =	sld [smem:$0x3FBA];
	_ =	sdelay $0x3  }
0x37: {  	[smem:$0x3FBA] =	sst s10  }
0x38: {  	s10 =	sld [smem:$0x3FBB]  }
0x39: {  	_ = 	snop;
	(pc) =	sbr.ind lr, $3  }
0x3a: {  	_ = 	snop  }
0x3b: {  	_ = 	snop  }
0x3c: {  	p2 =	seq.s32 s10, $0x1;
	s10 =	sld [smem:$0x3FBA]  }
0x3d: {  	_ =	shalt  }
0x3e: {  	_ =	shalt  }
0x3f: {  	_ =	shalt  }
0x40: {  	_ =	shalt  }
0x41: {  	_ =	shalt  }
0x42: {  	_ =	shalt  }
0x43: {  	_ =	shalt  }
0x44: {  	_ =	shalt  }
0x45: {  	_ =	shalt  }
0x46: {  	_ =	shalt  }
0x47: {  	_ =	shalt  }
0x48: {  	_ =	shalt  }
0x49: {  	_ =	shalt  }
0x4a: {  	_ =	shalt  }
0x4b: {  	_ =	shalt  }
0x4c: {  	_ =	shalt  }
0x4d: {  	_ =	shalt  }
0x4e: {  	_ =	shalt  }
0x4f: {  	_ =	shalt  }
0x50: {  	_ =	shalt  }
0x51: {  	_ =	shalt  }
0x52: {  	_ =	shalt  }
0x53: {  	_ =	shalt  }
0x54: {  	_ =	shalt  }
0x55: {  	_ =	shalt  }
0x56: {  	_ =	shalt  }
0x57: {  	_ =	shalt  }
0x58: {  	_ =	shalt  }
0x59: {  	_ =	shalt  }
0x5a: {  	_ =	shalt  }
0x5b: {  	_ =	shalt  }
0x5c: {  	_ =	shalt  }
0x5d: {  	_ =	shalt  }
0x5e: {  	_ =	shalt  }
0x5f: {  	_ =	shalt  }
0x60: {  	_ =	shalt  }
0x61: {  	_ =	shalt  }
0x62: {  	_ =	shalt  }
0x63: {  	_ =	shalt  }
0x64: {  	_ =	shalt  }
0x65: {  	_ =	shalt  }
0x66: {  	_ =	shalt  }
0x67: {  	_ =	shalt  }
0x68: {  	_ =	shalt  }
0x69: {  	_ =	shalt  }
0x6a: {  	_ =	shalt  }
0x6b: {  	_ =	shalt  }
0x6c: {  	_ =	shalt  }
0x6d: {  	_ =	shalt  }
0x6e: {  	_ =	shalt  }
0x6f: {  	_ =	shalt  }
0x70: {  	_ =	shalt  }
0x71: {  	_ =	shalt  }
0x72: {  	_ =	shalt  }
0x73: {  	_ =	shalt  }
0x74: {  	_ =	shalt  }
0x75: {  	_ =	shalt  }
0x76: {  	_ =	shalt  }
0x77: {  	_ =	shalt  }
0x78: {  	_ =	shalt  }
0x79: {  	_ =	shalt  }
0x7a: {  	_ =	shalt  }
0x7b: {  	_ =	shalt  }
0x7c: {  	_ =	shalt  }
0x7d: {  	_ =	shalt  }
0x7e: {  	_ =	shalt  }
0x7f: {  	_ =	shalt  }
0x80: {  	_ =	shalt  }
0x81: {  	_ =	shalt  }
0x82: {  	_ =	shalt  }
0x83: {  	_ =	shalt  }
0x84: {  	_ =	shalt  }
0x85: {  	_ =	shalt  }
0x86: {  	_ =	shalt  }
0x87: {  	_ =	shalt  }
.Lfunc_end0:
.L_simem_size_0:
called_computation_lowered:
.L_overlay_start_0:
0x88: {  	s2 =	sld [smem:$0x3FD9]  }
0x89: {  	s3 =	sld [smem:$0x3FFE];
	_ =	sdelay $0x1  }
0x8a: {  	s1 =	srdreg.scid  }
0x8b: {  	s0 =	sand.u32 $0x1, s1  }
0x8c: {  	s17 =	sshll.u32 s0, $0xA;
	s2 =	sadd.s32 s3, s2  }
0x8d: {  	s2 =	sadd.s32 s2, s17  }
0x8e: {  	[smem:$0x3FC6] =	sst s2  }
0x8f: {  	_ = 	snop  }
0x90: {  	s2 =	sld [smem:$0x3FD0];
	(tm) =	ssettm $0x1  }
0x91: {  	s18 =	sld [smem:$0x3FFB];
	_ =	sdelay $0x3  }
0x92: {  	_ =	strace s18  }
0x93: {  	s3 =	sld [smem:$0x3FFC];
	_ =	sdelay $0x3  }
0x94: {  	_ =	strace s3  }
0x95: {  	s3 =	sld [smem:$0x3FFD];
	_ =	sdelay $0x3  }
0x96: {  	_ =	strace s3  }
0x97: {  	_ =	strace $0x8FFFFFFF  }
0x98: {  	s19 =	sld [smem:$0x3FDB];
	_ =	sdelay $0x1  }
0x99: {  	s4 =	simm.s32 $_scs_section_size  }
0x9a: {  	s5 =	simm.s32 $_size__tile_overlayer_lowered;
	s6 =	simm.s32 $_tile_overlayer_lowered  }
0x9b: {  	s22 =	simm.s32 $0x1BFF;
	s21 =	sshll.u32 s6, $0x1;
	s3 =	sadd.s32 s4, s19  }
0x9c: {  	s7 =	simm.s32 $0x0;
	s20 =	sshll.u32 s5, $0x1;
	s5 =	sadd.s32 s21, s3  }
0x9d: {  	[timem:s7], [sflag:s22] =	dma.local [hbm:s5], s20  }
0x9e: {  	_ =	swait.ge [sflag:s22], s20  }
0x9f: {  	s4 =	ssub.s32 $0x0, s20;
	[sflag:s22] =	ssyncset.done $0x0  }
0xa0: {  	[sflag:s22] =	ssyncadd.s32 s4;
	_ =	sdelay $0x1  }
0xa1: {  	s23 =	simm.s32 $0x1B8B  }
0xa2: {  	_ =	swait.ge [sflag:s23], $0x1  }
0xa3: {  	[sflag:s23] =	ssyncset.done $0x0  }
0xa4: {  	s25 =	simm.s32 $0x1B8E;
	s24 =	sld [smem:$0x3FFE];
	[sflag:s23] =	ssyncadd.s32 $0xFFFFFFFF  }
0xa5: {  	s26 =	simm.s32 $execute0_lowered;
	[smem:$0x3FD2] =	sst s25  }
0xa6: {  	s5 =	sshll.u32 s26, $0x1;
	_ =	strace $0x80000046;
	[dreg:$0x1] =	wrdreg $0xFFFFFFFF  }
0xa7: {  	s28 =	simm.s32 $_size_execute0_lowered;
	s3 =	sadd.s32 s3, s5;
	[dreg:$0x0] =	wrdreg $0x0  }
0xa8: {  	s5 =	sshll.u32 s28, $0x1;
	[dreg:$0x2] =	wrdreg s3  }
0xa9: {  	[dreg:$0x3] =	wrdreg s5  }
0xaa: {  	[dreg:$0x4] =	wrdreg $0xC0  }
0xab: {  	_ =	task [dreg:s7], $0x5FFFF  }
0xac: {  	[dreg:$0x1] =	wrdreg $0xFFFFFFFF  }
0xad: {  	[dreg:$0x0] =	wrdreg $0x60  }
0xae: {  	[dreg:$0x2] =	wrdreg s24  }
0xaf: {  	[dreg:$0x3] =	wrdreg s2  }
0xb0: {  	[dreg:$0x4] =	wrdreg $0x9  }
0xb1: {  	_ =	task.clear_ibuf [dreg:s7], $0x5FFFF;
	_ =	strace $0x90000046  }
0xb2: {  	s29 =	simm.s32 $0x9;
	_ =	strace $0x80000048  }
0xb3: {  	_ =	swait.ge [sflag:s29], $0x1  }
0xb4: {  	[sflag:s29] =	ssyncadd.s32 $0xFFFFFFFF  }
0xb5: {  	_ =	strace $0x90000048  }
0xb6: {  	_ =	sfence  }
0xb7: {  	s30 =	sld [smem:$0x0];
	_ =	sdelay $0x2  }
0xb8: {  	s31 =	sshll.u32 s1, $0xD;
	s1 =	sshrl.u32 s1, $0x2  }
0xb9: {  	s3 =	sand.u32 $0x4000, s31;
	s1 =	sadd.s32 s1, s30  }
0xba: {  	s0 =	sor.u32 s3, s0;
	s1 =	sshll.u32 s1, $0x11  }
0xbb: {  	s0 =	sor.u32 s1, s0  }
0xbc: {  	s0 =	sadd.s32 $0x8F2B, s0  }
0xbd: {  	[sflag:s0] =	ssyncadd.remote.s32 $0x1  }
0xbe: {  	_ =	sfence.sel $0xFFFF  }
0xbf: {  	[dreg:$0x0] =	wrdreg $0xFFFFFFFF;
	(pc) =	sbr.abs _section_cstart, $3  }
0xc0: {  	[dreg:$0x1] =	wrdreg $0xFFFFFFFF  }
0xc1: {  	_ =	task.clear_ibuf [dreg:s7], $0x2FFFF;
	_ =	strace $0x9FFFFFFF  }
0xc2: {  	(tm) =	ssettm $0x7FFFFFFF  }
0xc3: {  	_ =	shalt  }
tec
execute0_lowered:
.L_overlay_start_1:
0x0: {  	(tag) =	ssettag $0x1  }
0x1: {  	s0 =	rddreg [dreg:$0x0]  }
0x2: {  	s1 =	srdreg.scid;
	s2 =	stileid.u32  }
0x3: {  	s7 =	rddreg [dreg:$0x1];
	s9 =	simm.s32 $0x4;
	s10 =	simm.s32 $0x80  }
0x4: {  	s29 =	simm.s32 $0xA400;
	s30 =	simm.s32 $0xB400;
	s31 =	simm.s32 $0xC400  }
0x5: {  	s11 =	simm.s32 $0xF400;
	s12 =	simm.s32 $0x10400;
	s13 =	simm.s32 $0x11400  }
0x6: {  	s14 =	simm.s32 $0x12400;
	s15 =	simm.s32 $0x13400;
	s16 =	simm.s32 $0x14400  }
0x7: {  	s17 =	simm.s32 $0x1;
	s18 =	simm.s32 $0x2;
	s19 =	simm.s32 $0x15400  }
0x8: {  	s20 =	simm.s32 $0x0;
	s1 =	sand.u32 $0x1, s1;
	s3 =	sshll.u32 s2, $0x1  }
0x9: {  	s2 =	simm.s32 $0x0;
	s4 =	sadd.s32 $0x27ACA00, s0;
	s5 =	sadd.s32 $0x600, s0  }
.Ltmp0:
0xa: {  	s8 =	sor.u32 s1, s3;
	s1 =	ssub.s32 $0x2, s1;
	(pc) =	sbr.rel .LBB2_1-.Ltmp0, $4  }
0xb: {  	[smem:$0x7FF] =	sst s2;
	s3 =	smul.u32 $0xA00, s8;
	s26 =	sshrl.u32 s1, $0x1  }
0xc: {  	_ =	strace $0x80000047;
	s28 =	sshll.u32 s8, $0x9;
	s0 =	ssub.s32 s1, s26  }
0xd: {  	s7 =	sadd.s32 s7, s28;
	s1 =	simm.s32 $0xD400;
	s6 =	sshrl.u32 s3, $0x3  }
0xe: {  	s8 =	smax.u32 s0, $0x1;
	s0 =	simm.s32 $0xE400;
	s6 =	sadd.s32 s5, s6  }
.LBB2_10:
0xf: {  	s20 =	sadd.s32 $0x1, s20  }
0x10: {  	p0 =	sne.s32 s20, s8  }
.Ltmp1:
0x11: {  	_ = 	snop;
	(pc) =	sbr.rel @!p0 .LBB2_11-.Ltmp1, $1  }
0x12: {  	_ =	sdelay $0x3  }
.LBB2_1:
0x13: {  	[tilespmem:s2], [sflag:$0x4] =	stream.linear.gather [hbm4b:s6+s2], $0xA00, $0x38;
	[tilespmem:$0x16400] =	vst v63  }
0x14: {  	_ =	swait.ge [sflag:s9], $0xA00  }
0x15: {  	[sflag:s9] =	ssyncset.done $0x0  }
0x16: {  	s21 =	simm.s32 $0x1400;
	[sflag:s9] =	ssyncadd.s32 $0xFFFFF600  }
0x17: {  	[tilespmem:s21], [sflag:$0x1] =	stream.indirect.gather [hbm4b:s4+s10], $0x20, s2, s10, $0xb8;
	[tilespmem:$0x16400] =	vst v63  }
0x18: {  	s24 =	simm.s32 $0x2400  }
0x19: {  	[tilespmem:s24], [sflag:$0x1] =	stream.indirect.gather [hbm4b:s4+s10], $0x20, s10, s10, $0xb8;
	[tilespmem:$0x16400] =	vst v63  }
0x1a: {  	s25 =	simm.s32 $0x100;
	s22 =	simm.s32 $0x3400  }
0x1b: {  	[tilespmem:s22], [sflag:$0x1] =	stream.indirect.gather [hbm4b:s4+s10], $0x20, s25, s10, $0xb8;
	[tilespmem:$0x16400] =	vst v63  }
0x1c: {  	s26 =	simm.s32 $0x180;
	s28 =	simm.s32 $0x4400  }
0x1d: {  	[tilespmem:s28], [sflag:$0x1] =	stream.indirect.gather [hbm4b:s4+s10], $0x20, s26, s10, $0xb8;
	[tilespmem:$0x16400] =	vst v63  }
0x1e: {  	s23 =	simm.s32 $0x5400;
	s22 =	simm.s32 $0x200  }
0x1f: {  	[tilespmem:s23], [sflag:$0x1] =	stream.indirect.gather [hbm4b:s4+s10], $0x20, s22, s10, $0xb8;
	[tilespmem:$0x16400] =	vst v63  }
0x20: {  	s24 =	simm.s32 $0x280;
	s25 =	simm.s32 $0x6400  }
0x21: {  	[tilespmem:s25], [sflag:$0x1] =	stream.indirect.gather [hbm4b:s4+s10], $0x20, s24, s10, $0xb8;
	[tilespmem:$0x16400] =	vst v63  }
0x22: {  	s26 =	simm.s32 $0x300;
	s28 =	simm.s32 $0x7400  }
0x23: {  	[tilespmem:s28], [sflag:$0x1] =	stream.indirect.gather [hbm4b:s4+s10], $0x20, s26, s10, $0xb8;
	[tilespmem:$0x16400] =	vst v63  }
0x24: {  	s23 =	simm.s32 $0x380;
	s24 =	simm.s32 $0x8400  }
0x25: {  	[tilespmem:s24], [sflag:$0x1] =	stream.indirect.gather [hbm4b:s4+s10], $0x20, s23, s10, $0xb8;
	[tilespmem:$0x16400] =	vst v63  }
.Ltmp2:
0x26: {  	_ = 	snop;
	(pc) =	sbr.rel .LBB2_2-.Ltmp2, $4  }
0x27: {  	s25 =	simm.s32 $0x400;
	s26 =	simm.s32 $0x9400  }
0x28: {  	[tilespmem:s26], [sflag:$0x1] =	stream.indirect.gather [hbm4b:s4+s10], $0x20, s25, s10, $0xb8;
	[tilespmem:$0x16400] =	vst v63  }
0x29: {  	s21 =	simm.s32 $0x0;
	s28 =	simm.s32 $0x480  }
0x2a: {  	[tilespmem:s29], [sflag:$0x1] =	stream.indirect.gather [hbm4b:s4+s10], $0x20, s28, s10, $0xb8;
	[tilespmem:$0x16400] =	vst v63  }
.LBB2_9:
0x2b: {  	s21 =	sadd.s32 $0x1, s21  }
0x2c: {  	p0 =	sne.s32 s21, $0x34  }
.Ltmp3:
0x2d: {  	_ = 	snop;
	(pc) =	sbr.rel @!p0 .LBB2_10-.Ltmp3, $1  }
0x2e: {  	_ =	sdelay $0x3  }
.LBB2_2:
0x2f: {  	s23 =	sand.u32 $0x1, s21  }
0x30: {  	p1 =	seq.s32 s23, $0x1  }
.Ltmp4:
0x31: {  	_ = 	snop;
	(pc) =	sbr.rel @p1 .LBB2_6-.Ltmp4, $3  }
0x32: {  	_ =	sdelay $0x1  }
0x33: {  	s22 =	sshrl.u32 s21, $0x1;
	p0 =	sgt.u32 s21, $0x31  }
0x34: {  	s23 =	sadd.s32 @!p0 $0x1, s22  }
0x35: {  	s24 =	smul.u32 @!p0 $0x14000, s23  }
0x36: {  	s23 =	sand.u32 @!p0 $0x1, s23  }
0x37: {  	s25 =	simm.s32 @!p0 $0x0;
	p1 =	seq.s32 @!p0 s23, $0x1;
	s24 =	sadd.s32 @!p0 s3, s24  }
0x38: {  	s23 =	simm.s32 @!p0 $0xA00;
	p1 =	por !p1, p0;
	s24 =	sshrl.u32 @!p0 s24, $0x3  }
0x39: {  	s28 =	sand.u32 $0x1, s22;
	s23 =	simm.s32 @p1 $0x0;
	s24 =	sadd.s32 @!p0 s5, s24  }
0x3a: {  	[tilespmem:s23], [sflag:$0x3] =	stream.linear.gather @!p0 [hbm4b:s24+s25], $0xA00, $0x38;
	[tilespmem:$0x16400] =	vst v63  }
0x3b: {  	p0 =	seq.s32 s28, $0x1;
	s23 =	simm.s32 $0xA00;
	s24 =	smul.u32 $0x61A80, s22  }
0x3c: {  	s23 =	simm.s32 @!p0 $0x0  }
0x3d: {  	s25 =	sor.u32 $0x500, s23;
	s22 =	sadd.s32 s4, s24  }
0x3e: {  	[tilespmem:s30], [sflag:$0x2] =	stream.indirect.gather [hbm4b:s22+s10], $0x20, s25, s10, $0xb8;
	[tilespmem:$0x16400] =	vst v63  }
0x3f: {  	s26 =	sor.u32 $0x580, s23  }
0x40: {  	[tilespmem:s31], [sflag:$0x2] =	stream.indirect.gather [hbm4b:s22+s10], $0x20, s26, s10, $0xb8;
	[tilespmem:$0x16400] =	vst v63  }
0x41: {  	s28 =	sadd.s32 $0x600, s23  }
0x42: {  	[tilespmem:s1], [sflag:$0x2] =	stream.indirect.gather [hbm4b:s22+s10], $0x20, s28, s10, $0xb8;
	[tilespmem:$0x16400] =	vst v63  }
0x43: {  	s25 =	sadd.s32 $0x680, s23  }
0x44: {  	[tilespmem:s0], [sflag:$0x2] =	stream.indirect.gather [hbm4b:s22+s10], $0x20, s25, s10, $0xb8;
	[tilespmem:$0x16400] =	vst v63  }
0x45: {  	s26 =	sadd.s32 $0x700, s23  }
0x46: {  	[tilespmem:s11], [sflag:$0x2] =	stream.indirect.gather [hbm4b:s22+s10], $0x20, s26, s10, $0xb8;
	[tilespmem:$0x16400] =	vst v63  }
0x47: {  	s28 =	sadd.s32 $0x780, s23  }
0x48: {  	[tilespmem:s12], [sflag:$0x2] =	stream.indirect.gather [hbm4b:s22+s10], $0x20, s28, s10, $0xb8;
	[tilespmem:$0x16400] =	vst v63  }
0x49: {  	s25 =	sadd.s32 $0x800, s23  }
0x4a: {  	[tilespmem:s13], [sflag:$0x2] =	stream.indirect.gather [hbm4b:s22+s10], $0x20, s25, s10, $0xb8;
	[tilespmem:$0x16400] =	vst v63  }
0x4b: {  	s26 =	sadd.s32 $0x880, s23  }
0x4c: {  	[tilespmem:s14], [sflag:$0x2] =	stream.indirect.gather [hbm4b:s22+s10], $0x20, s26, s10, $0xb8;
	[tilespmem:$0x16400] =	vst v63  }
0x4d: {  	s28 =	sadd.s32 $0x900, s23  }
0x4e: {  	[tilespmem:s15], [sflag:$0x2] =	stream.indirect.gather [hbm4b:s22+s10], $0x20, s28, s10, $0xb8;
	[tilespmem:$0x16400] =	vst v63  }
0x4f: {  	s23 =	sadd.s32 $0x980, s23  }
0x50: {  	[tilespmem:s16], [sflag:$0x2] =	stream.indirect.gather [hbm4b:s22+s10], $0x20, s23, s10, $0xb8;
	[tilespmem:$0x16400] =	vst v63  }
0x51: {  	_ =	swait.ge [sflag:s17], $0x1000  }
0x52: {  	[sflag:s17] =	ssyncset.done $0x0  }
0x53: {  	[sflag:s17] =	ssyncadd.s32 $0xFFFFF000  }
0x54: {  	_ =	swait.ge [sflag:s17], $0x1000  }
0x55: {  	[sflag:s17] =	ssyncset.done $0x0  }
0x56: {  	[sflag:s17] =	ssyncadd.s32 $0xFFFFF000  }
0x57: {  	_ =	swait.ge [sflag:s17], $0x1000  }
0x58: {  	[sflag:s17] =	ssyncset.done $0x0  }
0x59: {  	[sflag:s17] =	ssyncadd.s32 $0xFFFFF000  }
0x5a: {  	_ =	swait.ge [sflag:s17], $0x1000  }
0x5b: {  	[sflag:s17] =	ssyncset.done $0x0  }
0x5c: {  	[sflag:s17] =	ssyncadd.s32 $0xFFFFF000  }
0x5d: {  	_ =	swait.ge [sflag:s17], $0x1000  }
0x5e: {  	[sflag:s17] =	ssyncset.done $0x0  }
0x5f: {  	[sflag:s17] =	ssyncadd.s32 $0xFFFFF000  }
0x60: {  	_ =	swait.ge [sflag:s17], $0x1000  }
0x61: {  	[sflag:s17] =	ssyncset.done $0x0  }
0x62: {  	[sflag:s17] =	ssyncadd.s32 $0xFFFFF000  }
0x63: {  	_ =	swait.ge [sflag:s17], $0x1000  }
0x64: {  	[sflag:s17] =	ssyncset.done $0x0  }
0x65: {  	[sflag:s17] =	ssyncadd.s32 $0xFFFFF000  }
0x66: {  	_ =	swait.ge [sflag:s17], $0x1000  }
0x67: {  	[sflag:s17] =	ssyncset.done $0x0  }
0x68: {  	[sflag:s17] =	ssyncadd.s32 $0xFFFFF000  }
0x69: {  	_ =	swait.ge [sflag:s17], $0x1000  }
0x6a: {  	[sflag:s17] =	ssyncset.done $0x0  }
0x6b: {  	[sflag:s17] =	ssyncadd.s32 $0xFFFFF000  }
0x6c: {  	_ =	swait.ge [sflag:s17], $0x1000  }
0x6d: {  	[sflag:s17] =	ssyncset.done $0x0  }
0x6e: {  	s22 =	simm.s32 $0x1680;
	[sflag:s17] =	ssyncadd.s32 $0xFFFFF000  }
0x6f: {  	v0 =	vld [tilespmem:s22+$0xFFFFFFF0]  }
0x70: {  	v1 =	vld [tilespmem:s22+$0xFFFFFF60]  }
0x71: {  	v2 =	vld [tilespmem:s22+$0xFFFFFEE0]  }
0x72: {  	v3 =	vld [tilespmem:s22+$0xFFFFFFE0]  }
0x73: {  	v4 =	vld [tilespmem:s22+$0xFFFFFFC0]  }
0x74: {  	v5 =	vld [tilespmem:s22+$0xFFFFFF00]  }
0x75: {  	v6 =	vld [tilespmem:s22+$0xFFFFFF20]  }
0x76: {  	v7 =	vld [tilespmem:s22+$0xFFFFFF40]  }
0x77: {  	v8 =	vld [tilespmem:s22+$0xFFFFFD80]  }
0x78: {  	v10 =	vld [tilespmem:s22+$0xFFFFFEC0]  }
0x79: {  	v11 =	vld [tilespmem:s22+$0xFFFFFEA0]  }
0x7a: {  	v12 =	vld [tilespmem:s22+$0xFFFFFE80]  }
0x7b: {  	v13 =	vld [tilespmem:s22+$0xFFFFFE60]  }
0x7c: {  	v14 =	vld [tilespmem:s22+$0xFFFFFE40]  }
0x7d: {  	v15 =	vld [tilespmem:s22+$0xFFFFFE20]  }
0x7e: {  	v16 =	vld [tilespmem:s22+$0xFFFFFE00]  }
0x7f: {  	v17 =	vld [tilespmem:s22+$0xFFFFFDE0]  }
0x80: {  	v18 =	vld [tilespmem:s22+$0xFFFFFDC0]  }
0x81: {  	v19 =	vld [tilespmem:s22+$0xFFFFFF70]  }
0x82: {  	v20 =	vld [tilespmem:s22+$0xFFFFFF50]  }
0x83: {  	v21 =	vld [tilespmem:s22+$0xFFFFFF30]  }
0x84: {  	v22 =	vld [tilespmem:s22+$0xFFFFFF10]  }
0x85: {  	v23 =	vld [tilespmem:s22+$0xFFFFFEF0]  }
0x86: {  	v24 =	vld [tilespmem:s22+$0xFFFFFED0]  }
0x87: {  	v25 =	vld [tilespmem:s22+$0xFFFFFEB0]  }
0x88: {  	v26 =	vld [tilespmem:s22+$0xFFFFFE90]  }
0x89: {  	v27 =	vld [tilespmem:s22+$0xFFFFFE70]  }
0x8a: {  	v28 =	vld [tilespmem:s22+$0xFFFFFE50]  }
0x8b: {  	v50 =	vld [tilespmem:s22+$0xFFFFFE10]  }
0x8c: {  	v51 =	vld [tilespmem:s22+$0xFFFFFDD0];
	v2 =	vadd.f32 v2, v10;
	v10 =	vadd.f32 v11, v12  }
0x8d: {  	v59 =	vld [tilespmem:s22+$0xFFFFFFD0];
	v48 =	vadd.f32 v13, v14;
	v49 =	vadd.f32 v15, v16  }
0x8e: {  	v54 =	vld [tilespmem:s22+$0xFFFFFDB0];
	v5 =	vadd.f32 v6, v5;
	v52 =	vadd.f32 v21, v22  }
0x8f: {  	v57 =	vld [tilespmem:s22+$0xFFFFFD90];
	v53 =	vadd.f32 v19, v20;
	v55 =	vadd.f32 v23, v24  }
0x90: {  	v11 =	vld [tilespmem:s22+$0xFFFFFE30];
	v56 =	vadd.f32 v25, v26;
	v1 =	vadd.f32 v1, v7  }
0x91: {  	v6 =	vld [tilespmem:s22+$0xFFFFFDF0];
	v58 =	vadd.f32 v27, v28;
	v3 =	vadd.f32 v3, v4  }
0x92: {  	v7 =	vld [tilespmem:s22+$0xFFFFFDA0];
	v0 =	vadd.f32 v0, v59;
	v2 =	vadd.f32 v2, v10  }
0x93: {  	v9 =	vld [tilespmem:s22+$0xFFFFFFA0];
	v10 =	vadd.f32 v17, v18;
	v1 =	vadd.f32 v1, v5  }
0x94: {  	v61 =	vld [tilespmem:s22+$0xFFFFFF90];
	v12 =	vadd.f32 v48, v49;
	v15 =	vadd.f32 v53, v52  }
0x95: {  	v5 =	vld [tilespmem:s22+$0xFFFFFFB0];
	v1 =	vadd.f32 v1, v2;
	v2 =	vadd.f32 v54, v57  }
0x96: {  	v62 =	vld [tilespmem:s22+$0xFFFFFF80];
	v11 =	vadd.f32 v11, v50;
	v6 =	vadd.f32 v6, v51  }
0x97: {  	v18 =	vadd.f32 v55, v56;
	v7 =	vadd.f32 v7, v8  }
0x98: {  	v2 =	vadd.f32 v6, v2;
	v4 =	vadd.f32 v58, v11  }
0x99: {  	v60 =	vadd.f32 v15, v18;
	v6 =	vadd.f32 v10, v7  }
0x9a: {  	v5 =	vadd.f32 v5, v61;
	v2 =	vadd.f32 v4, v2  }
0x9b: {  	v4 =	vadd.f32 v9, v62;
	v6 =	vadd.f32 v12, v6  }
0x9c: {  	v0 =	vadd.f32 v0, v5;
	v2 =	vadd.f32 v60, v2  }
0x9d: {  	v3 =	vadd.f32 v3, v4;
	v1 =	vadd.f32 v1, v6  }
0x9e: {  	v0 =	vadd.f32 v0, v2  }
0x9f: {  	s25 =	simm.s32 $0x0;
	v1 =	vadd.f32 v3, v1  }
0xa0: {  	[tilespmem:s25+$0x15410] =	vst v0  }
0xa1: {  	[tilespmem:s25+$0x15400] =	vst v1  }
0xa2: {  	v0 =	vld [tilespmem:s22+$0x0]  }
0xa3: {  	v3 =	vld [tilespmem:s22+$0x20]  }
0xa4: {  	v5 =	vld [tilespmem:s22+$0x1E0]  }
0xa5: {  	v6 =	vld [tilespmem:s22+$0x1C0]  }
0xa6: {  	v7 =	vld [tilespmem:s22+$0x1A0]  }
0xa7: {  	v9 =	vld [tilespmem:s22+$0x180]  }
0xa8: {  	v10 =	vld [tilespmem:s22+$0x160]  }
0xa9: {  	v11 =	vld [tilespmem:s22+$0x140]  }
0xaa: {  	v4 =	vld [tilespmem:s22+$0x120]  }
0xab: {  	v1 =	vld [tilespmem:s22+$0x1F0]  }
0xac: {  	v2 =	vld [tilespmem:s22+$0x1D0]  }
0xad: {  	v8 =	vld [tilespmem:s22+$0x1B0]  }
0xae: {  	v63 =	vadd.f32 v5, v6;
	v7 =	vadd.f32 v7, v9;
	v5 =	vld [tilespmem:s22+$0x170]  }
0xaf: {  	v0 =	vadd.f32 v3, v0;
	v9 =	vld [tilespmem:s22+$0x190]  }
0xb0: {  	s24 =	simm.s32 $0x1680;
	s23 =	simm.s32 $0x100;
	v6 =	vadd.f32 v10, v11;
	v3 =	vadd.f32 v63, v7;
	v7 =	vld [tilespmem:s22+$0xF0]  }
.LBB2_4:
0xb1: {  	p0 =	seq.s32 s23, $0x1F00  }
0xb2: {  	v10 =	vld [tilespmem:s22+$0x10];
	s24 =	sadd.s32 $0x500, s24;
	s26 =	smov.u32 s23;
	s23 =	sadd.s32 $0x100, s23  }
0xb3: {  	v11 =	vld [tilespmem:s22+$0x90]  }
0xb4: {  	v12 =	vld [tilespmem:s22+$0x70]  }
0xb5: {  	v13 =	vld [tilespmem:s22+$0x50];
	v8 =	vadd.f32 v8, v9  }
0xb6: {  	v9 =	vld [tilespmem:s22+$0x30]  }
0xb7: {  	v14 =	vld [tilespmem:s22+$0xD0]  }
0xb8: {  	v15 =	vld [tilespmem:s22+$0xB0]  }
0xb9: {  	v16 =	vld [tilespmem:s22+$0x270]  }
0xba: {  	v17 =	vld [tilespmem:s22+$0x250];
	v12 =	vadd.f32 v12, v13  }
0xbb: {  	v13 =	vld [tilespmem:s22+$0x230];
	v9 =	vadd.f32 v9, v10  }
0xbc: {  	v10 =	vld [tilespmem:s22+$0x210]  }
0xbd: {  	v7 =	vadd.f32 v7, v14;
	v18 =	vld [tilespmem:s22+$0x100];
	v11 =	vadd.f32 v15, v11  }
0xbe: {  	v14 =	vld [tilespmem:s22+$0xE0]  }
0xbf: {  	v15 =	vld [tilespmem:s22+$0x150];
	v16 =	vadd.f32 v16, v17;
	v7 =	vadd.f32 v7, v11  }
0xc0: {  	v11 =	vld [tilespmem:s22+$0x130]  }
0xc1: {  	v17 =	vld [tilespmem:s22+$0x110];
	v10 =	vadd.f32 v13, v10  }
0xc2: {  	v13 =	vld [tilespmem:s22+$0xC0];
	v4 =	vadd.f32 v4, v18  }
0xc3: {  	v18 =	vld [tilespmem:s22+$0xA0]  }
0xc4: {  	v19 =	vld [tilespmem:s22+$0x80];
	v4 =	vadd.f32 v6, v4;
	v5 =	vadd.f32 v5, v15  }
0xc5: {  	v1 =	vadd.f32 v1, v2;
	v6 =	vld [tilespmem:s22+$0x60]  }
0xc6: {  	v2 =	vld [tilespmem:s22+$0x40];
	v3 =	vadd.f32 v3, v4;
	v4 =	vadd.f32 v11, v17  }
0xc7: {  	v1 =	vadd.f32 v1, v8;
	v11 =	vld [tilespmem:s22+$0x260]  }
0xc8: {  	v9 =	vadd.f32 v12, v9;
	v8 =	vld [tilespmem:s22+$0x240];
	v4 =	vadd.f32 v5, v4  }
0xc9: {  	v5 =	vld [tilespmem:s22+$0x220];
	v12 =	vadd.f32 v18, v19  }
0xca: {  	v7 =	vadd.f32 v7, v9;
	v15 =	vld [tilespmem:s22+$0x200];
	v1 =	vadd.f32 v1, v4;
	s22 =	smov.u32 s24  }
0xcb: {  	v4 =	vadd.f32 v14, v13;
	v2 =	vadd.f32 v6, v2  }
0xcc: {  	v6 =	vadd.f32 v16, v10;
	v1 =	vadd.f32 v1, v7  }
0xcd: {  	v0 =	vadd.f32 v2, v0;
	v2 =	vadd.f32 v4, v12  }
0xce: {  	v4 =	vadd.f32 v11, v8;
	v1 =	vadd.f32 v6, v1  }
0xcf: {  	v5 =	vadd.f32 v5, v15;
	v0 =	vadd.f32 v2, v0  }
0xd0: {  	[tilespmem:s25+$0x15430] =	vst v1  }
0xd1: {  	v1 =	vadd.f32 v4, v5;
	v0 =	vadd.f32 v3, v0;
	_ =	sdelay $0x1  }
0xd2: {  	v0 =	vadd.f32 v1, v0;
	_ =	sdelay $0x1  }
0xd3: {  	[tilespmem:s25+$0x15420] =	vst v0  }
0xd4: {  	v0 =	vld [tilespmem:s24+$0xFFFFFFF0]  }
0xd5: {  	v1 =	vld [tilespmem:s24+$0xFFFFFF60]  }
0xd6: {  	v2 =	vld [tilespmem:s24+$0xFFFFFEE0]  }
0xd7: {  	v3 =	vld [tilespmem:s24+$0xFFFFFFE0]  }
0xd8: {  	v4 =	vld [tilespmem:s24+$0xFFFFFFC0]  }
0xd9: {  	v5 =	vld [tilespmem:s24+$0xFFFFFF00]  }
0xda: {  	v6 =	vld [tilespmem:s24+$0xFFFFFF20]  }
0xdb: {  	v7 =	vld [tilespmem:s24+$0xFFFFFF40]  }
0xdc: {  	v8 =	vld [tilespmem:s24+$0xFFFFFD80]  }
0xdd: {  	v9 =	vld [tilespmem:s24+$0xFFFFFFA0]  }
0xde: {  	v10 =	vld [tilespmem:s24+$0xFFFFFEC0]  }
0xdf: {  	v11 =	vld [tilespmem:s24+$0xFFFFFEA0]  }
0xe0: {  	v12 =	vld [tilespmem:s24+$0xFFFFFE80]  }
0xe1: {  	v5 =	vadd.f32 v6, v5;
	v13 =	vld [tilespmem:s24+$0xFFFFFE60]  }
0xe2: {  	v6 =	vld [tilespmem:s24+$0xFFFFFE40]  }
0xe3: {  	v14 =	vld [tilespmem:s24+$0xFFFFFE20];
	v2 =	vadd.f32 v2, v10  }
0xe4: {  	v10 =	vld [tilespmem:s24+$0xFFFFFE00]  }
0xe5: {  	v15 =	vld [tilespmem:s24+$0xFFFFFDE0];
	v11 =	vadd.f32 v11, v12  }
0xe6: {  	v12 =	vld [tilespmem:s24+$0xFFFFFDC0]  }
0xe7: {  	v6 =	vadd.f32 v13, v6;
	v2 =	vadd.f32 v2, v11;
	v11 =	vld [tilespmem:s24+$0xFFFFFF70]  }
0xe8: {  	v13 =	vld [tilespmem:s24+$0xFFFFFF50]  }
0xe9: {  	v10 =	vadd.f32 v14, v10;
	v14 =	vld [tilespmem:s24+$0xFFFFFF30]  }
0xea: {  	v16 =	vld [tilespmem:s24+$0xFFFFFF10]  }
0xeb: {  	v12 =	vadd.f32 v15, v12;
	v6 =	vadd.f32 v6, v10;
	v10 =	vld [tilespmem:s24+$0xFFFFFEF0]  }
0xec: {  	v15 =	vld [tilespmem:s24+$0xFFFFFED0]  }
0xed: {  	v17 =	vld [tilespmem:s24+$0xFFFFFEB0]  }
0xee: {  	v18 =	vld [tilespmem:s24+$0xFFFFFE90]  }
0xef: {  	v11 =	vadd.f32 v11, v13;
	v19 =	vld [tilespmem:s24+$0xFFFFFE70];
	v14 =	vadd.f32 v14, v16  }
0xf0: {  	v13 =	vld [tilespmem:s24+$0xFFFFFE50]  }
0xf1: {  	v16 =	vld [tilespmem:s24+$0xFFFFFE30];
	v10 =	vadd.f32 v10, v15;
	v11 =	vadd.f32 v11, v14  }
0xf2: {  	v14 =	vld [tilespmem:s24+$0xFFFFFE10]  }
0xf3: {  	v15 =	vld [tilespmem:s24+$0xFFFFFDF0];
	v17 =	vadd.f32 v17, v18  }
0xf4: {  	v18 =	vld [tilespmem:s24+$0xFFFFFDD0]  }
0xf5: {  	v20 =	vld [tilespmem:s24+$0xFFFFFDB0];
	v13 =	vadd.f32 v19, v13;
	v10 =	vadd.f32 v10, v17  }
0xf6: {  	v1 =	vadd.f32 v1, v7;
	v7 =	vld [tilespmem:s24+$0xFFFFFD90]  }
0xf7: {  	v17 =	vld [tilespmem:s24+$0xFFFFFDA0];
	v14 =	vadd.f32 v16, v14;
	v10 =	vadd.f32 v11, v10  }
0xf8: {  	v11 =	vld [tilespmem:s24+$0xFFFFFFD0]  }
0xf9: {  	v1 =	vadd.f32 v1, v5;
	v5 =	vld [tilespmem:s24+$0xFFFFFFB0];
	v15 =	vadd.f32 v15, v18  }
0xfa: {  	v16 =	vld [tilespmem:s24+$0xFFFFFF90]  }
0xfb: {  	v1 =	vadd.f32 v1, v2;
	v18 =	vld [tilespmem:s24+$0xFFFFFF80];
	v2 =	vadd.f32 v20, v7  }
0xfc: {  	v3 =	vadd.f32 v3, v4;
	v7 =	vadd.f32 v17, v8  }
0xfd: {  	v4 =	vadd.f32 v13, v14;
	v2 =	vadd.f32 v15, v2  }
0xfe: {  	v0 =	vadd.f32 v0, v11;
	v7 =	vadd.f32 v12, v7  }
0xff: {  	v5 =	vadd.f32 v5, v16;
	v2 =	vadd.f32 v4, v2  }
0x100: {  	v4 =	vadd.f32 v9, v18;
	v6 =	vadd.f32 v6, v7  }
0x101: {  	v0 =	vadd.f32 v0, v5;
	v2 =	vadd.f32 v10, v2  }
0x102: {  	v3 =	vadd.f32 v3, v4;
	v1 =	vadd.f32 v1, v6  }
0x103: {  	v0 =	vadd.f32 v0, v2  }
0x104: {  	s25 =	sshra.s32 s26, $0x2;
	v1 =	vadd.f32 v3, v1  }
0x105: {  	[tilespmem:s25+$0x15410] =	vst v0  }
0x106: {  	[tilespmem:s25+$0x15400] =	vst v1  }
0x107: {  	v0 =	vld [tilespmem:s24+$0x0]  }
0x108: {  	v1 =	vld [tilespmem:s24+$0x20]  }
0x109: {  	v2 =	vld [tilespmem:s24+$0x1E0]  }
0x10a: {  	v3 =	vld [tilespmem:s24+$0x1C0]  }
0x10b: {  	v5 =	vld [tilespmem:s24+$0x1A0]  }
0x10c: {  	v6 =	vld [tilespmem:s24+$0x180]  }
0x10d: {  	v7 =	vld [tilespmem:s24+$0x160];
	v0 =	vadd.f32 v1, v0  }
0x10e: {  	v9 =	vld [tilespmem:s24+$0x140]  }
0x10f: {  	v4 =	vld [tilespmem:s24+$0x120];
	v3 =	vadd.f32 v2, v3  }
0x110: {  	v1 =	vld [tilespmem:s24+$0x1F0]  }
.Ltmp5:
0x111: {  	v5 =	vadd.f32 v5, v6;
	v2 =	vld [tilespmem:s24+$0x1D0];
	(pc) =	sbr.rel @!p0 .LBB2_4-.Ltmp5, $4  }
0x112: {  	v8 =	vld [tilespmem:s24+$0x1B0]  }
0x113: {  	v6 =	vadd.f32 v7, v9;
	v3 =	vadd.f32 v3, v5;
	v5 =	vld [tilespmem:s24+$0x170]  }
0x114: {  	v9 =	vld [tilespmem:s24+$0x190]  }
0x115: {  	v7 =	vld [tilespmem:s24+$0xF0]  }
0x116: {  	v10 =	vld [tilespmem:s22+$0x10]  }
0x117: {  	v11 =	vld [tilespmem:s22+$0x90]  }
0x118: {  	v12 =	vld [tilespmem:s22+$0x70]  }
0x119: {  	v13 =	vld [tilespmem:s22+$0x50]  }
0x11a: {  	v14 =	vld [tilespmem:s22+$0x30]  }
0x11b: {  	v15 =	vld [tilespmem:s22+$0xD0]  }
0x11c: {  	v16 =	vld [tilespmem:s22+$0xB0]  }
0x11d: {  	v17 =	vld [tilespmem:s22+$0x270]  }
0x11e: {  	v18 =	vld [tilespmem:s22+$0x250]  }
0x11f: {  	v19 =	vld [tilespmem:s22+$0x230]  }
0x120: {  	v20 =	vld [tilespmem:s22+$0x210]  }
0x121: {  	v21 =	vld [tilespmem:s22+$0x100]  }
0x122: {  	v22 =	vld [tilespmem:s22+$0xE0]  }
0x123: {  	v23 =	vld [tilespmem:s22+$0x150]  }
0x124: {  	v24 =	vld [tilespmem:s22+$0x130]  }
0x125: {  	v25 =	vld [tilespmem:s22+$0x110]  }
0x126: {  	v48 =	vld [tilespmem:s22+$0xC0]  }
0x127: {  	v49 =	vld [tilespmem:s22+$0xA0]  }
0x128: {  	v50 =	vld [tilespmem:s22+$0x80]  }
0x129: {  	v52 =	vld [tilespmem:s22+$0x60]  }
0x12a: {  	v1 =	vadd.f32 v1, v2;
	v55 =	vld [tilespmem:s22+$0x260]  }
0x12b: {  	v56 =	vld [tilespmem:s22+$0x240];
	v8 =	vadd.f32 v8, v9;
	v12 =	vadd.f32 v12, v13  }
0x12c: {  	v58 =	vld [tilespmem:s22+$0x220];
	v11 =	vadd.f32 v16, v11;
	v7 =	vadd.f32 v7, v15  }
0x12d: {  	v60 =	vld [tilespmem:s22+$0x200];
	v4 =	vadd.f32 v4, v21;
	v10 =	vadd.f32 v14, v10  }
0x12e: {  	v53 =	vld [tilespmem:s22+$0x40];
	v51 =	vadd.f32 v17, v18;
	v54 =	vadd.f32 v19, v20  }
0x12f: {  	v5 =	vadd.f32 v5, v23;
	v57 =	vadd.f32 v24, v25  }
0x130: {  	v1 =	vadd.f32 v1, v8;
	v59 =	vadd.f32 v49, v50  }
0x131: {  	v9 =	vadd.f32 v22, v48;
	v2 =	vadd.f32 v55, v56  }
0x132: {  	v62 =	vadd.f32 v58, v60;
	v7 =	vadd.f32 v7, v11  }
0x133: {  	v4 =	vadd.f32 v6, v4;
	v6 =	vadd.f32 v52, v53  }
0x134: {  	v10 =	vadd.f32 v12, v10;
	v5 =	vadd.f32 v5, v57  }
0x135: {  	v61 =	vadd.f32 v9, v59;
	v0 =	vadd.f32 v6, v0  }
0x136: {  	v7 =	vadd.f32 v7, v10;
	v1 =	vadd.f32 v1, v5  }
0x137: {  	v3 =	vadd.f32 v3, v4;
	v0 =	vadd.f32 v61, v0  }
0x138: {  	v63 =	vadd.f32 v51, v54;
	v1 =	vadd.f32 v1, v7  }
.Ltmp6:
0x139: {  	v2 =	vadd.f32 v2, v62;
	v0 =	vadd.f32 v3, v0;
	(pc) =	sbr.rel .LBB2_9-.Ltmp6, $4  }
0x13a: {  	v1 =	vadd.f32 v63, v1  }
0x13b: {  	v0 =	vadd.f32 v2, v0  }
0x13c: {  	[tilespmem:s25+$0x15430] =	vst v1  }
0x13d: {  	[tilespmem:s25+$0x15420] =	vst v0  }
.LBB2_6:
0x13e: {  	s24 =	simm.s32 @!p0 $0x3  }
0x13f: {  	s25 =	sand.u32 @!p0 $0x1, s23;
	s23 =	smul.u32 @!p0 $0x61A80, s23;
	s26 =	simm.s32 @!p0 $0x1400  }
0x140: {  	_ =	swait.ge @!p0 [sflag:s24], $0xA00;
	p1 =	seq.s32 @!p0 s25, $0x1;
	s25 =	simm.s32 @!p0 $0xA00  }
0x141: {  	[sflag:s24] =	ssyncset.done @!p0 $0x0;
	p1 =	por !p1, p0;
	s23 =	sadd.s32 @!p0 s4, s23  }
0x142: {  	[sflag:s24] =	ssyncadd.s32 @!p0 $0xFFFFF600;
	s25 =	simm.s32 @p1 $0x0;
	s24 =	simm.s32 @!p0 $0x80  }
0x143: {  	[tilespmem:s26], [sflag:$0x1] =	stream.indirect.gather @!p0 [hbm4b:s23+s24], $0x20, s25, s24, $0xb8;
	[tilespmem:$0x16400] =	vst v63  }
0x144: {  	s28 =	simm.s32 @!p0 $0x2400;
	s26 =	sor.u32 @!p0 $0x80, s25  }
0x145: {  	[tilespmem:s28], [sflag:$0x1] =	stream.indirect.gather @!p0 [hbm4b:s23+s24], $0x20, s26, s24, $0xb8;
	[tilespmem:$0x16400] =	vst v63  }
0x146: {  	s26 =	sor.u32 @!p0 $0x100, s25;
	s28 =	simm.s32 @!p0 $0x3400  }
0x147: {  	[tilespmem:s28], [sflag:$0x1] =	stream.indirect.gather @!p0 [hbm4b:s23+s24], $0x20, s26, s24, $0xb8;
	[tilespmem:$0x16400] =	vst v63  }
0x148: {  	s26 =	sor.u32 @!p0 $0x180, s25;
	s28 =	simm.s32 @!p0 $0x4400  }
0x149: {  	[tilespmem:s28], [sflag:$0x1] =	stream.indirect.gather @!p0 [hbm4b:s23+s24], $0x20, s26, s24, $0xb8;
	[tilespmem:$0x16400] =	vst v63  }
0x14a: {  	s26 =	sadd.s32 @!p0 $0x200, s25;
	s28 =	simm.s32 @!p0 $0x5400  }
0x14b: {  	[tilespmem:s28], [sflag:$0x1] =	stream.indirect.gather @!p0 [hbm4b:s23+s24], $0x20, s26, s24, $0xb8;
	[tilespmem:$0x16400] =	vst v63  }
0x14c: {  	s26 =	sadd.s32 @!p0 $0x280, s25;
	s28 =	simm.s32 @!p0 $0x6400  }
0x14d: {  	[tilespmem:s28], [sflag:$0x1] =	stream.indirect.gather @!p0 [hbm4b:s23+s24], $0x20, s26, s24, $0xb8;
	[tilespmem:$0x16400] =	vst v63  }
0x14e: {  	s26 =	sadd.s32 @!p0 $0x300, s25;
	s28 =	simm.s32 @!p0 $0x7400  }
0x14f: {  	[tilespmem:s28], [sflag:$0x1] =	stream.indirect.gather @!p0 [hbm4b:s23+s24], $0x20, s26, s24, $0xb8;
	[tilespmem:$0x16400] =	vst v63  }
0x150: {  	s26 =	sadd.s32 @!p0 $0x380, s25;
	s28 =	simm.s32 @!p0 $0x8400  }
0x151: {  	[tilespmem:s28], [sflag:$0x1] =	stream.indirect.gather @!p0 [hbm4b:s23+s24], $0x20, s26, s24, $0xb8;
	[tilespmem:$0x16400] =	vst v63  }
0x152: {  	s26 =	sor.u32 @!p0 $0x400, s25;
	s28 =	simm.s32 @!p0 $0x9400  }
0x153: {  	[tilespmem:s28], [sflag:$0x1] =	stream.indirect.gather @!p0 [hbm4b:s23+s24], $0x20, s26, s24, $0xb8;
	[tilespmem:$0x16400] =	vst v63  }
0x154: {  	s25 =	sor.u32 @!p0 $0x480, s25;
	s26 =	simm.s32 @!p0 $0xA400  }
0x155: {  	[tilespmem:s26], [sflag:$0x1] =	stream.indirect.gather @!p0 [hbm4b:s23+s24], $0x20, s25, s24, $0xb8;
	[tilespmem:$0x16400] =	vst v63  }
0x156: {  	_ =	swait.ge [sflag:s18], $0x1000  }
0x157: {  	[sflag:s18] =	ssyncset.done $0x0  }
0x158: {  	[sflag:s18] =	ssyncadd.s32 $0xFFFFF000  }
0x159: {  	_ =	swait.ge [sflag:s18], $0x1000  }
0x15a: {  	[sflag:s18] =	ssyncset.done $0x0  }
0x15b: {  	[sflag:s18] =	ssyncadd.s32 $0xFFFFF000  }
0x15c: {  	_ =	swait.ge [sflag:s18], $0x1000  }
0x15d: {  	[sflag:s18] =	ssyncset.done $0x0  }
0x15e: {  	[sflag:s18] =	ssyncadd.s32 $0xFFFFF000  }
0x15f: {  	_ =	swait.ge [sflag:s18], $0x1000  }
0x160: {  	[sflag:s18] =	ssyncset.done $0x0  }
0x161: {  	[sflag:s18] =	ssyncadd.s32 $0xFFFFF000  }
0x162: {  	_ =	swait.ge [sflag:s18], $0x1000  }
0x163: {  	[sflag:s18] =	ssyncset.done $0x0  }
0x164: {  	[sflag:s18] =	ssyncadd.s32 $0xFFFFF000  }
0x165: {  	_ =	swait.ge [sflag:s18], $0x1000  }
0x166: {  	[sflag:s18] =	ssyncset.done $0x0  }
0x167: {  	[sflag:s18] =	ssyncadd.s32 $0xFFFFF000  }
0x168: {  	_ =	swait.ge [sflag:s18], $0x1000  }
0x169: {  	[sflag:s18] =	ssyncset.done $0x0  }
0x16a: {  	[sflag:s18] =	ssyncadd.s32 $0xFFFFF000  }
0x16b: {  	_ =	swait.ge [sflag:s18], $0x1000  }
0x16c: {  	[sflag:s18] =	ssyncset.done $0x0  }
0x16d: {  	[sflag:s18] =	ssyncadd.s32 $0xFFFFF000  }
0x16e: {  	_ =	swait.ge [sflag:s18], $0x1000  }
0x16f: {  	[sflag:s18] =	ssyncset.done $0x0  }
0x170: {  	[sflag:s18] =	ssyncadd.s32 $0xFFFFF000  }
0x171: {  	_ =	swait.ge [sflag:s18], $0x1000  }
0x172: {  	[sflag:s18] =	ssyncset.done $0x0  }
0x173: {  	s23 =	simm.s32 $0x0;
	s24 =	simm.s32 $0x15C30;
	[sflag:s18] =	ssyncadd.s32 $0xFFFFF000  }
.LBB2_7:
0x174: {  	s25 =	sshra.s32 s23, $0x2  }
0x175: {  	v0 =	vld [tilespmem:s25+$0xB400]  }
0x176: {  	v1 =	vld [tilespmem:s25+$0xB420]  }
0x177: {  	v2 =	vld [tilespmem:s25+$0xB440]  }
0x178: {  	v3 =	vld [tilespmem:s25+$0xB460]  }
0x179: {  	v4 =	vld [tilespmem:s25+$0xB480]  }
0x17a: {  	v5 =	vld [tilespmem:s25+$0xB4A0]  }
0x17b: {  	v6 =	vld [tilespmem:s25+$0xB4C0]  }
0x17c: {  	v7 =	vld [tilespmem:s25+$0xB4E0]  }
0x17d: {  	v8 =	vld [tilespmem:s25+$0xB500]  }
0x17e: {  	v9 =	vld [tilespmem:s25+$0xB520]  }
0x17f: {  	v10 =	vld [tilespmem:s25+$0xB540]  }
0x180: {  	v11 =	vld [tilespmem:s25+$0xB560]  }
0x181: {  	v12 =	vld [tilespmem:s25+$0xB580]  }
0x182: {  	v13 =	vld [tilespmem:s25+$0xB5A0]  }
0x183: {  	v14 =	vld [tilespmem:s25+$0xB5C0]  }
0x184: {  	v15 =	vld [tilespmem:s25+$0xB5E0]  }
0x185: {  	v16 =	vld [tilespmem:s25+$0xB600]  }
0x186: {  	v17 =	vld [tilespmem:s25+$0xB620]  }
0x187: {  	v18 =	vld [tilespmem:s25+$0xB640]  }
0x188: {  	v19 =	vld [tilespmem:s25+$0xB660]  }
0x189: {  	v20 =	vld [tilespmem:s25+$0xB410]  }
0x18a: {  	v21 =	vld [tilespmem:s25+$0xB430]  }
0x18b: {  	v22 =	vld [tilespmem:s25+$0xB450]  }
0x18c: {  	v23 =	vld [tilespmem:s25+$0xB470]  }
0x18d: {  	v24 =	vld [tilespmem:s25+$0xB490]  }
0x18e: {  	v25 =	vld [tilespmem:s25+$0xB4B0]  }
0x18f: {  	v26 =	vld [tilespmem:s25+$0xB4D0]  }
0x190: {  	v27 =	vld [tilespmem:s25+$0xB4F0]  }
0x191: {  	v28 =	vld [tilespmem:s25+$0xB510]  }
0x192: {  	v29 =	vld [tilespmem:s25+$0xB530]  }
0x193: {  	v43 =	vld [tilespmem:s25+$0xB550]  }
0x194: {  	v46 =	vld [tilespmem:s25+$0xB570]  }
0x195: {  	v49 =	vld [tilespmem:s25+$0xB590]  }
0x196: {  	v52 =	vld [tilespmem:s25+$0xB5B0];
	v0 =	vadd.f32 v1, v0;
	v42 =	vadd.f32 v3, v2  }
0x197: {  	v54 =	vld [tilespmem:s25+$0xB5D0];
	v44 =	vadd.f32 v5, v4;
	v45 =	vadd.f32 v7, v6  }
0x198: {  	v57 =	vld [tilespmem:s25+$0xB5F0];
	v47 =	vadd.f32 v9, v8;
	v48 =	vadd.f32 v11, v10  }
0x199: {  	v60 =	vld [tilespmem:s25+$0xB610];
	v50 =	vadd.f32 v13, v12;
	v51 =	vadd.f32 v15, v14  }
0x19a: {  	v62 =	vld [tilespmem:s25+$0xB630];
	v58 =	vadd.f32 v17, v16;
	v59 =	vadd.f32 v19, v18  }
0x19b: {  	v21 =	vadd.f32 v21, v20;
	v22 =	vadd.f32 v23, v22  }
0x19c: {  	v25 =	vadd.f32 v25, v24;
	v27 =	vadd.f32 v27, v26  }
0x19d: {  	v28 =	vadd.f32 v29, v28;
	v2 =	vadd.f32 v46, v43  }
0x19e: {  	v29 =	vadd.f32 v52, v49;
	v3 =	vadd.f32 v57, v54  }
0x19f: {  	v63 =	vld [tilespmem:s25+$0xB650];
	v4 =	vadd.f32 v62, v60;
	v0 =	vadd.f32 v42, v0  }
0x1a0: {  	v23 =	vld [tilespmem:s25+$0xB670];
	v53 =	vadd.f32 v45, v44;
	v55 =	vadd.f32 v48, v47  }
0x1a1: {  	v56 =	vadd.f32 v51, v50;
	v30 =	vadd.f32 v22, v21  }
0x1a2: {  	v31 =	vadd.f32 v27, v25;
	v2 =	vadd.f32 v2, v28  }
0x1a3: {  	v3 =	vadd.f32 v3, v29;
	v0 =	vadd.f32 v53, v0  }
0x1a4: {  	v61 =	vadd.f32 v56, v55;
	v33 =	vadd.f32 v31, v30  }
0x1a5: {  	v2 =	vadd.f32 v3, v2;
	v32 =	vadd.f32 v23, v63  }
0x1a6: {  	v34 =	vadd.f32 v59, v58;
	v0 =	vadd.f32 v61, v0  }
0x1a7: {  	v2 =	vadd.f32 v2, v33;
	v35 =	vadd.f32 v32, v4  }
0x1a8: {  	v0 =	vadd.f32 v34, v0  }
0x1a9: {  	v1 =	vadd.f32 v35, v2  }
0x1aa: {  	[tilespmem:s24+$0xFFFFFFD0] =	vst v0  }
0x1ab: {  	[tilespmem:s24+$0xFFFFFFE0] =	vst v1  }
0x1ac: {  	v0 =	vld [tilespmem:s25+$0xB680]  }
0x1ad: {  	v1 =	vld [tilespmem:s25+$0xB6A0]  }
0x1ae: {  	v36 =	vld [tilespmem:s25+$0xB6C0]  }
0x1af: {  	v37 =	vld [tilespmem:s25+$0xB6E0]  }
0x1b0: {  	v38 =	vld [tilespmem:s25+$0xB700]  }
0x1b1: {  	v39 =	vld [tilespmem:s25+$0xB720]  }
0x1b2: {  	v40 =	vld [tilespmem:s25+$0xB740]  }
0x1b3: {  	v41 =	vld [tilespmem:s25+$0xB760]  }
0x1b4: {  	v42 =	vld [tilespmem:s25+$0xB780]  }
0x1b5: {  	v43 =	vld [tilespmem:s25+$0xB7A0]  }
0x1b6: {  	v44 =	vld [tilespmem:s25+$0xB7C0]  }
0x1b7: {  	v45 =	vld [tilespmem:s25+$0xB7E0]  }
0x1b8: {  	v46 =	vld [tilespmem:s25+$0xB800]  }
0x1b9: {  	v47 =	vld [tilespmem:s25+$0xB820]  }
0x1ba: {  	v48 =	vld [tilespmem:s25+$0xB840]  }
0x1bb: {  	v49 =	vld [tilespmem:s25+$0xB860]  }
0x1bc: {  	v50 =	vld [tilespmem:s25+$0xB880]  }
0x1bd: {  	v51 =	vld [tilespmem:s25+$0xB8A0]  }
0x1be: {  	v52 =	vld [tilespmem:s25+$0xB8C0]  }
0x1bf: {  	v53 =	vld [tilespmem:s25+$0xB8E0]  }
0x1c0: {  	v54 =	vld [tilespmem:s25+$0xB690]  }
0x1c1: {  	v55 =	vld [tilespmem:s25+$0xB6B0]  }
0x1c2: {  	v56 =	vld [tilespmem:s25+$0xB6D0]  }
0x1c3: {  	v57 =	vld [tilespmem:s25+$0xB6F0]  }
0x1c4: {  	v58 =	vld [tilespmem:s25+$0xB710]  }
0x1c5: {  	v59 =	vld [tilespmem:s25+$0xB730]  }
0x1c6: {  	v60 =	vld [tilespmem:s25+$0xB750]  }
0x1c7: {  	v61 =	vld [tilespmem:s25+$0xB770]  }
0x1c8: {  	v62 =	vld [tilespmem:s25+$0xB790]  }
0x1c9: {  	v63 =	vld [tilespmem:s25+$0xB7B0];
	v0 =	vadd.f32 v1, v0;
	v31 =	vadd.f32 v37, v36  }
0x1ca: {  	v32 =	vld [tilespmem:s25+$0xB7D0];
	v33 =	vadd.f32 v39, v38;
	v34 =	vadd.f32 v41, v40  }
0x1cb: {  	v35 =	vld [tilespmem:s25+$0xB7F0];
	v36 =	vadd.f32 v43, v42;
	v37 =	vadd.f32 v45, v44  }
0x1cc: {  	v38 =	vld [tilespmem:s25+$0xB810];
	v39 =	vadd.f32 v47, v46;
	v40 =	vadd.f32 v49, v48  }
0x1cd: {  	v41 =	vld [tilespmem:s25+$0xB830];
	v47 =	vadd.f32 v51, v50;
	v48 =	vadd.f32 v53, v52  }
0x1ce: {  	v43 =	vld [tilespmem:s25+$0xB850];
	v52 =	vadd.f32 v55, v54;
	v53 =	vadd.f32 v57, v56  }
0x1cf: {  	v46 =	vld [tilespmem:s25+$0xB870];
	v55 =	vadd.f32 v59, v58;
	v57 =	vadd.f32 v61, v60  }
0x1d0: {  	v49 =	vld [tilespmem:s25+$0xB890];
	v58 =	vadd.f32 v63, v62;
	v2 =	vadd.f32 v35, v32  }
0x1d1: {  	v51 =	vld [tilespmem:s25+$0xB8B0];
	v0 =	vadd.f32 v31, v0;
	v42 =	vadd.f32 v34, v33  }
0x1d2: {  	v54 =	vld [tilespmem:s25+$0xB8D0];
	v44 =	vadd.f32 v37, v36;
	v45 =	vadd.f32 v40, v39  }
0x1d3: {  	v56 =	vld [tilespmem:s25+$0xB8F0];
	v6 =	vadd.f32 v53, v52;
	v60 =	vadd.f32 v57, v55  }
0x1d4: {  	v59 =	vadd.f32 v41, v38;
	v3 =	vadd.f32 v46, v43  }
0x1d5: {  	v2 =	vadd.f32 v2, v58;
	v0 =	vadd.f32 v42, v0  }
0x1d6: {  	v50 =	vadd.f32 v45, v44;
	v3 =	vadd.f32 v3, v59  }
0x1d7: {  	v6 =	vadd.f32 v60, v6;
	v4 =	vadd.f32 v51, v49  }
0x1d8: {  	v61 =	vadd.f32 v56, v54;
	v2 =	vadd.f32 v3, v2  }
0x1d9: {  	p0 =	sne.s32 s23, $0x26C00;
	v62 =	vadd.f32 v48, v47;
	v0 =	vadd.f32 v50, v0  }
.Ltmp7:
0x1da: {  	v63 =	vadd.f32 v61, v4;
	v2 =	vadd.f32 v2, v6;
	(pc) =	sbr.rel @p0 .LBB2_7-.Ltmp7, $4  }
0x1db: {  	v0 =	vadd.f32 v62, v0  }
0x1dc: {  	v1 =	vadd.f32 v63, v2  }
0x1dd: {  	[tilespmem:s24+$0xFFFFFFF0] =	vst v0  }
0x1de: {  	s23 =	sadd.s32 $0x1400, s23;
	[tilespmem:s24+$0x0] =	vst v1;
	s24 =	sadd.s32 $0x40, s24  }
0x1df: {  	s22 =	sshll.u32 s22, $0xE  }
.Ltmp8:
0x1e0: {  	s22 =	sadd.s32 s22, s7;
	(pc) =	sbr.rel .LBB2_9-.Ltmp8, $4  }
0x1e1: {  	[hbm4b:s22+s2] =	stream.linear.scatter [tilespmem:s19], [sflag:$0x4], $0x1000, $0x38;
	[tilespmem:$0x16400] =	vst v63  }
0x1e2: {  	_ =	swait.ge [sflag:s9], $0x1000  }
0x1e3: {  	[sflag:s9] =	ssyncset.done $0x0  }
0x1e4: {  	[sflag:s9] =	ssyncadd.s32 $0xFFFFF000  }
.LBB2_11:
0x1e5: {  	_ =	sfence.sel $0x180000  }
0x1e6: {  	[bflag:$0x0] =	sbarrier.arrive $0xFFFF  }
0x1e7: {  	_ =	strace $0x90000047  }
0x1e8: {  	s0 =	stileid.u32;
	[bflag:$0x2] =	sbarrier.arrive $0xFFFF  }
0x1e9: {  	p0 =	sne.s32 s0, $0x0;
	s0 =	rddreg [dreg:$0x2]  }
0x1ea: {  	s0 =	sadd.s32 @!p0 $0x100000, s0  }
0x1eb: {  	[sflag:s0] =	ssyncadd.tile.s32 @!p0 $0x1;
	_ =	shalt  }
.Lfunc_end2:
_tile_overlayer_lowered:
.L_overlay_start_2:
0x1ec: {  	(tag) =	ssettag $0x2  }
0x1ed: {  	s0 =	rddreg [dreg:$0x0];
	s2 =	stileid.u32  }
0x1ee: {  	s1 =	rddreg [dreg:$0x1];
	p0 =	sne.s32 s2, $0x0  }
0x1ef: {  	s3 =	rddreg [dreg:$0x2];
	[bflag:$0x3] =	sbarrier.arrive $0xFFFF;
	s2 =	simm.s32 @!p0 $0x1C04  }
0x1f0: {  	[timem:s3], [sflag:s2] =	dma.local @!p0 [hbm:s0], s1  }
0x1f1: {  	s0 =	simm.s32 @!p0 $0x4  }
0x1f2: {  	_ =	swait.ge @!p0 [sflag:s0], s1  }
0x1f3: {  	s1 =	ssub.s32 @!p0 $0x0, s1;
	[sflag:s0] =	ssyncset.done @!p0 $0x0  }
0x1f4: {  	[sflag:s0] =	ssyncadd.s32 @!p0 s1  }
0x1f5: {  	[bflag:$0x3] =	sbarrier.arrive $0xFFFF  }
0x1f6: {  	_ =	shalt  }

</sc_bundles>
